<compile_context>
chip_gen: v7x
topology: tpu7x:2x2x1
jax: 0.10.2.dev20260603
libtpu: 0.0.44.dev20260713+nightly
codegen_flags: <defaults>
</compile_context>

<pallas_src>
import functools

import jax
import jax.numpy as jnp
from jax import lax
from jax.experimental import pallas as pl
from jax.experimental.pallas import tpu as pltpu
import jax.experimental.pallas.tpu_sc as plsc

B, N, M, K = 2, 10000, 512, 16
PE, H, CF = 128, 64, 256
NBLK = 2000
NB = N // NBLK
MBLK = 128
MB = M // MBLK
EBLK = 256
EB = M // EBLK

_NEG = -1e30
_INF = 3e38


def _ln(x):
    mu = jnp.mean(x, axis=-1, keepdims=True)
    v = jnp.mean((x - mu) * (x - mu), axis=-1, keepdims=True)
    return (x - mu) / jnp.sqrt(v + 1e-5)


def _dotT(a, b):
    return lax.dot_general(a, b, (((0,), (0,)), ((), ())),
                           preferred_element_type=jnp.float32)


def _stream_body(x_ref, Ws1_ref, bs1_ref, Wss_ref, Wf1_ref, bf1_ref,
                 Wf2_ref, bf2_ref, Wpe_ref, bpe_ref,
                 Wsr_ref, bsr_ref, Wk1_ref, bk1_ref, Wk2_ref, bk2_ref,
                 table_ref, skt_ref, rt_ref, skemb_ref, skf0_ref,
                 mx_ref, s_ref, accp_ref, accf_ref):
    nb = pl.program_id(1)

    @pl.when(nb == 0)
    def _init():
        mx_ref[...] = jnp.full((1, M), _NEG, jnp.float32)
        s_ref[...] = jnp.zeros((1, M), jnp.float32)
        accp_ref[...] = jnp.zeros((3, M), jnp.float32)
        accf_ref[...] = jnp.zeros((H, M), jnp.float32)

    xb = x_ref[0]
    feat = jax.nn.relu(
        jnp.dot(xb, Ws1_ref[...], preferred_element_type=jnp.float32)
        + bs1_ref[...])
    z = jnp.dot(feat, Wss_ref[...],
                preferred_element_type=jnp.float32)

    mx_old = mx_ref[...]
    mx_new = jnp.maximum(mx_old, jnp.max(z, axis=0, keepdims=True))
    scale = jnp.exp(mx_old - mx_new)
    e = jnp.exp(z - mx_new)
    s_new = s_ref[...] * scale + jnp.sum(e, axis=0, keepdims=True)
    accp_new = accp_ref[...] * scale + _dotT(xb, e)
    accf_new = accf_ref[...] * scale + _dotT(feat, e)
    mx_ref[...] = mx_new
    s_ref[...] = s_new
    accp_ref[...] = accp_new
    accf_ref[...] = accf_new

    h1 = jax.nn.relu(
        jnp.dot(xb, Wf1_ref[...], preferred_element_type=jnp.float32)
        + bf1_ref[...])
    sff = jnp.dot(h1, Wf2_ref[...],
                  preferred_element_type=jnp.float32) + bf2_ref[...]
    pe = jnp.dot(xb, Wpe_ref[...],
                 preferred_element_type=jnp.float32) + bpe_ref[...]
    table_ref[0, :, 0:PE] = pe
    table_ref[0, :, PE:PE + CF] = sff

    @pl.when(nb == NB - 1)
    def _fin():
        skt = accp_new / s_new
        skft = accf_new / s_new
        skt_ref[0] = skt
        rz = _dotT(Wsr_ref[...], skft) + bsr_ref[...][0]
        rt = jnp.maximum(rz, 0.0) + jnp.log1p(jnp.exp(-jnp.abs(rz)))
        rt_ref[0] = rt
        skemb_ref[0] = _dotT(skt, Wpe_ref[...]) + bpe_ref[...]
        cat = jnp.concatenate([skt, rt], axis=0)
        h = jax.nn.relu(_dotT(cat, Wk1_ref[...]) + bk1_ref[...])
        skf0_ref[0] = jnp.dot(h, Wk2_ref[...],
                              preferred_element_type=jnp.float32) + bk2_ref[...]


def _run_stream(x, W_s1, b_s1, W_ss, W_f1, b_f1, W_f2, b_f2, W_pe, b_pe,
                W_sr, b_sr, W_k1, b_k1, W_k2, b_k2):
    wspec = lambda shp: pl.BlockSpec(shp, lambda b, nb: (0,) * len(shp))
    cspec = lambda shp: pl.BlockSpec(shp, lambda b, nb: (b, 0, 0))
    return pl.pallas_call(
        _stream_body,
        grid=(B, NB),
        in_specs=[
            pl.BlockSpec((1, NBLK, 3), lambda b, nb: (b, nb, 0)),
            wspec((3, H)), wspec((H,)), wspec((H, M)),
            wspec((3, PE)), wspec((PE,)), wspec((PE, CF)), wspec((CF,)),
            wspec((3, PE)), wspec((PE,)),
            wspec((H, 1)), wspec((1,)),
            wspec((4, PE)), wspec((PE,)), wspec((PE, CF)), wspec((CF,)),
        ],
        out_specs=[
            pl.BlockSpec((1, NBLK, PE + CF), lambda b, nb: (b, nb, 0)),
            cspec((1, 3, M)), cspec((1, 1, M)),
            cspec((1, M, PE)), cspec((1, M, CF)),
        ],
        out_shape=[
            jax.ShapeDtypeStruct((B, N, PE + CF), jnp.float32),
            jax.ShapeDtypeStruct((B, 3, M), jnp.float32),
            jax.ShapeDtypeStruct((B, 1, M), jnp.float32),
            jax.ShapeDtypeStruct((B, M, PE), jnp.float32),
            jax.ShapeDtypeStruct((B, M, CF), jnp.float32),
        ],
        scratch_shapes=[
            pltpu.VMEM((1, M), jnp.float32),
            pltpu.VMEM((1, M), jnp.float32),
            pltpu.VMEM((3, M), jnp.float32),
            pltpu.VMEM((H, M), jnp.float32),
        ],
    )(x, W_s1, b_s1, W_ss, W_f1, b_f1, W_f2, b_f2, W_pe, b_pe,
      W_sr, b_sr, W_k1, b_k1, W_k2, b_k2)


def _topk_body(sk_ref, xt_ref, idx_ref):
    sk = sk_ref[0]
    xt = xt_ref[0]
    d2 = ((sk[:, 0:1] - xt[0:1, :]) ** 2
          + (sk[:, 1:2] - xt[1:2, :]) ** 2) \
        + (sk[:, 2:3] - xt[2:3, :]) ** 2
    iota = lax.broadcasted_iota(jnp.int32, (MBLK, N), 1)
    cols = []
    for _ in range(K):
        vmin = jnp.min(d2, axis=1, keepdims=True)
        cand = jnp.where(d2 == vmin, iota, N)
        ik = jnp.min(cand, axis=1, keepdims=True)
        cols.append(ik)
        d2 = jnp.where(iota == ik, _INF, d2)
    idx_ref[0] = jnp.concatenate(cols, axis=1)


def _run_topk(sk, x_t):
    return pl.pallas_call(
        _topk_body,
        grid=(B, MB),
        in_specs=[
            pl.BlockSpec((1, MBLK, 3), lambda b, mb: (b, mb, 0)),
            pl.BlockSpec((1, 3, N), lambda b, mb: (b, 0, 0)),
        ],
        out_specs=pl.BlockSpec((1, MBLK, K), lambda b, mb: (b, mb, 0)),
        out_shape=jax.ShapeDtypeStruct((B, M, K), jnp.int32),
    )(sk, x_t)


ROWS = B * M * K
NW = 32
RPW = ROWS // NW
CH = 128
NCH = RPW // CH


def _gather_sc(idx_flat, table_flat):
    mesh = plsc.VectorSubcoreMesh(core_axis_name="c", subcore_axis_name="s")

    @functools.partial(
        pl.kernel,
        out_type=jax.ShapeDtypeStruct((ROWS, PE + CF), jnp.float32),
        mesh=mesh,
        scratch_types=[
            pltpu.VMEM((RPW,), jnp.int32),
            pltpu.VMEM((CH, PE + CF), jnp.float32),
            pltpu.VMEM((CH, PE + CF), jnp.float32),
            pltpu.SemaphoreType.DMA,
            pltpu.SemaphoreType.DMA,
        ],
    )
    def k(idx_hbm, table_hbm, out_hbm, idx_v, rows0, rows1, sem0, sem1):
        wid = lax.axis_index("s") * 2 + lax.axis_index("c")
        base = wid * RPW
        bofs = (base // (M * K)) * N
        pltpu.sync_copy(idx_hbm.at[pl.ds(base, RPW)], idx_v)
        for i in range(RPW // 16):
            sl = pl.ds(i * 16, 16)
            idx_v[sl] = idx_v[sl] + bofs
        rows = (rows0, rows1)
        sems = (sem0, sem1)
        cps = [None] * NCH
        for c in range(2):
            cps[c] = pltpu.async_copy(
                table_hbm.at[idx_v.at[pl.ds(c * CH, CH)]], rows[c % 2],
                sems[c % 2])
        for c in range(NCH):
            cps[c].wait()
            pltpu.sync_copy(rows[c % 2], out_hbm.at[pl.ds(base + c * CH, CH)])
            if c + 2 < NCH:
                cps[c + 2] = pltpu.async_copy(
                    table_hbm.at[idx_v.at[pl.ds((c + 2) * CH, CH)]],
                    rows[c % 2], sems[c % 2])

    return k(idx_flat, table_flat)


def _group_body(grp_ref, skemb_ref, skf0_ref,
                Wm1_ref, bm1_ref, Wm2_ref, bm2_ref,
                Wl1_ref, bl1_ref, Wl2_ref, bl2_ref,
                Wg1_ref, bg1_ref, Wg2_ref, bg2_ref,
                lf_ref, gf_ref, gmax_ref, gsum_ref):
    mb = pl.program_id(1)

    @pl.when(mb == 0)
    def _init():
        gmax_ref[...] = jnp.full((1, 2 * CF), _NEG, jnp.float32)
        gsum_ref[...] = jnp.zeros((1, 2 * CF), jnp.float32)

    grp = grp_ref[0]
    skemb = skemb_ref[0]
    skf0 = skf0_ref[0]
    Wm1 = Wm1_ref[...]
    bm1 = bm1_ref[...]

    base = jnp.dot(grp, Wm1, preferred_element_type=jnp.float32) + bm1
    corr = jnp.dot(skemb, Wm1[0:PE, :],
                   preferred_element_type=jnp.float32)
    h1n = base.reshape(EBLK, K, CF) - corr.reshape(EBLK, 1, CF)
    h1n = jax.nn.relu(_ln(h1n)).reshape(EBLK * K, CF)
    h1c = jax.nn.relu(_ln(
        jnp.dot(skf0, Wm1[PE:PE + CF, :],
                preferred_element_type=jnp.float32) + bm1))

    gn = jax.nn.relu(_ln(
        jnp.dot(h1n, Wm2_ref[...], preferred_element_type=jnp.float32)
        + bm2_ref[...]))
    gc = jax.nn.relu(_ln(
        jnp.dot(h1c, Wm2_ref[...], preferred_element_type=jnp.float32)
        + bm2_ref[...]))

    g3 = gn.reshape(EBLK, K, CF)
    gmx = jnp.maximum(jnp.max(g3, axis=1), gc)
    gmean = (jnp.sum(g3, axis=1) + gc) * (1.0 / (K + 1))
    skf = jnp.concatenate([gmx, gmean], axis=1)

    lf = jax.nn.relu(_ln(
        jnp.dot(skf, Wl1_ref[...], preferred_element_type=jnp.float32)
        + bl1_ref[...]))
    lf = jax.nn.relu(_ln(
        jnp.dot(lf, Wl2_ref[...], preferred_element_type=jnp.float32)
        + bl2_ref[...]))
    lf_ref[0] = lf

    gmax_ref[...] = jnp.maximum(gmax_ref[...],
                                jnp.max(skf, axis=0, keepdims=True))
    gsum_ref[...] = gsum_ref[...] + jnp.sum(skf, axis=0, keepdims=True)

    @pl.when(mb == EB - 1)
    def _fin():
        gskf = jnp.concatenate(
            [gmax_ref[...], gsum_ref[...] * (1.0 / M)], axis=1)
        gf = jax.nn.relu(_ln(
            jnp.dot(gskf, Wg1_ref[...], preferred_element_type=jnp.float32)
            + bg1_ref[...]))
        gf = jax.nn.relu(_ln(
            jnp.dot(gf, Wg2_ref[...], preferred_element_type=jnp.float32)
            + bg2_ref[...]))
        gf_ref[0] = gf


def _run_group(grp, skemb, skf0, W_m1, b_m1, W_m2, b_m2,
               W_l1, b_l1, W_l2, b_l2, W_g1, b_g1, W_g2, b_g2):
    wspec = lambda shp: pl.BlockSpec(shp, lambda b, mb: (0,) * len(shp))
    return pl.pallas_call(
        _group_body,
        grid=(B, EB),
        in_specs=[
            pl.BlockSpec((1, EBLK * K, PE + CF), lambda b, mb: (b, mb, 0)),
            pl.BlockSpec((1, EBLK, PE), lambda b, mb: (b, mb, 0)),
            pl.BlockSpec((1, EBLK, CF), lambda b, mb: (b, mb, 0)),
            wspec((PE + CF, CF)), wspec((CF,)),
            wspec((CF, CF)), wspec((CF,)),
            wspec((2 * CF, 2 * CF)), wspec((2 * CF,)),
            wspec((2 * CF, 2 * CF)), wspec((2 * CF,)),
            wspec((4 * CF, 2 * CF)), wspec((2 * CF,)),
            wspec((2 * CF, 2 * CF)), wspec((2 * CF,)),
        ],
        out_specs=[
            pl.BlockSpec((1, EBLK, 2 * CF), lambda b, mb: (b, mb, 0)),
            pl.BlockSpec((1, 1, 2 * CF), lambda b, mb: (b, 0, 0)),
        ],
        out_shape=[
            jax.ShapeDtypeStruct((B, M, 2 * CF), jnp.float32),
            jax.ShapeDtypeStruct((B, 1, 2 * CF), jnp.float32),
        ],
        scratch_shapes=[
            pltpu.VMEM((1, 2 * CF), jnp.float32),
            pltpu.VMEM((1, 2 * CF), jnp.float32),
        ],
    )(grp, skemb, skf0, W_m1, b_m1, W_m2, b_m2,
      W_l1, b_l1, W_l2, b_l2, W_g1, b_g1, W_g2, b_g2)


def kernel(x, W_pe, b_pe, W_s1, b_s1, W_ss, W_sr, b_sr, W_f1, b_f1,
           W_f2, b_f2, W_k1, b_k1, W_k2, b_k2, W_m1, b_m1, W_m2, b_m2,
           W_l1, b_l1, W_l2, b_l2, W_g1, b_g1, W_g2, b_g2):
    table, skt, rt, skemb, skf0 = _run_stream(
        x, W_s1, b_s1, W_ss, W_f1, b_f1, W_f2, b_f2, W_pe, b_pe,
        W_sr, b_sr, W_k1, b_k1, W_k2, b_k2)
    sk = skt.transpose(0, 2, 1)
    r = rt.transpose(0, 2, 1)
    idx = _run_topk(sk, x.transpose(0, 2, 1))
    grouped = _gather_sc(idx.reshape(ROWS),
                         table.reshape(B * N, PE + CF))
    lf, gf = _run_group(
        grouped.reshape(B, M * K, PE + CF), skemb, skf0,
        W_m1, b_m1, W_m2, b_m2, W_l1, b_l1, W_l2, b_l2,
        W_g1, b_g1, W_g2, b_g2)
    return (lf, gf, sk, r)

# --- scband reference (transcript-rebuilt; emitter-appended) ---
"""Pipeline reference for scband-skeleton-encoder-28484223107630 (READ-ONLY COPY).

The authoritative reference and input builder live on the scoring server;
editing this copy changes nothing except your own understanding.
"""

import jax, jax.numpy as jnp
import numpy as np

B, N, M, K = 2, 10000, 512, 16
PE, H, CF = 128, 64, 256

def _layer_norm(x):
    mu = jnp.mean(x, axis=-1, keepdims=True)
    v = jnp.var(x, axis=-1, keepdims=True)
    return (x - mu) / jnp.sqrt(v + 1e-5)

def setup_inputs(seed: int = 0):
    key = jax.random.key(seed)
    ks = jax.random.split(key, 16)
    def w(k, shape):
        return (jax.random.normal(k, shape, dtype=jnp.float32) / np.sqrt(shape[0])).astype(jnp.float32)
    return {
        'x': jax.random.normal(ks[0], (B, N, 3), dtype=jnp.float32),
        'W_pe': w(ks[1], (3, PE)), 'b_pe': jnp.zeros((PE,), jnp.float32),
        'W_s1': w(ks[2], (3, H)), 'b_s1': jnp.zeros((H,), jnp.float32),
        'W_ss': w(ks[3], (H, M)),
        'W_sr': w(ks[4], (H, 1)), 'b_sr': jnp.zeros((1,), jnp.float32),
        'W_f1': w(ks[5], (3, PE)), 'b_f1': jnp.zeros((PE,), jnp.float32),
        'W_f2': w(ks[6], (PE, CF)), 'b_f2': jnp.zeros((CF,), jnp.float32),
        'W_k1': w(ks[7], (4, PE)), 'b_k1': jnp.zeros((PE,), jnp.float32),
        'W_k2': w(ks[8], (PE, CF)), 'b_k2': jnp.zeros((CF,), jnp.float32),
        'W_m1': w(ks[9], (PE + CF, CF)), 'b_m1': jnp.zeros((CF,), jnp.float32),
        'W_m2': w(ks[10], (CF, CF)), 'b_m2': jnp.zeros((CF,), jnp.float32),
        'W_l1': w(ks[11], (2 * CF, 2 * CF)), 'b_l1': jnp.zeros((2 * CF,), jnp.float32),
        'W_l2': w(ks[12], (2 * CF, 2 * CF)), 'b_l2': jnp.zeros((2 * CF,), jnp.float32),
        'W_g1': w(ks[13], (4 * CF, 2 * CF)), 'b_g1': jnp.zeros((2 * CF,), jnp.float32),
        'W_g2': w(ks[14], (2 * CF, 2 * CF)), 'b_g2': jnp.zeros((2 * CF,), jnp.float32),
    }

def reference(x, W_pe, b_pe, W_s1, b_s1, W_ss, W_sr, b_sr, W_f1, b_f1, W_f2, b_f2, W_k1, b_k1, W_k2, b_k2, W_m1, b_m1, W_m2, b_m2, W_l1, b_l1, W_l2, b_l2, W_g1, b_g1, W_g2, b_g2):
    pos = x[..., :3]
    # SkeletonNet: convex-combination skeleton points + radius head
    feat = jax.nn.relu(pos @ W_s1 + b_s1)                      # [B,N,H]
    wts = jax.nn.softmax(feat @ W_ss, axis=1)                  # [B,N,M] softmax over points
    sk = jnp.einsum('bnm,bnc->bmc', wts, pos)                  # [B,M,3] recon_skeleton
    skfeat = jnp.einsum('bnm,bnh->bmh', wts, feat)             # [B,M,H]
    r = jax.nn.softplus(skfeat @ W_sr + b_sr)                  # [B,M,1] radius
    # surface encoder (sf_encoder)
    sff = jax.nn.relu(x @ W_f1 + b_f1) @ W_f2 + b_f2           # [B,N,CF]
    # skeleton encoder on concat(sk, r)
    skf0 = jax.nn.relu(jnp.concatenate((sk, r), axis=-1) @ W_k1 + b_k1) @ W_k2 + b_k2  # [B,M,CF]
    # positional embedding
    pos_emb = pos @ W_pe + b_pe                                # [B,N,PE]
    sk_emb = sk @ W_pe + b_pe                                  # [B,M,PE]
    # QueryAndGroup: kNN on xyz, gather embeddings + features (channel_recover/transfer are layout-only, identity in channel-last jax)
    d2 = jnp.sum((sk[:, :, None, :] - pos[:, None, :, :]) ** 2, axis=-1)  # [B,M,N]
    _, idx = jax.lax.top_k(-d2, K)                             # [B,M,K]
    b_ix = jnp.arange(B)[:, None, None]
    grouped_pe = pos_emb[b_ix, idx] - sk_emb[:, :, None, :]    # [B,M,K,PE]
    grouped_ft = sff[b_ix, idx]                                # [B,M,K,CF]
    grouped = jnp.concatenate((grouped_pe, grouped_ft), axis=-1)  # [B,M,K,PE+CF]
    # append center token: (sk_emb - sk_emb, skf0)
    center = jnp.concatenate((sk_emb - sk_emb, skf0), axis=-1)[:, :, None, :]
    grouped = jnp.concatenate((grouped, center), axis=2)       # [B,M,K+1,PE+CF]
    # msg MLP blocks
    g = jax.nn.relu(_layer_norm(grouped @ W_m1 + b_m1))
    g = jax.nn.relu(_layer_norm(g @ W_m2 + b_m2))              # [B,M,K+1,CF]
    skf = jnp.concatenate((jnp.max(g, axis=2), jnp.mean(g, axis=2)), axis=-1)  # [B,M,2CF]
    global_skf = jnp.concatenate((jnp.max(skf, axis=1, keepdims=True), jnp.mean(skf, axis=1, keepdims=True)), axis=-1)  # [B,1,4CF]
    gf = jax.nn.relu(_layer_norm(global_skf @ W_g1 + b_g1))
    gf = jax.nn.relu(_layer_norm(gf @ W_g2 + b_g2))            # [B,1,2CF]
    lf = jax.nn.relu(_layer_norm(skf @ W_l1 + b_l1))
    lf = jax.nn.relu(_layer_norm(lf @ W_l2 + b_l2))            # [B,M,2CF]
    return (lf, gf, sk, r)

if __name__ == "__main__":
    import jax
    _d = setup_inputs()
    print(jax.jit(kernel)(*tuple(_d.values())))

</pallas_src>

<mosaic_0001>
#map = affine_map<(d0, d1) -> (0)>
#map1 = affine_map<(d0, d1) -> (0, 0)>
module attributes {stable_mosaic.version = 14 : i64} {
  func.func @k(%arg0: i32, %arg1: i32, %arg2: memref<16384xi32, #tpu.memory_space<hbm>>, %arg3: memref<20000x384xf32, #tpu.memory_space<hbm>>, %arg4: memref<16384x384xf32, #tpu.memory_space<hbm>>, %arg5: memref<512xi32, #tpu.memory_space<vmem>>, %arg6: memref<128x384xf32, #tpu.memory_space<vmem>>, %arg7: memref<128x384xf32, #tpu.memory_space<vmem>>, %arg8: memref<!tpu.dma_semaphore, #tpu.memory_space<semaphore_mem>>, %arg9: memref<!tpu.dma_semaphore, #tpu.memory_space<semaphore_mem>>) attributes {dimension_semantics = [#tpu.dimension_semantics<core_parallel>, #tpu.dimension_semantics<subcore_parallel>], iteration_bounds = array<i64: 2, 16>, scalar_prefetch = 0 : i64, scratch_operands = 5 : i64, tpu.core_type = #tpu.core_type<sc_vector_subcore>, window_params = [{transform_indices = #map}, {transform_indices = #map1}, {transform_indices = #map1}]} {
    %mul3A = arith.constant 2 : i32
    %mul3A_0 = arith.muli %arg1, %mul3A : i32
    %add3A = arith.addi %mul3A_0, %arg0 : i32
    %mul3A_1 = arith.constant 512 : i32
    %mul3A_2 = arith.muli %add3A, %mul3A_1 : i32
    %jit3A = arith.constant 8192 : i32
    %div3A = arith.divsi %mul3A_2, %jit3A : i32
    %sign3A = arith.constant 0 : i32
    %sign3A_3 = arith.cmpi sgt, %mul3A_2, %sign3A : i32
    %sign3A_4 = arith.extui %sign3A_3 : i1 to i32
    %sign3A_5 = arith.constant 0 : i32
    %sign3A_6 = arith.cmpi slt, %mul3A_2, %sign3A_5 : i32
    %sign3A_7 = arith.extui %sign3A_6 : i1 to i32
    %sign3A_8 = arith.subi %sign3A_4, %sign3A_7 : i32
    %sign3A_9 = arith.constant 0 : i32
    %sign3A_10 = arith.cmpi sgt, %jit3A, %sign3A_9 : i32
    %sign3A_11 = arith.extui %sign3A_10 : i1 to i32
    %sign3A_12 = arith.constant 0 : i32
    %sign3A_13 = arith.cmpi slt, %jit3A, %sign3A_12 : i32
    %sign3A_14 = arith.extui %sign3A_13 : i1 to i32
    %sign3A_15 = arith.subi %sign3A_11, %sign3A_14 : i32
    %ne3A = arith.cmpi ne, %sign3A_8, %sign3A_15 : i32
    %rem3A = arith.remsi %mul3A_2, %jit3A : i32
    %ne3A_16 = arith.constant 0 : i32
    %ne3A_17 = arith.cmpi ne, %rem3A, %ne3A_16 : i32
    %and3A = arith.andi %ne3A, %ne3A_17 : i1
    %sub3A = arith.constant 1 : i32
    %sub3A_18 = arith.subi %div3A, %sub3A : i32
    %select_n3A = arith.select %and3A, %sub3A_18, %div3A : i32
    %mul3A_19 = arith.constant 10000 : i32
    %mul3A_20 = arith.muli %select_n3A, %mul3A_19 : i32
    "tpu.region"() ({
      %run_scoped3A = tpu.sem_alloc : memref<!tpu.dma_semaphore, #tpu.memory_space<semaphore_mem>>
      %dma_start3A_353 = tpu.memref_slice %arg2[%mul3A_2] : memref<16384xi32, #tpu.memory_space<hbm>> -> memref<512xi32, #tpu.memory_space<hbm>>
      %dma_start3A_354 = tpu.memref_slice %arg2[%mul3A_2] : memref<16384xi32, #tpu.memory_space<hbm>> -> memref<512xi32, #tpu.memory_space<hbm>>
      tpu.enqueue_dma source(%dma_start3A_354 : memref<512xi32, #tpu.memory_space<hbm>>) target(%arg5 : memref<512xi32, #tpu.memory_space<vmem>>) target_semaphore(%run_scoped3A : memref<!tpu.dma_semaphore, #tpu.memory_space<semaphore_mem>>)
      %dma_wait3A_355 = tpu.memref_slice %arg2[%mul3A_2] : memref<16384xi32, #tpu.memory_space<hbm>> -> memref<512xi32, #tpu.memory_space<hbm>>
      %dma_wait3A_356 = tpu.memref_slice %arg2[%mul3A_2] : memref<16384xi32, #tpu.memory_space<hbm>> -> memref<512xi32, #tpu.memory_space<hbm>>
      tpu.wait_dma2 semaphore(%run_scoped3A : memref<!tpu.dma_semaphore, #tpu.memory_space<semaphore_mem>>) src(%dma_wait3A_356 : memref<512xi32, #tpu.memory_space<hbm>>) dst(%arg5 : memref<512xi32, #tpu.memory_space<vmem>>)
      tpu.yield
    }) : () -> ()
    %get3A = arith.constant 0 : index
    %get3A_21 = tpu.vector_load %arg5[%get3A] {strides = array<i32>} : memref<512xi32, #tpu.memory_space<vmem>>, vector<16xi32>,
    %get3A_22 = vector.shape_cast %get3A_21 : vector<16xi32> to vector<16xi32>
    %add3A_23 = vector.broadcast %mul3A_20 : i32 to vector<16xi32>
    %add3A_24 = arith.addi %get3A_22, %add3A_23 : vector<16xi32>
    %swap3A = arith.constant 0 : index
    %swap3A_25 = tpu.vector_load %arg5[%swap3A] {strides = array<i32>} : memref<512xi32, #tpu.memory_space<vmem>>, vector<16xi32>,
    %swap3A_26 = vector.shape_cast %swap3A_25 : vector<16xi32> to vector<16xi32>
    %swap3A_27 = vector.shape_cast %add3A_24 : vector<16xi32> to vector<16xi32>
    tpu.vector_store %arg5[%swap3A], %swap3A_27 {strides = array<i32>} : memref<512xi32, #tpu.memory_space<vmem>>, vector<16xi32>,
    %get3A_28 = arith.constant 16 : index
    %get3A_29 = tpu.vector_load %arg5[%get3A_28] {strides = array<i32>} : memref<512xi32, #tpu.memory_space<vmem>>, vector<16xi32>,
    %get3A_30 = vector.shape_cast %get3A_29 : vector<16xi32> to vector<16xi32>
    %add3A_31 = vector.broadcast %mul3A_20 : i32 to vector<16xi32>
    %add3A_32 = arith.addi %get3A_30, %add3A_31 : vector<16xi32>
    %swap3A_33 = arith.constant 16 : index
    %swap3A_34 = tpu.vector_load %arg5[%swap3A_33] {strides = array<i32>} : memref<512xi32, #tpu.memory_space<vmem>>, vector<16xi32>,
    %swap3A_35 = vector.shape_cast %swap3A_34 : vector<16xi32> to vector<16xi32>
    %swap3A_36 = vector.shape_cast %add3A_32 : vector<16xi32> to vector<16xi32>
    tpu.vector_store %arg5[%swap3A_33], %swap3A_36 {strides = array<i32>} : memref<512xi32, #tpu.memory_space<vmem>>, vector<16xi32>,
    %get3A_37 = arith.constant 32 : index
    %get3A_38 = tpu.vector_load %arg5[%get3A_37] {strides = array<i32>} : memref<512xi32, #tpu.memory_space<vmem>>, vector<16xi32>,
    %get3A_39 = vector.shape_cast %get3A_38 : vector<16xi32> to vector<16xi32>
    %add3A_40 = vector.broadcast %mul3A_20 : i32 to vector<16xi32>
    %add3A_41 = arith.addi %get3A_39, %add3A_40 : vector<16xi32>
    %swap3A_42 = arith.constant 32 : index
    %swap3A_43 = tpu.vector_load %arg5[%swap3A_42] {strides = array<i32>} : memref<512xi32, #tpu.memory_space<vmem>>, vector<16xi32>,
    %swap3A_44 = vector.shape_cast %swap3A_43 : vector<16xi32> to vector<16xi32>
    %swap3A_45 = vector.shape_cast %add3A_41 : vector<16xi32> to vector<16xi32>
    tpu.vector_store %arg5[%swap3A_42], %swap3A_45 {strides = array<i32>} : memref<512xi32, #tpu.memory_space<vmem>>, vector<16xi32>,
    %get3A_46 = arith.constant 48 : index
    %get3A_47 = tpu.vector_load %arg5[%get3A_46] {strides = array<i32>} : memref<512xi32, #tpu.memory_space<vmem>>, vector<16xi32>,
    %get3A_48 = vector.shape_cast %get3A_47 : vector<16xi32> to vector<16xi32>
    %add3A_49 = vector.broadcast %mul3A_20 : i32 to vector<16xi32>
    %add3A_50 = arith.addi %get3A_48, %add3A_49 : vector<16xi32>
    %swap3A_51 = arith.constant 48 : index
    %swap3A_52 = tpu.vector_load %arg5[%swap3A_51] {strides = array<i32>} : memref<512xi32, #tpu.memory_space<vmem>>, vector<16xi32>,
    %swap3A_53 = vector.shape_cast %swap3A_52 : vector<16xi32> to vector<16xi32>
    %swap3A_54 = vector.shape_cast %add3A_50 : vector<16xi32> to vector<16xi32>
    tpu.vector_store %arg5[%swap3A_51], %swap3A_54 {strides = array<i32>} : memref<512xi32, #tpu.memory_space<vmem>>, vector<16xi32>,
    %get3A_55 = arith.constant 64 : index
    %get3A_56 = tpu.vector_load %arg5[%get3A_55] {strides = array<i32>} : memref<512xi32, #tpu.memory_space<vmem>>, vector<16xi32>,
    %get3A_57 = vector.shape_cast %get3A_56 : vector<16xi32> to vector<16xi32>
    %add3A_58 = vector.broadcast %mul3A_20 : i32 to vector<16xi32>
    %add3A_59 = arith.addi %get3A_57, %add3A_58 : vector<16xi32>
    %swap3A_60 = arith.constant 64 : index
    %swap3A_61 = tpu.vector_load %arg5[%swap3A_60] {strides = array<i32>} : memref<512xi32, #tpu.memory_space<vmem>>, vector<16xi32>,
    %swap3A_62 = vector.shape_cast %swap3A_61 : vector<16xi32> to vector<16xi32>
    %swap3A_63 = vector.shape_cast %add3A_59 : vector<16xi32> to vector<16xi32>
    tpu.vector_store %arg5[%swap3A_60], %swap3A_63 {strides = array<i32>} : memref<512xi32, #tpu.memory_space<vmem>>, vector<16xi32>,
    %get3A_64 = arith.constant 80 : index
    %get3A_65 = tpu.vector_load %arg5[%get3A_64] {strides = array<i32>} : memref<512xi32, #tpu.memory_space<vmem>>, vector<16xi32>,
    %get3A_66 = vector.shape_cast %get3A_65 : vector<16xi32> to vector<16xi32>
    %add3A_67 = vector.broadcast %mul3A_20 : i32 to vector<16xi32>
    %add3A_68 = arith.addi %get3A_66, %add3A_67 : vector<16xi32>
    %swap3A_69 = arith.constant 80 : index
    %swap3A_70 = tpu.vector_load %arg5[%swap3A_69] {strides = array<i32>} : memref<512xi32, #tpu.memory_space<vmem>>, vector<16xi32>,
    %swap3A_71 = vector.shape_cast %swap3A_70 : vector<16xi32> to vector<16xi32>
    %swap3A_72 = vector.shape_cast %add3A_68 : vector<16xi32> to vector<16xi32>
    tpu.vector_store %arg5[%swap3A_69], %swap3A_72 {strides = array<i32>} : memref<512xi32, #tpu.memory_space<vmem>>, vector<16xi32>,
    %get3A_73 = arith.constant 96 : index
    %get3A_74 = tpu.vector_load %arg5[%get3A_73] {strides = array<i32>} : memref<512xi32, #tpu.memory_space<vmem>>, vector<16xi32>,
    %get3A_75 = vector.shape_cast %get3A_74 : vector<16xi32> to vector<16xi32>
    %add3A_76 = vector.broadcast %mul3A_20 : i32 to vector<16xi32>
    %add3A_77 = arith.addi %get3A_75, %add3A_76 : vector<16xi32>
    %swap3A_78 = arith.constant 96 : index
    %swap3A_79 = tpu.vector_load %arg5[%swap3A_78] {strides = array<i32>} : memref<512xi32, #tpu.memory_space<vmem>>, vector<16xi32>,
    %swap3A_80 = vector.shape_cast %swap3A_79 : vector<16xi32> to vector<16xi32>
    %swap3A_81 = vector.shape_cast %add3A_77 : vector<16xi32> to vector<16xi32>
    tpu.vector_store %arg5[%swap3A_78], %swap3A_81 {strides = array<i32>} : memref<512xi32, #tpu.memory_space<vmem>>, vector<16xi32>,
    %get3A_82 = arith.constant 112 : index
    %get3A_83 = tpu.vector_load %arg5[%get3A_82] {strides = array<i32>} : memref<512xi32, #tpu.memory_space<vmem>>, vector<16xi32>,
    %get3A_84 = vector.shape_cast %get3A_83 : vector<16xi32> to vector<16xi32>
    %add3A_85 = vector.broadcast %mul3A_20 : i32 to vector<16xi32>
    %add3A_86 = arith.addi %get3A_84, %add3A_85 : vector<16xi32>
    %swap3A_87 = arith.constant 112 : index
    %swap3A_88 = tpu.vector_load %arg5[%swap3A_87] {strides = array<i32>} : memref<512xi32, #tpu.memory_space<vmem>>, vector<16xi32>,
    %swap3A_89 = vector.shape_cast %swap3A_88 : vector<16xi32> to vector<16xi32>
    %swap3A_90 = vector.shape_cast %add3A_86 : vector<16xi32> to vector<16xi32>
    tpu.vector_store %arg5[%swap3A_87], %swap3A_90 {strides = array<i32>} : memref<512xi32, #tpu.memory_space<vmem>>, vector<16xi32>,
    %get3A_91 = arith.constant 128 : index
    %get3A_92 = tpu.vector_load %arg5[%get3A_91] {strides = array<i32>} : memref<512xi32, #tpu.memory_space<vmem>>, vector<16xi32>,
    %get3A_93 = vector.shape_cast %get3A_92 : vector<16xi32> to vector<16xi32>
    %add3A_94 = vector.broadcast %mul3A_20 : i32 to vector<16xi32>
    %add3A_95 = arith.addi %get3A_93, %add3A_94 : vector<16xi32>
    %swap3A_96 = arith.constant 128 : index
    %swap3A_97 = tpu.vector_load %arg5[%swap3A_96] {strides = array<i32>} : memref<512xi32, #tpu.memory_space<vmem>>, vector<16xi32>,
    %swap3A_98 = vector.shape_cast %swap3A_97 : vector<16xi32> to vector<16xi32>
    %swap3A_99 = vector.shape_cast %add3A_95 : vector<16xi32> to vector<16xi32>
    tpu.vector_store %arg5[%swap3A_96], %swap3A_99 {strides = array<i32>} : memref<512xi32, #tpu.memory_space<vmem>>, vector<16xi32>,
    %get3A_100 = arith.constant 144 : index
    %get3A_101 = tpu.vector_load %arg5[%get3A_100] {strides = array<i32>} : memref<512xi32, #tpu.memory_space<vmem>>, vector<16xi32>,
    %get3A_102 = vector.shape_cast %get3A_101 : vector<16xi32> to vector<16xi32>
    %add3A_103 = vector.broadcast %mul3A_20 : i32 to vector<16xi32>
    %add3A_104 = arith.addi %get3A_102, %add3A_103 : vector<16xi32>
    %swap3A_105 = arith.constant 144 : index
    %swap3A_106 = tpu.vector_load %arg5[%swap3A_105] {strides = array<i32>} : memref<512xi32, #tpu.memory_space<vmem>>, vector<16xi32>,
    %swap3A_107 = vector.shape_cast %swap3A_106 : vector<16xi32> to vector<16xi32>
    %swap3A_108 = vector.shape_cast %add3A_104 : vector<16xi32> to vector<16xi32>
    tpu.vector_store %arg5[%swap3A_105], %swap3A_108 {strides = array<i32>} : memref<512xi32, #tpu.memory_space<vmem>>, vector<16xi32>,
    %get3A_109 = arith.constant 160 : index
    %get3A_110 = tpu.vector_load %arg5[%get3A_109] {strides = array<i32>} : memref<512xi32, #tpu.memory_space<vmem>>, vector<16xi32>,
    %get3A_111 = vector.shape_cast %get3A_110 : vector<16xi32> to vector<16xi32>
    %add3A_112 = vector.broadcast %mul3A_20 : i32 to vector<16xi32>
    %add3A_113 = arith.addi %get3A_111, %add3A_112 : vector<16xi32>
    %swap3A_114 = arith.constant 160 : index
    %swap3A_115 = tpu.vector_load %arg5[%swap3A_114] {strides = array<i32>} : memref<512xi32, #tpu.memory_space<vmem>>, vector<16xi32>,
    %swap3A_116 = vector.shape_cast %swap3A_115 : vector<16xi32> to vector<16xi32>
    %swap3A_117 = vector.shape_cast %add3A_113 : vector<16xi32> to vector<16xi32>
    tpu.vector_store %arg5[%swap3A_114], %swap3A_117 {strides = array<i32>} : memref<512xi32, #tpu.memory_space<vmem>>, vector<16xi32>,
    %get3A_118 = arith.constant 176 : index
    %get3A_119 = tpu.vector_load %arg5[%get3A_118] {strides = array<i32>} : memref<512xi32, #tpu.memory_space<vmem>>, vector<16xi32>,
    %get3A_120 = vector.shape_cast %get3A_119 : vector<16xi32> to vector<16xi32>
    %add3A_121 = vector.broadcast %mul3A_20 : i32 to vector<16xi32>
    %add3A_122 = arith.addi %get3A_120, %add3A_121 : vector<16xi32>
    %swap3A_123 = arith.constant 176 : index
    %swap3A_124 = tpu.vector_load %arg5[%swap3A_123] {strides = array<i32>} : memref<512xi32, #tpu.memory_space<vmem>>, vector<16xi32>,
    %swap3A_125 = vector.shape_cast %swap3A_124 : vector<16xi32> to vector<16xi32>
    %swap3A_126 = vector.shape_cast %add3A_122 : vector<16xi32> to vector<16xi32>
    tpu.vector_store %arg5[%swap3A_123], %swap3A_126 {strides = array<i32>} : memref<512xi32, #tpu.memory_space<vmem>>, vector<16xi32>,
    %get3A_127 = arith.constant 192 : index
    %get3A_128 = tpu.vector_load %arg5[%get3A_127] {strides = array<i32>} : memref<512xi32, #tpu.memory_space<vmem>>, vector<16xi32>,
    %get3A_129 = vector.shape_cast %get3A_128 : vector<16xi32> to vector<16xi32>
    %add3A_130 = vector.broadcast %mul3A_20 : i32 to vector<16xi32>
    %add3A_131 = arith.addi %get3A_129, %add3A_130 : vector<16xi32>
    %swap3A_132 = arith.constant 192 : index
    %swap3A_133 = tpu.vector_load %arg5[%swap3A_132] {strides = array<i32>} : memref<512xi32, #tpu.memory_space<vmem>>, vector<16xi32>,
    %swap3A_134 = vector.shape_cast %swap3A_133 : vector<16xi32> to vector<16xi32>
    %swap3A_135 = vector.shape_cast %add3A_131 : vector<16xi32> to vector<16xi32>
    tpu.vector_store %arg5[%swap3A_132], %swap3A_135 {strides = array<i32>} : memref<512xi32, #tpu.memory_space<vmem>>, vector<16xi32>,
    %get3A_136 = arith.constant 208 : index
    %get3A_137 = tpu.vector_load %arg5[%get3A_136] {strides = array<i32>} : memref<512xi32, #tpu.memory_space<vmem>>, vector<16xi32>,
    %get3A_138 = vector.shape_cast %get3A_137 : vector<16xi32> to vector<16xi32>
    %add3A_139 = vector.broadcast %mul3A_20 : i32 to vector<16xi32>
    %add3A_140 = arith.addi %get3A_138, %add3A_139 : vector<16xi32>
    %swap3A_141 = arith.constant 208 : index
    %swap3A_142 = tpu.vector_load %arg5[%swap3A_141] {strides = array<i32>} : memref<512xi32, #tpu.memory_space<vmem>>, vector<16xi32>,
    %swap3A_143 = vector.shape_cast %swap3A_142 : vector<16xi32> to vector<16xi32>
    %swap3A_144 = vector.shape_cast %add3A_140 : vector<16xi32> to vector<16xi32>
    tpu.vector_store %arg5[%swap3A_141], %swap3A_144 {strides = array<i32>} : memref<512xi32, #tpu.memory_space<vmem>>, vector<16xi32>,
    %get3A_145 = arith.constant 224 : index
    %get3A_146 = tpu.vector_load %arg5[%get3A_145] {strides = array<i32>} : memref<512xi32, #tpu.memory_space<vmem>>, vector<16xi32>,
    %get3A_147 = vector.shape_cast %get3A_146 : vector<16xi32> to vector<16xi32>
    %add3A_148 = vector.broadcast %mul3A_20 : i32 to vector<16xi32>
    %add3A_149 = arith.addi %get3A_147, %add3A_148 : vector<16xi32>
    %swap3A_150 = arith.constant 224 : index
    %swap3A_151 = tpu.vector_load %arg5[%swap3A_150] {strides = array<i32>} : memref<512xi32, #tpu.memory_space<vmem>>, vector<16xi32>,
    %swap3A_152 = vector.shape_cast %swap3A_151 : vector<16xi32> to vector<16xi32>
    %swap3A_153 = vector.shape_cast %add3A_149 : vector<16xi32> to vector<16xi32>
    tpu.vector_store %arg5[%swap3A_150], %swap3A_153 {strides = array<i32>} : memref<512xi32, #tpu.memory_space<vmem>>, vector<16xi32>,
    %get3A_154 = arith.constant 240 : index
    %get3A_155 = tpu.vector_load %arg5[%get3A_154] {strides = array<i32>} : memref<512xi32, #tpu.memory_space<vmem>>, vector<16xi32>,
    %get3A_156 = vector.shape_cast %get3A_155 : vector<16xi32> to vector<16xi32>
    %add3A_157 = vector.broadcast %mul3A_20 : i32 to vector<16xi32>
    %add3A_158 = arith.addi %get3A_156, %add3A_157 : vector<16xi32>
    %swap3A_159 = arith.constant 240 : index
    %swap3A_160 = tpu.vector_load %arg5[%swap3A_159] {strides = array<i32>} : memref<512xi32, #tpu.memory_space<vmem>>, vector<16xi32>,
    %swap3A_161 = vector.shape_cast %swap3A_160 : vector<16xi32> to vector<16xi32>
    %swap3A_162 = vector.shape_cast %add3A_158 : vector<16xi32> to vector<16xi32>
    tpu.vector_store %arg5[%swap3A_159], %swap3A_162 {strides = array<i32>} : memref<512xi32, #tpu.memory_space<vmem>>, vector<16xi32>,
    %get3A_163 = arith.constant 256 : index
    %get3A_164 = tpu.vector_load %arg5[%get3A_163] {strides = array<i32>} : memref<512xi32, #tpu.memory_space<vmem>>, vector<16xi32>,
    %get3A_165 = vector.shape_cast %get3A_164 : vector<16xi32> to vector<16xi32>
    %add3A_166 = vector.broadcast %mul3A_20 : i32 to vector<16xi32>
    %add3A_167 = arith.addi %get3A_165, %add3A_166 : vector<16xi32>
    %swap3A_168 = arith.constant 256 : index
    %swap3A_169 = tpu.vector_load %arg5[%swap3A_168] {strides = array<i32>} : memref<512xi32, #tpu.memory_space<vmem>>, vector<16xi32>,
    %swap3A_170 = vector.shape_cast %swap3A_169 : vector<16xi32> to vector<16xi32>
    %swap3A_171 = vector.shape_cast %add3A_167 : vector<16xi32> to vector<16xi32>
    tpu.vector_store %arg5[%swap3A_168], %swap3A_171 {strides = array<i32>} : memref<512xi32, #tpu.memory_space<vmem>>, vector<16xi32>,
    %get3A_172 = arith.constant 272 : index
    %get3A_173 = tpu.vector_load %arg5[%get3A_172] {strides = array<i32>} : memref<512xi32, #tpu.memory_space<vmem>>, vector<16xi32>,
    %get3A_174 = vector.shape_cast %get3A_173 : vector<16xi32> to vector<16xi32>
    %add3A_175 = vector.broadcast %mul3A_20 : i32 to vector<16xi32>
    %add3A_176 = arith.addi %get3A_174, %add3A_175 : vector<16xi32>
    %swap3A_177 = arith.constant 272 : index
    %swap3A_178 = tpu.vector_load %arg5[%swap3A_177] {strides = array<i32>} : memref<512xi32, #tpu.memory_space<vmem>>, vector<16xi32>,
    %swap3A_179 = vector.shape_cast %swap3A_178 : vector<16xi32> to vector<16xi32>
    %swap3A_180 = vector.shape_cast %add3A_176 : vector<16xi32> to vector<16xi32>
    tpu.vector_store %arg5[%swap3A_177], %swap3A_180 {strides = array<i32>} : memref<512xi32, #tpu.memory_space<vmem>>, vector<16xi32>,
    %get3A_181 = arith.constant 288 : index
    %get3A_182 = tpu.vector_load %arg5[%get3A_181] {strides = array<i32>} : memref<512xi32, #tpu.memory_space<vmem>>, vector<16xi32>,
    %get3A_183 = vector.shape_cast %get3A_182 : vector<16xi32> to vector<16xi32>
    %add3A_184 = vector.broadcast %mul3A_20 : i32 to vector<16xi32>
    %add3A_185 = arith.addi %get3A_183, %add3A_184 : vector<16xi32>
    %swap3A_186 = arith.constant 288 : index
    %swap3A_187 = tpu.vector_load %arg5[%swap3A_186] {strides = array<i32>} : memref<512xi32, #tpu.memory_space<vmem>>, vector<16xi32>,
    %swap3A_188 = vector.shape_cast %swap3A_187 : vector<16xi32> to vector<16xi32>
    %swap3A_189 = vector.shape_cast %add3A_185 : vector<16xi32> to vector<16xi32>
    tpu.vector_store %arg5[%swap3A_186], %swap3A_189 {strides = array<i32>} : memref<512xi32, #tpu.memory_space<vmem>>, vector<16xi32>,
    %get3A_190 = arith.constant 304 : index
    %get3A_191 = tpu.vector_load %arg5[%get3A_190] {strides = array<i32>} : memref<512xi32, #tpu.memory_space<vmem>>, vector<16xi32>,
    %get3A_192 = vector.shape_cast %get3A_191 : vector<16xi32> to vector<16xi32>
    %add3A_193 = vector.broadcast %mul3A_20 : i32 to vector<16xi32>
    %add3A_194 = arith.addi %get3A_192, %add3A_193 : vector<16xi32>
    %swap3A_195 = arith.constant 304 : index
    %swap3A_196 = tpu.vector_load %arg5[%swap3A_195] {strides = array<i32>} : memref<512xi32, #tpu.memory_space<vmem>>, vector<16xi32>,
    %swap3A_197 = vector.shape_cast %swap3A_196 : vector<16xi32> to vector<16xi32>
    %swap3A_198 = vector.shape_cast %add3A_194 : vector<16xi32> to vector<16xi32>
    tpu.vector_store %arg5[%swap3A_195], %swap3A_198 {strides = array<i32>} : memref<512xi32, #tpu.memory_space<vmem>>, vector<16xi32>,
    %get3A_199 = arith.constant 320 : index
    %get3A_200 = tpu.vector_load %arg5[%get3A_199] {strides = array<i32>} : memref<512xi32, #tpu.memory_space<vmem>>, vector<16xi32>,
    %get3A_201 = vector.shape_cast %get3A_200 : vector<16xi32> to vector<16xi32>
    %add3A_202 = vector.broadcast %mul3A_20 : i32 to vector<16xi32>
    %add3A_203 = arith.addi %get3A_201, %add3A_202 : vector<16xi32>
    %swap3A_204 = arith.constant 320 : index
    %swap3A_205 = tpu.vector_load %arg5[%swap3A_204] {strides = array<i32>} : memref<512xi32, #tpu.memory_space<vmem>>, vector<16xi32>,
    %swap3A_206 = vector.shape_cast %swap3A_205 : vector<16xi32> to vector<16xi32>
    %swap3A_207 = vector.shape_cast %add3A_203 : vector<16xi32> to vector<16xi32>
    tpu.vector_store %arg5[%swap3A_204], %swap3A_207 {strides = array<i32>} : memref<512xi32, #tpu.memory_space<vmem>>, vector<16xi32>,
    %get3A_208 = arith.constant 336 : index
    %get3A_209 = tpu.vector_load %arg5[%get3A_208] {strides = array<i32>} : memref<512xi32, #tpu.memory_space<vmem>>, vector<16xi32>,
    %get3A_210 = vector.shape_cast %get3A_209 : vector<16xi32> to vector<16xi32>
    %add3A_211 = vector.broadcast %mul3A_20 : i32 to vector<16xi32>
    %add3A_212 = arith.addi %get3A_210, %add3A_211 : vector<16xi32>
    %swap3A_213 = arith.constant 336 : index
    %swap3A_214 = tpu.vector_load %arg5[%swap3A_213] {strides = array<i32>} : memref<512xi32, #tpu.memory_space<vmem>>, vector<16xi32>,
    %swap3A_215 = vector.shape_cast %swap3A_214 : vector<16xi32> to vector<16xi32>
    %swap3A_216 = vector.shape_cast %add3A_212 : vector<16xi32> to vector<16xi32>
    tpu.vector_store %arg5[%swap3A_213], %swap3A_216 {strides = array<i32>} : memref<512xi32, #tpu.memory_space<vmem>>, vector<16xi32>,
    %get3A_217 = arith.constant 352 : index
    %get3A_218 = tpu.vector_load %arg5[%get3A_217] {strides = array<i32>} : memref<512xi32, #tpu.memory_space<vmem>>, vector<16xi32>,
    %get3A_219 = vector.shape_cast %get3A_218 : vector<16xi32> to vector<16xi32>
    %add3A_220 = vector.broadcast %mul3A_20 : i32 to vector<16xi32>
    %add3A_221 = arith.addi %get3A_219, %add3A_220 : vector<16xi32>
    %swap3A_222 = arith.constant 352 : index
    %swap3A_223 = tpu.vector_load %arg5[%swap3A_222] {strides = array<i32>} : memref<512xi32, #tpu.memory_space<vmem>>, vector<16xi32>,
    %swap3A_224 = vector.shape_cast %swap3A_223 : vector<16xi32> to vector<16xi32>
    %swap3A_225 = vector.shape_cast %add3A_221 : vector<16xi32> to vector<16xi32>
    tpu.vector_store %arg5[%swap3A_222], %swap3A_225 {strides = array<i32>} : memref<512xi32, #tpu.memory_space<vmem>>, vector<16xi32>,
    %get3A_226 = arith.constant 368 : index
    %get3A_227 = tpu.vector_load %arg5[%get3A_226] {strides = array<i32>} : memref<512xi32, #tpu.memory_space<vmem>>, vector<16xi32>,
    %get3A_228 = vector.shape_cast %get3A_227 : vector<16xi32> to vector<16xi32>
    %add3A_229 = vector.broadcast %mul3A_20 : i32 to vector<16xi32>
    %add3A_230 = arith.addi %get3A_228, %add3A_229 : vector<16xi32>
    %swap3A_231 = arith.constant 368 : index
    %swap3A_232 = tpu.vector_load %arg5[%swap3A_231] {strides = array<i32>} : memref<512xi32, #tpu.memory_space<vmem>>, vector<16xi32>,
    %swap3A_233 = vector.shape_cast %swap3A_232 : vector<16xi32> to vector<16xi32>
    %swap3A_234 = vector.shape_cast %add3A_230 : vector<16xi32> to vector<16xi32>
    tpu.vector_store %arg5[%swap3A_231], %swap3A_234 {strides = array<i32>} : memref<512xi32, #tpu.memory_space<vmem>>, vector<16xi32>,
    %get3A_235 = arith.constant 384 : index
    %get3A_236 = tpu.vector_load %arg5[%get3A_235] {strides = array<i32>} : memref<512xi32, #tpu.memory_space<vmem>>, vector<16xi32>,
    %get3A_237 = vector.shape_cast %get3A_236 : vector<16xi32> to vector<16xi32>
    %add3A_238 = vector.broadcast %mul3A_20 : i32 to vector<16xi32>
    %add3A_239 = arith.addi %get3A_237, %add3A_238 : vector<16xi32>
    %swap3A_240 = arith.constant 384 : index
    %swap3A_241 = tpu.vector_load %arg5[%swap3A_240] {strides = array<i32>} : memref<512xi32, #tpu.memory_space<vmem>>, vector<16xi32>,
    %swap3A_242 = vector.shape_cast %swap3A_241 : vector<16xi32> to vector<16xi32>
    %swap3A_243 = vector.shape_cast %add3A_239 : vector<16xi32> to vector<16xi32>
    tpu.vector_store %arg5[%swap3A_240], %swap3A_243 {strides = array<i32>} : memref<512xi32, #tpu.memory_space<vmem>>, vector<16xi32>,
    %get3A_244 = arith.constant 400 : index
    %get3A_245 = tpu.vector_load %arg5[%get3A_244] {strides = array<i32>} : memref<512xi32, #tpu.memory_space<vmem>>, vector<16xi32>,
    %get3A_246 = vector.shape_cast %get3A_245 : vector<16xi32> to vector<16xi32>
    %add3A_247 = vector.broadcast %mul3A_20 : i32 to vector<16xi32>
    %add3A_248 = arith.addi %get3A_246, %add3A_247 : vector<16xi32>
    %swap3A_249 = arith.constant 400 : index
    %swap3A_250 = tpu.vector_load %arg5[%swap3A_249] {strides = array<i32>} : memref<512xi32, #tpu.memory_space<vmem>>, vector<16xi32>,
    %swap3A_251 = vector.shape_cast %swap3A_250 : vector<16xi32> to vector<16xi32>
    %swap3A_252 = vector.shape_cast %add3A_248 : vector<16xi32> to vector<16xi32>
    tpu.vector_store %arg5[%swap3A_249], %swap3A_252 {strides = array<i32>} : memref<512xi32, #tpu.memory_space<vmem>>, vector<16xi32>,
    %get3A_253 = arith.constant 416 : index
    %get3A_254 = tpu.vector_load %arg5[%get3A_253] {strides = array<i32>} : memref<512xi32, #tpu.memory_space<vmem>>, vector<16xi32>,
    %get3A_255 = vector.shape_cast %get3A_254 : vector<16xi32> to vector<16xi32>
    %add3A_256 = vector.broadcast %mul3A_20 : i32 to vector<16xi32>
    %add3A_257 = arith.addi %get3A_255, %add3A_256 : vector<16xi32>
    %swap3A_258 = arith.constant 416 : index
    %swap3A_259 = tpu.vector_load %arg5[%swap3A_258] {strides = array<i32>} : memref<512xi32, #tpu.memory_space<vmem>>, vector<16xi32>,
    %swap3A_260 = vector.shape_cast %swap3A_259 : vector<16xi32> to vector<16xi32>
    %swap3A_261 = vector.shape_cast %add3A_257 : vector<16xi32> to vector<16xi32>
    tpu.vector_store %arg5[%swap3A_258], %swap3A_261 {strides = array<i32>} : memref<512xi32, #tpu.memory_space<vmem>>, vector<16xi32>,
    %get3A_262 = arith.constant 432 : index
    %get3A_263 = tpu.vector_load %arg5[%get3A_262] {strides = array<i32>} : memref<512xi32, #tpu.memory_space<vmem>>, vector<16xi32>,
    %get3A_264 = vector.shape_cast %get3A_263 : vector<16xi32> to vector<16xi32>
    %add3A_265 = vector.broadcast %mul3A_20 : i32 to vector<16xi32>
    %add3A_266 = arith.addi %get3A_264, %add3A_265 : vector<16xi32>
    %swap3A_267 = arith.constant 432 : index
    %swap3A_268 = tpu.vector_load %arg5[%swap3A_267] {strides = array<i32>} : memref<512xi32, #tpu.memory_space<vmem>>, vector<16xi32>,
    %swap3A_269 = vector.shape_cast %swap3A_268 : vector<16xi32> to vector<16xi32>
    %swap3A_270 = vector.shape_cast %add3A_266 : vector<16xi32> to vector<16xi32>
    tpu.vector_store %arg5[%swap3A_267], %swap3A_270 {strides = array<i32>} : memref<512xi32, #tpu.memory_space<vmem>>, vector<16xi32>,
    %get3A_271 = arith.constant 448 : index
    %get3A_272 = tpu.vector_load %arg5[%get3A_271] {strides = array<i32>} : memref<512xi32, #tpu.memory_space<vmem>>, vector<16xi32>,
    %get3A_273 = vector.shape_cast %get3A_272 : vector<16xi32> to vector<16xi32>
    %add3A_274 = vector.broadcast %mul3A_20 : i32 to vector<16xi32>
    %add3A_275 = arith.addi %get3A_273, %add3A_274 : vector<16xi32>
    %swap3A_276 = arith.constant 448 : index
    %swap3A_277 = tpu.vector_load %arg5[%swap3A_276] {strides = array<i32>} : memref<512xi32, #tpu.memory_space<vmem>>, vector<16xi32>,
    %swap3A_278 = vector.shape_cast %swap3A_277 : vector<16xi32> to vector<16xi32>
    %swap3A_279 = vector.shape_cast %add3A_275 : vector<16xi32> to vector<16xi32>
    tpu.vector_store %arg5[%swap3A_276], %swap3A_279 {strides = array<i32>} : memref<512xi32, #tpu.memory_space<vmem>>, vector<16xi32>,
    %get3A_280 = arith.constant 464 : index
    %get3A_281 = tpu.vector_load %arg5[%get3A_280] {strides = array<i32>} : memref<512xi32, #tpu.memory_space<vmem>>, vector<16xi32>,
    %get3A_282 = vector.shape_cast %get3A_281 : vector<16xi32> to vector<16xi32>
    %add3A_283 = vector.broadcast %mul3A_20 : i32 to vector<16xi32>
    %add3A_284 = arith.addi %get3A_282, %add3A_283 : vector<16xi32>
    %swap3A_285 = arith.constant 464 : index
    %swap3A_286 = tpu.vector_load %arg5[%swap3A_285] {strides = array<i32>} : memref<512xi32, #tpu.memory_space<vmem>>, vector<16xi32>,
    %swap3A_287 = vector.shape_cast %swap3A_286 : vector<16xi32> to vector<16xi32>
    %swap3A_288 = vector.shape_cast %add3A_284 : vector<16xi32> to vector<16xi32>
    tpu.vector_store %arg5[%swap3A_285], %swap3A_288 {strides = array<i32>} : memref<512xi32, #tpu.memory_space<vmem>>, vector<16xi32>,
    %get3A_289 = arith.constant 480 : index
    %get3A_290 = tpu.vector_load %arg5[%get3A_289] {strides = array<i32>} : memref<512xi32, #tpu.memory_space<vmem>>, vector<16xi32>,
    %get3A_291 = vector.shape_cast %get3A_290 : vector<16xi32> to vector<16xi32>
    %add3A_292 = vector.broadcast %mul3A_20 : i32 to vector<16xi32>
    %add3A_293 = arith.addi %get3A_291, %add3A_292 : vector<16xi32>
    %swap3A_294 = arith.constant 480 : index
    %swap3A_295 = tpu.vector_load %arg5[%swap3A_294] {strides = array<i32>} : memref<512xi32, #tpu.memory_space<vmem>>, vector<16xi32>,
    %swap3A_296 = vector.shape_cast %swap3A_295 : vector<16xi32> to vector<16xi32>
    %swap3A_297 = vector.shape_cast %add3A_293 : vector<16xi32> to vector<16xi32>
    tpu.vector_store %arg5[%swap3A_294], %swap3A_297 {strides = array<i32>} : memref<512xi32, #tpu.memory_space<vmem>>, vector<16xi32>,
    %get3A_298 = arith.constant 496 : index
    %get3A_299 = tpu.vector_load %arg5[%get3A_298] {strides = array<i32>} : memref<512xi32, #tpu.memory_space<vmem>>, vector<16xi32>,
    %get3A_300 = vector.shape_cast %get3A_299 : vector<16xi32> to vector<16xi32>
    %add3A_301 = vector.broadcast %mul3A_20 : i32 to vector<16xi32>
    %add3A_302 = arith.addi %get3A_300, %add3A_301 : vector<16xi32>
    %swap3A_303 = arith.constant 496 : index
    %swap3A_304 = tpu.vector_load %arg5[%swap3A_303] {strides = array<i32>} : memref<512xi32, #tpu.memory_space<vmem>>, vector<16xi32>,
    %swap3A_305 = vector.shape_cast %swap3A_304 : vector<16xi32> to vector<16xi32>
    %swap3A_306 = vector.shape_cast %add3A_302 : vector<16xi32> to vector<16xi32>
    tpu.vector_store %arg5[%swap3A_303], %swap3A_306 {strides = array<i32>} : memref<512xi32, #tpu.memory_space<vmem>>, vector<16xi32>,
    %dma_start3A = arith.constant 0 : i32
    %dma_start3A_307 = tpu.memref_slice %arg5[%dma_start3A] : memref<512xi32, #tpu.memory_space<vmem>> -> memref<128xi32, #tpu.memory_space<vmem>>
    %dma_start3A_308 = arith.constant 0 : i32
    %dma_start3A_309 = arith.constant 0 : i32
    %dma_start3A_310 = tpu.memref_slice %arg3[%dma_start3A_308, %dma_start3A_309] : memref<20000x384xf32, #tpu.memory_space<hbm>> -> memref<20000x384xf32, #tpu.memory_space<hbm>>
    tpu.enqueue_indirect_dma source(%dma_start3A_310 : memref<20000x384xf32, #tpu.memory_space<hbm>>) target(%arg6 : memref<128x384xf32, #tpu.memory_space<vmem>>) offsets(%dma_start3A_307 : memref<128xi32, #tpu.memory_space<vmem>>) semaphore(%arg8 : memref<!tpu.dma_semaphore, #tpu.memory_space<semaphore_mem>>)
    %dma_start3A_311 = arith.constant 128 : i32
    %dma_start3A_312 = tpu.memref_slice %arg5[%dma_start3A_311] : memref<512xi32, #tpu.memory_space<vmem>> -> memref<128xi32, #tpu.memory_space<vmem>>
    %dma_start3A_313 = arith.constant 0 : i32
    %dma_start3A_314 = arith.constant 0 : i32
    %dma_start3A_315 = tpu.memref_slice %arg3[%dma_start3A_313, %dma_start3A_314] : memref<20000x384xf32, #tpu.memory_space<hbm>> -> memref<20000x384xf32, #tpu.memory_space<hbm>>
    tpu.enqueue_indirect_dma source(%dma_start3A_315 : memref<20000x384xf32, #tpu.memory_space<hbm>>) target(%arg7 : memref<128x384xf32, #tpu.memory_space<vmem>>) offsets(%dma_start3A_312 : memref<128xi32, #tpu.memory_space<vmem>>) semaphore(%arg9 : memref<!tpu.dma_semaphore, #tpu.memory_space<semaphore_mem>>)
    %dma_wait3A = arith.constant 0 : i32
    %dma_wait3A_316 = tpu.memref_slice %arg5[%dma_wait3A] : memref<512xi32, #tpu.memory_space<vmem>> -> memref<128xi32, #tpu.memory_space<vmem>>
    %dma_wait3A_317 = arith.constant 0 : i32
    %dma_wait3A_318 = arith.constant 0 : i32
    %dma_wait3A_319 = tpu.memref_slice %arg3[%dma_wait3A_317, %dma_wait3A_318] : memref<20000x384xf32, #tpu.memory_space<hbm>> -> memref<20000x384xf32, #tpu.memory_space<hbm>>
    tpu.wait_indirect_dma semaphore(%arg8 : memref<!tpu.dma_semaphore, #tpu.memory_space<semaphore_mem>>) src(%dma_wait3A_319 : memref<20000x384xf32, #tpu.memory_space<hbm>>) dst(%arg6 : memref<128x384xf32, #tpu.memory_space<vmem>>)
    %add3A_320 = arith.constant 0 : i32
    %add3A_321 = arith.addi %mul3A_2, %add3A_320 : i32
    "tpu.region"() ({
      %run_scoped3A = tpu.sem_alloc : memref<!tpu.dma_semaphore, #tpu.memory_space<semaphore_mem>>
      %dma_start3A_353 = arith.constant 0 : i32
      %dma_start3A_354 = tpu.memref_slice %arg4[%add3A_321, %dma_start3A_353] : memref<16384x384xf32, #tpu.memory_space<hbm>> -> memref<128x384xf32, #tpu.memory_space<hbm>>
      %dma_start3A_355 = arith.constant 0 : i32
      %dma_start3A_356 = tpu.memref_slice %arg4[%add3A_321, %dma_start3A_355] : memref<16384x384xf32, #tpu.memory_space<hbm>> -> memref<128x384xf32, #tpu.memory_space<hbm>>
      tpu.enqueue_dma source(%arg6 : memref<128x384xf32, #tpu.memory_space<vmem>>) target(%dma_start3A_356 : memref<128x384xf32, #tpu.memory_space<hbm>>) target_semaphore(%run_scoped3A : memref<!tpu.dma_semaphore, #tpu.memory_space<semaphore_mem>>)
      %dma_wait3A_357 = arith.constant 0 : i32
      %dma_wait3A_358 = tpu.memref_slice %arg4[%add3A_321, %dma_wait3A_357] : memref<16384x384xf32, #tpu.memory_space<hbm>> -> memref<128x384xf32, #tpu.memory_space<hbm>>
      %dma_wait3A_359 = arith.constant 0 : i32
      %dma_wait3A_360 = tpu.memref_slice %arg4[%add3A_321, %dma_wait3A_359] : memref<16384x384xf32, #tpu.memory_space<hbm>> -> memref<128x384xf32, #tpu.memory_space<hbm>>
      tpu.wait_dma2 semaphore(%run_scoped3A : memref<!tpu.dma_semaphore, #tpu.memory_space<semaphore_mem>>) src(%arg6 : memref<128x384xf32, #tpu.memory_space<vmem>>) dst(%dma_wait3A_360 : memref<128x384xf32, #tpu.memory_space<hbm>>)
      tpu.yield
    }) : () -> ()
    %dma_start3A_322 = arith.constant 256 : i32
    %dma_start3A_323 = tpu.memref_slice %arg5[%dma_start3A_322] : memref<512xi32, #tpu.memory_space<vmem>> -> memref<128xi32, #tpu.memory_space<vmem>>
    %dma_start3A_324 = arith.constant 0 : i32
    %dma_start3A_325 = arith.constant 0 : i32
    %dma_start3A_326 = tpu.memref_slice %arg3[%dma_start3A_324, %dma_start3A_325] : memref<20000x384xf32, #tpu.memory_space<hbm>> -> memref<20000x384xf32, #tpu.memory_space<hbm>>
    tpu.enqueue_indirect_dma source(%dma_start3A_326 : memref<20000x384xf32, #tpu.memory_space<hbm>>) target(%arg6 : memref<128x384xf32, #tpu.memory_space<vmem>>) offsets(%dma_start3A_323 : memref<128xi32, #tpu.memory_space<vmem>>) semaphore(%arg8 : memref<!tpu.dma_semaphore, #tpu.memory_space<semaphore_mem>>)
    %dma_wait3A_327 = arith.constant 128 : i32
    %dma_wait3A_328 = tpu.memref_slice %arg5[%dma_wait3A_327] : memref<512xi32, #tpu.memory_space<vmem>> -> memref<128xi32, #tpu.memory_space<vmem>>
    %dma_wait3A_329 = arith.constant 0 : i32
    %dma_wait3A_330 = arith.constant 0 : i32
    %dma_wait3A_331 = tpu.memref_slice %arg3[%dma_wait3A_329, %dma_wait3A_330] : memref<20000x384xf32, #tpu.memory_space<hbm>> -> memref<20000x384xf32, #tpu.memory_space<hbm>>
    tpu.wait_indirect_dma semaphore(%arg9 : memref<!tpu.dma_semaphore, #tpu.memory_space<semaphore_mem>>) src(%dma_wait3A_331 : memref<20000x384xf32, #tpu.memory_space<hbm>>) dst(%arg7 : memref<128x384xf32, #tpu.memory_space<vmem>>)
    %add3A_332 = arith.constant 128 : i32
    %add3A_333 = arith.addi %mul3A_2, %add3A_332 : i32
    "tpu.region"() ({
      %run_scoped3A = tpu.sem_alloc : memref<!tpu.dma_semaphore, #tpu.memory_space<semaphore_mem>>
      %dma_start3A_353 = arith.constant 0 : i32
      %dma_start3A_354 = tpu.memref_slice %arg4[%add3A_333, %dma_start3A_353] : memref<16384x384xf32, #tpu.memory_space<hbm>> -> memref<128x384xf32, #tpu.memory_space<hbm>>
      %dma_start3A_355 = arith.constant 0 : i32
      %dma_start3A_356 = tpu.memref_slice %arg4[%add3A_333, %dma_start3A_355] : memref<16384x384xf32, #tpu.memory_space<hbm>> -> memref<128x384xf32, #tpu.memory_space<hbm>>
      tpu.enqueue_dma source(%arg7 : memref<128x384xf32, #tpu.memory_space<vmem>>) target(%dma_start3A_356 : memref<128x384xf32, #tpu.memory_space<hbm>>) target_semaphore(%run_scoped3A : memref<!tpu.dma_semaphore, #tpu.memory_space<semaphore_mem>>)
      %dma_wait3A_357 = arith.constant 0 : i32
      %dma_wait3A_358 = tpu.memref_slice %arg4[%add3A_333, %dma_wait3A_357] : memref<16384x384xf32, #tpu.memory_space<hbm>> -> memref<128x384xf32, #tpu.memory_space<hbm>>
      %dma_wait3A_359 = arith.constant 0 : i32
      %dma_wait3A_360 = tpu.memref_slice %arg4[%add3A_333, %dma_wait3A_359] : memref<16384x384xf32, #tpu.memory_space<hbm>> -> memref<128x384xf32, #tpu.memory_space<hbm>>
      tpu.wait_dma2 semaphore(%run_scoped3A : memref<!tpu.dma_semaphore, #tpu.memory_space<semaphore_mem>>) src(%arg7 : memref<128x384xf32, #tpu.memory_space<vmem>>) dst(%dma_wait3A_360 : memref<128x384xf32, #tpu.memory_space<hbm>>)
      tpu.yield
    }) : () -> ()
    %dma_start3A_334 = arith.constant 384 : i32
    %dma_start3A_335 = tpu.memref_slice %arg5[%dma_start3A_334] : memref<512xi32, #tpu.memory_space<vmem>> -> memref<128xi32, #tpu.memory_space<vmem>>
    %dma_start3A_336 = arith.constant 0 : i32
    %dma_start3A_337 = arith.constant 0 : i32
    %dma_start3A_338 = tpu.memref_slice %arg3[%dma_start3A_336, %dma_start3A_337] : memref<20000x384xf32, #tpu.memory_space<hbm>> -> memref<20000x384xf32, #tpu.memory_space<hbm>>
    tpu.enqueue_indirect_dma source(%dma_start3A_338 : memref<20000x384xf32, #tpu.memory_space<hbm>>) target(%arg7 : memref<128x384xf32, #tpu.memory_space<vmem>>) offsets(%dma_start3A_335 : memref<128xi32, #tpu.memory_space<vmem>>) semaphore(%arg9 : memref<!tpu.dma_semaphore, #tpu.memory_space<semaphore_mem>>)
    %dma_wait3A_339 = arith.constant 256 : i32
    %dma_wait3A_340 = tpu.memref_slice %arg5[%dma_wait3A_339] : memref<512xi32, #tpu.memory_space<vmem>> -> memref<128xi32, #tpu.memory_space<vmem>>
    %dma_wait3A_341 = arith.constant 0 : i32
    %dma_wait3A_342 = arith.constant 0 : i32
    %dma_wait3A_343 = tpu.memref_slice %arg3[%dma_wait3A_341, %dma_wait3A_342] : memref<20000x384xf32, #tpu.memory_space<hbm>> -> memref<20000x384xf32, #tpu.memory_space<hbm>>
    tpu.wait_indirect_dma semaphore(%arg8 : memref<!tpu.dma_semaphore, #tpu.memory_space<semaphore_mem>>) src(%dma_wait3A_343 : memref<20000x384xf32, #tpu.memory_space<hbm>>) dst(%arg6 : memref<128x384xf32, #tpu.memory_space<vmem>>)
    %add3A_344 = arith.constant 256 : i32
    %add3A_345 = arith.addi %mul3A_2, %add3A_344 : i32
    "tpu.region"() ({
      %run_scoped3A = tpu.sem_alloc : memref<!tpu.dma_semaphore, #tpu.memory_space<semaphore_mem>>
      %dma_start3A_353 = arith.constant 0 : i32
      %dma_start3A_354 = tpu.memref_slice %arg4[%add3A_345, %dma_start3A_353] : memref<16384x384xf32, #tpu.memory_space<hbm>> -> memref<128x384xf32, #tpu.memory_space<hbm>>
      %dma_start3A_355 = arith.constant 0 : i32
      %dma_start3A_356 = tpu.memref_slice %arg4[%add3A_345, %dma_start3A_355] : memref<16384x384xf32, #tpu.memory_space<hbm>> -> memref<128x384xf32, #tpu.memory_space<hbm>>
      tpu.enqueue_dma source(%arg6 : memref<128x384xf32, #tpu.memory_space<vmem>>) target(%dma_start3A_356 : memref<128x384xf32, #tpu.memory_space<hbm>>) target_semaphore(%run_scoped3A : memref<!tpu.dma_semaphore, #tpu.memory_space<semaphore_mem>>)
      %dma_wait3A_357 = arith.constant 0 : i32
      %dma_wait3A_358 = tpu.memref_slice %arg4[%add3A_345, %dma_wait3A_357] : memref<16384x384xf32, #tpu.memory_space<hbm>> -> memref<128x384xf32, #tpu.memory_space<hbm>>
      %dma_wait3A_359 = arith.constant 0 : i32
      %dma_wait3A_360 = tpu.memref_slice %arg4[%add3A_345, %dma_wait3A_359] : memref<16384x384xf32, #tpu.memory_space<hbm>> -> memref<128x384xf32, #tpu.memory_space<hbm>>
      tpu.wait_dma2 semaphore(%run_scoped3A : memref<!tpu.dma_semaphore, #tpu.memory_space<semaphore_mem>>) src(%arg6 : memref<128x384xf32, #tpu.memory_space<vmem>>) dst(%dma_wait3A_360 : memref<128x384xf32, #tpu.memory_space<hbm>>)
      tpu.yield
    }) : () -> ()
    %dma_wait3A_346 = arith.constant 384 : i32
    %dma_wait3A_347 = tpu.memref_slice %arg5[%dma_wait3A_346] : memref<512xi32, #tpu.memory_space<vmem>> -> memref<128xi32, #tpu.memory_space<vmem>>
    %dma_wait3A_348 = arith.constant 0 : i32
    %dma_wait3A_349 = arith.constant 0 : i32
    %dma_wait3A_350 = tpu.memref_slice %arg3[%dma_wait3A_348, %dma_wait3A_349] : memref<20000x384xf32, #tpu.memory_space<hbm>> -> memref<20000x384xf32, #tpu.memory_space<hbm>>
    tpu.wait_indirect_dma semaphore(%arg9 : memref<!tpu.dma_semaphore, #tpu.memory_space<semaphore_mem>>) src(%dma_wait3A_350 : memref<20000x384xf32, #tpu.memory_space<hbm>>) dst(%arg7 : memref<128x384xf32, #tpu.memory_space<vmem>>)
    %add3A_351 = arith.constant 384 : i32
    %add3A_352 = arith.addi %mul3A_2, %add3A_351 : i32
    "tpu.region"() ({
      %run_scoped3A = tpu.sem_alloc : memref<!tpu.dma_semaphore, #tpu.memory_space<semaphore_mem>>
      %dma_start3A_353 = arith.constant 0 : i32
      %dma_start3A_354 = tpu.memref_slice %arg4[%add3A_352, %dma_start3A_353] : memref<16384x384xf32, #tpu.memory_space<hbm>> -> memref<128x384xf32, #tpu.memory_space<hbm>>
      %dma_start3A_355 = arith.constant 0 : i32
      %dma_start3A_356 = tpu.memref_slice %arg4[%add3A_352, %dma_start3A_355] : memref<16384x384xf32, #tpu.memory_space<hbm>> -> memref<128x384xf32, #tpu.memory_space<hbm>>
      tpu.enqueue_dma source(%arg7 : memref<128x384xf32, #tpu.memory_space<vmem>>) target(%dma_start3A_356 : memref<128x384xf32, #tpu.memory_space<hbm>>) target_semaphore(%run_scoped3A : memref<!tpu.dma_semaphore, #tpu.memory_space<semaphore_mem>>)
      %dma_wait3A_357 = arith.constant 0 : i32
      %dma_wait3A_358 = tpu.memref_slice %arg4[%add3A_352, %dma_wait3A_357] : memref<16384x384xf32, #tpu.memory_space<hbm>> -> memref<128x384xf32, #tpu.memory_space<hbm>>
      %dma_wait3A_359 = arith.constant 0 : i32
      %dma_wait3A_360 = tpu.memref_slice %arg4[%add3A_352, %dma_wait3A_359] : memref<16384x384xf32, #tpu.memory_space<hbm>> -> memref<128x384xf32, #tpu.memory_space<hbm>>
      tpu.wait_dma2 semaphore(%run_scoped3A : memref<!tpu.dma_semaphore, #tpu.memory_space<semaphore_mem>>) src(%arg7 : memref<128x384xf32, #tpu.memory_space<vmem>>) dst(%dma_wait3A_360 : memref<128x384xf32, #tpu.memory_space<hbm>>)
      tpu.yield
    }) : () -> ()
    return
  }
}

module attributes {stable_mosaic.version = 14 : i64} {
  func.func @_stream_body(%arg0: i32, %arg1: i32, %arg2: memref<1x2000x3xf32, #tpu.memory_space<vmem>>, %arg3: memref<3x64xf32, #tpu.memory_space<vmem>>, %arg4: memref<64xf32, #tpu.memory_space<vmem>>, %arg5: memref<64x512xf32, #tpu.memory_space<vmem>>, %arg6: memref<3x128xf32, #tpu.memory_space<vmem>>, %arg7: memref<128xf32, #tpu.memory_space<vmem>>, %arg8: memref<128x256xf32, #tpu.memory_space<vmem>>, %arg9: memref<256xf32, #tpu.memory_space<vmem>>, %arg10: memref<3x128xf32, #tpu.memory_space<vmem>>, %arg11: memref<128xf32, #tpu.memory_space<vmem>>, %arg12: memref<64x1xf32, #tpu.memory_space<vmem>>, %arg13: memref<1xf32, #tpu.memory_space<vmem>>, %arg14: memref<4x128xf32, #tpu.memory_space<vmem>>, %arg15: memref<128xf32, #tpu.memory_space<vmem>>, %arg16: memref<128x256xf32, #tpu.memory_space<vmem>>, %arg17: memref<256xf32, #tpu.memory_space<vmem>>, %arg18: memref<1x2000x384xf32, #tpu.memory_space<vmem>>, %arg19: memref<1x3x512xf32, #tpu.memory_space<vmem>>, %arg20: memref<1x1x512xf32, #tpu.memory_space<vmem>>, %arg21: memref<1x512x128xf32, #tpu.memory_space<vmem>>, %arg22: memref<1x512x256xf32, #tpu.memory_space<vmem>>, %arg23: memref<1x512xf32, #tpu.memory_space<vmem>>, %arg24: memref<1x512xf32, #tpu.memory_space<vmem>>, %arg25: memref<3x512xf32, #tpu.memory_space<vmem>>, %arg26: memref<64x512xf32, #tpu.memory_space<vmem>>) attributes {dimension_semantics = [#tpu.dimension_semantics<arbitrary>, #tpu.dimension_semantics<arbitrary>], iteration_bounds = array<i64: 2, 5>, scalar_prefetch = 0 : i64, scratch_operands = 4 : i64, tpu.core_type = #tpu.core_type<tc>, window_params = [{transform_indices = @transform_0, window_bounds = array<i64: 1, 2000, 3>}, {pipeline_mode = #tpu.pipeline_mode<synchronous>, transform_indices = @transform_1, window_bounds = array<i64: 3, 64>}, {pipeline_mode = #tpu.pipeline_mode<synchronous>, transform_indices = @transform_2, window_bounds = array<i64: 64>}, {pipeline_mode = #tpu.pipeline_mode<synchronous>, transform_indices = @transform_3, window_bounds = array<i64: 64, 512>}, {pipeline_mode = #tpu.pipeline_mode<synchronous>, transform_indices = @transform_4, window_bounds = array<i64: 3, 128>}, {pipeline_mode = #tpu.pipeline_mode<synchronous>, transform_indices = @transform_5, window_bounds = array<i64: 128>}, {pipeline_mode = #tpu.pipeline_mode<synchronous>, transform_indices = @transform_6, window_bounds = array<i64: 128, 256>}, {pipeline_mode = #tpu.pipeline_mode<synchronous>, transform_indices = @transform_7, window_bounds = array<i64: 256>}, {pipeline_mode = #tpu.pipeline_mode<synchronous>, transform_indices = @transform_8, window_bounds = array<i64: 3, 128>}, {pipeline_mode = #tpu.pipeline_mode<synchronous>, transform_indices = @transform_9, window_bounds = array<i64: 128>}, {pipeline_mode = #tpu.pipeline_mode<synchronous>, transform_indices = @transform_10, window_bounds = array<i64: 64, 1>}, {pipeline_mode = #tpu.pipeline_mode<synchronous>, transform_indices = @transform_11, window_bounds = array<i64: 1>}, {pipeline_mode = #tpu.pipeline_mode<synchronous>, transform_indices = @transform_12, window_bounds = array<i64: 4, 128>}, {pipeline_mode = #tpu.pipeline_mode<synchronous>, transform_indices = @transform_13, window_bounds = array<i64: 128>}, {pipeline_mode = #tpu.pipeline_mode<synchronous>, transform_indices = @transform_14, window_bounds = array<i64: 128, 256>}, {pipeline_mode = #tpu.pipeline_mode<synchronous>, transform_indices = @transform_15, window_bounds = array<i64: 256>}, {transform_indices = @transform_16, window_bounds = array<i64: 1, 2000, 384>}, {transform_indices = @transform_17, window_bounds = array<i64: 1, 3, 512>}, {transform_indices = @transform_18, window_bounds = array<i64: 1, 1, 512>}, {transform_indices = @transform_19, window_bounds = array<i64: 1, 512, 128>}, {transform_indices = @transform_20, window_bounds = array<i64: 1, 512, 256>}]} {
    %eq3A = arith.constant 0 : i32
    %eq3A_0 = arith.cmpi eq, %arg1, %eq3A : i32
    %convert_element_type3A = arith.extui %eq3A_0 : i1 to i32
    %cond3A = arith.constant 0 : i32
    %cond3A_1 = arith.cmpi ne, %convert_element_type3A, %cond3A : i32
    scf.if %cond3A_1 {
      %broadcast_in_dim3A_112 = arith.constant -1.000000e+30 : f32
      %broadcast_in_dim3A_113 = vector.broadcast %broadcast_in_dim3A_112 : f32 to vector<1x512xf32>
      %swap3A_114 = arith.constant 0 : index
      %swap3A_115 = arith.constant 0 : index
      %swap3A_116 = vector.load %arg23[%swap3A_114, %swap3A_115] : memref<1x512xf32, #tpu.memory_space<vmem>>, vector<1x512xf32>
      tpu.vector_store %arg23[%swap3A_114, %swap3A_115], %broadcast_in_dim3A_113 {strides = array<i32>} : memref<1x512xf32, #tpu.memory_space<vmem>>, vector<1x512xf32>,
      %broadcast_in_dim3A_117 = arith.constant 0.000000e+00 : f32
      %broadcast_in_dim3A_118 = vector.broadcast %broadcast_in_dim3A_117 : f32 to vector<1x512xf32>
      %swap3A_119 = arith.constant 0 : index
      %swap3A_120 = arith.constant 0 : index
      %swap3A_121 = vector.load %arg24[%swap3A_119, %swap3A_120] : memref<1x512xf32, #tpu.memory_space<vmem>>, vector<1x512xf32>
      tpu.vector_store %arg24[%swap3A_119, %swap3A_120], %broadcast_in_dim3A_118 {strides = array<i32>} : memref<1x512xf32, #tpu.memory_space<vmem>>, vector<1x512xf32>,
      %broadcast_in_dim3A_122 = arith.constant 0.000000e+00 : f32
      %broadcast_in_dim3A_123 = vector.broadcast %broadcast_in_dim3A_122 : f32 to vector<3x512xf32>
      %swap3A_124 = arith.constant 0 : index
      %swap3A_125 = arith.constant 0 : index
      %swap3A_126 = vector.load %arg25[%swap3A_124, %swap3A_125] : memref<3x512xf32, #tpu.memory_space<vmem>>, vector<3x512xf32>
      tpu.vector_store %arg25[%swap3A_124, %swap3A_125], %broadcast_in_dim3A_123 {strides = array<i32>} : memref<3x512xf32, #tpu.memory_space<vmem>>, vector<3x512xf32>,
      %broadcast_in_dim3A_127 = arith.constant 0.000000e+00 : f32
      %broadcast_in_dim3A_128 = vector.broadcast %broadcast_in_dim3A_127 : f32 to vector<64x512xf32>
      %swap3A_129 = arith.constant 0 : index
      %swap3A_130 = arith.constant 0 : index
      %swap3A_131 = vector.load %arg26[%swap3A_129, %swap3A_130] : memref<64x512xf32, #tpu.memory_space<vmem>>, vector<64x512xf32>
      tpu.vector_store %arg26[%swap3A_129, %swap3A_130], %broadcast_in_dim3A_128 {strides = array<i32>} : memref<64x512xf32, #tpu.memory_space<vmem>>, vector<64x512xf32>,
    } else {
    }
    %get3A = arith.constant 0 : index
    %get3A_2 = arith.constant 0 : index
    %get3A_3 = arith.constant 0 : index
    %get3A_4 = vector.load %arg2[%get3A, %get3A_2, %get3A_3] : memref<1x2000x3xf32, #tpu.memory_space<vmem>>, vector<1x2000x3xf32>
    %get3A_5 = vector.shape_cast %get3A_4 : vector<1x2000x3xf32> to vector<2000x3xf32>
    %get3A_6 = arith.constant 0 : index
    %get3A_7 = arith.constant 0 : index
    %get3A_8 = vector.load %arg3[%get3A_6, %get3A_7] : memref<3x64xf32, #tpu.memory_space<vmem>>, vector<3x64xf32>
    %dot_general3A = arith.constant dense<0.000000e+00> : vector<2000x64xf32>
    %dot_general3A_9 = tpu.matmul %get3A_5, %get3A_8, %dot_general3A {dimension_numbers = #tpu.dot_dimension_numbers<[1], [0], [0], [1], [0, 0, 1, 1], [], []>, transpose_lhs_hint = false} : vector<2000x3xf32>, vector<3x64xf32>, vector<2000x64xf32> -> vector<2000x64xf32>
    %get3A_10 = arith.constant 0 : index
    %get3A_11 = vector.load %arg4[%get3A_10] : memref<64xf32, #tpu.memory_space<vmem>>, vector<64xf32>
    %broadcast_in_dim3A = vector.shape_cast %get3A_11 : vector<64xf32> to vector<1x64xf32>
    %add3A = vector.broadcast %broadcast_in_dim3A : vector<1x64xf32> to vector<2000x64xf32>
    %add3A_12 = arith.addf %dot_general3A_9, %add3A : vector<2000x64xf32>
    %max3A = arith.constant 0.000000e+00 : f32
    %max3A_13 = vector.broadcast %max3A : f32 to vector<2000x64xf32>
    %max3A_14 = arith.maximumf %add3A_12, %max3A_13 : vector<2000x64xf32>
    %get3A_15 = arith.constant 0 : index
    %get3A_16 = arith.constant 0 : index
    %get3A_17 = vector.load %arg5[%get3A_15, %get3A_16] : memref<64x512xf32, #tpu.memory_space<vmem>>, vector<64x512xf32>
    %dot_general3A_18 = arith.constant dense<0.000000e+00> : vector<2000x512xf32>
    %dot_general3A_19 = tpu.matmul %max3A_14, %get3A_17, %dot_general3A_18 {dimension_numbers = #tpu.dot_dimension_numbers<[1], [0], [0], [1], [0, 0, 1, 1], [], []>, transpose_lhs_hint = false} : vector<2000x64xf32>, vector<64x512xf32>, vector<2000x512xf32> -> vector<2000x512xf32>
    %get3A_20 = arith.constant 0 : index
    %get3A_21 = arith.constant 0 : index
    %get3A_22 = vector.load %arg23[%get3A_20, %get3A_21] : memref<1x512xf32, #tpu.memory_space<vmem>>, vector<1x512xf32>
    %reduce_max3A = arith.constant dense<0xFF800000> : vector<512xf32>
    %reduce_max3A_23 = vector.multi_reduction <maximumf>, %dot_general3A_19, %reduce_max3A [0] : vector<2000x512xf32> to vector<512xf32>
    %broadcast_in_dim3A_24 = vector.shape_cast %reduce_max3A_23 : vector<512xf32> to vector<1x512xf32>
    %max3A_25 = arith.maximumf %get3A_22, %broadcast_in_dim3A_24 : vector<1x512xf32>
    %sub3A = arith.subf %get3A_22, %max3A_25 : vector<1x512xf32>
    %exp3A = math.exp %sub3A : vector<1x512xf32>
    %sub3A_26 = vector.broadcast %max3A_25 : vector<1x512xf32> to vector<2000x512xf32>
    %sub3A_27 = arith.subf %dot_general3A_19, %sub3A_26 : vector<2000x512xf32>
    %exp3A_28 = math.exp %sub3A_27 : vector<2000x512xf32>
    %get3A_29 = arith.constant 0 : index
    %get3A_30 = arith.constant 0 : index
    %get3A_31 = vector.load %arg24[%get3A_29, %get3A_30] : memref<1x512xf32, #tpu.memory_space<vmem>>, vector<1x512xf32>
    %mul3A = arith.mulf %get3A_31, %exp3A : vector<1x512xf32>
    %reduce_sum3A = arith.constant dense<0.000000e+00> : vector<512xf32>
    %reduce_sum3A_32 = vector.multi_reduction <add>, %exp3A_28, %reduce_sum3A [0] : vector<2000x512xf32> to vector<512xf32>
    %broadcast_in_dim3A_33 = vector.shape_cast %reduce_sum3A_32 : vector<512xf32> to vector<1x512xf32>
    %add3A_34 = arith.addf %mul3A, %broadcast_in_dim3A_33 : vector<1x512xf32>
    %get3A_35 = arith.constant 0 : index
    %get3A_36 = arith.constant 0 : index
    %get3A_37 = vector.load %arg25[%get3A_35, %get3A_36] : memref<3x512xf32, #tpu.memory_space<vmem>>, vector<3x512xf32>
    %mul3A_38 = vector.broadcast %exp3A : vector<1x512xf32> to vector<3x512xf32>
    %mul3A_39 = arith.mulf %get3A_37, %mul3A_38 : vector<3x512xf32>
    %dot_general3A_40 = arith.constant dense<0.000000e+00> : vector<3x512xf32>
    %dot_general3A_41 = tpu.matmul %get3A_5, %exp3A_28, %dot_general3A_40 {dimension_numbers = #tpu.dot_dimension_numbers<[0], [0], [1], [1], [0, 1, 1, 1], [], []>, transpose_lhs_hint = false} : vector<2000x3xf32>, vector<2000x512xf32>, vector<3x512xf32> -> vector<3x512xf32>
    %add3A_42 = arith.addf %mul3A_39, %dot_general3A_41 : vector<3x512xf32>
    %get3A_43 = arith.constant 0 : index
    %get3A_44 = arith.constant 0 : index
    %get3A_45 = vector.load %arg26[%get3A_43, %get3A_44] : memref<64x512xf32, #tpu.memory_space<vmem>>, vector<64x512xf32>
    %mul3A_46 = vector.broadcast %exp3A : vector<1x512xf32> to vector<64x512xf32>
    %mul3A_47 = arith.mulf %get3A_45, %mul3A_46 : vector<64x512xf32>
    %dot_general3A_48 = arith.constant dense<0.000000e+00> : vector<64x512xf32>
    %dot_general3A_49 = tpu.matmul %max3A_14, %exp3A_28, %dot_general3A_48 {dimension_numbers = #tpu.dot_dimension_numbers<[0], [0], [1], [1], [0, 1, 1, 1], [], []>, transpose_lhs_hint = false} : vector<2000x64xf32>, vector<2000x512xf32>, vector<64x512xf32> -> vector<64x512xf32>
    %add3A_50 = arith.addf %mul3A_47, %dot_general3A_49 : vector<64x512xf32>
    %swap3A = arith.constant 0 : index
    %swap3A_51 = arith.constant 0 : index
    %swap3A_52 = vector.load %arg23[%swap3A, %swap3A_51] : memref<1x512xf32, #tpu.memory_space<vmem>>, vector<1x512xf32>
    tpu.vector_store %arg23[%swap3A, %swap3A_51], %max3A_25 {strides = array<i32>} : memref<1x512xf32, #tpu.memory_space<vmem>>, vector<1x512xf32>,
    %swap3A_53 = arith.constant 0 : index
    %swap3A_54 = arith.constant 0 : index
    %swap3A_55 = vector.load %arg24[%swap3A_53, %swap3A_54] : memref<1x512xf32, #tpu.memory_space<vmem>>, vector<1x512xf32>
    tpu.vector_store %arg24[%swap3A_53, %swap3A_54], %add3A_34 {strides = array<i32>} : memref<1x512xf32, #tpu.memory_space<vmem>>, vector<1x512xf32>,
    %swap3A_56 = arith.constant 0 : index
    %swap3A_57 = arith.constant 0 : index
    %swap3A_58 = vector.load %arg25[%swap3A_56, %swap3A_57] : memref<3x512xf32, #tpu.memory_space<vmem>>, vector<3x512xf32>
    tpu.vector_store %arg25[%swap3A_56, %swap3A_57], %add3A_42 {strides = array<i32>} : memref<3x512xf32, #tpu.memory_space<vmem>>, vector<3x512xf32>,
    %swap3A_59 = arith.constant 0 : index
    %swap3A_60 = arith.constant 0 : index
    %swap3A_61 = vector.load %arg26[%swap3A_59, %swap3A_60] : memref<64x512xf32, #tpu.memory_space<vmem>>, vector<64x512xf32>
    tpu.vector_store %arg26[%swap3A_59, %swap3A_60], %add3A_50 {strides = array<i32>} : memref<64x512xf32, #tpu.memory_space<vmem>>, vector<64x512xf32>,
    %get3A_62 = arith.constant 0 : index
    %get3A_63 = arith.constant 0 : index
    %get3A_64 = vector.load %arg6[%get3A_62, %get3A_63] : memref<3x128xf32, #tpu.memory_space<vmem>>, vector<3x128xf32>
    %dot_general3A_65 = arith.constant dense<0.000000e+00> : vector<2000x128xf32>
    %dot_general3A_66 = tpu.matmul %get3A_5, %get3A_64, %dot_general3A_65 {dimension_numbers = #tpu.dot_dimension_numbers<[1], [0], [0], [1], [0, 0, 1, 1], [], []>, transpose_lhs_hint = false} : vector<2000x3xf32>, vector<3x128xf32>, vector<2000x128xf32> -> vector<2000x128xf32>
    %get3A_67 = arith.constant 0 : index
    %get3A_68 = vector.load %arg7[%get3A_67] : memref<128xf32, #tpu.memory_space<vmem>>, vector<128xf32>
    %broadcast_in_dim3A_69 = vector.shape_cast %get3A_68 : vector<128xf32> to vector<1x128xf32>
    %add3A_70 = vector.broadcast %broadcast_in_dim3A_69 : vector<1x128xf32> to vector<2000x128xf32>
    %add3A_71 = arith.addf %dot_general3A_66, %add3A_70 : vector<2000x128xf32>
    %max3A_72 = arith.constant 0.000000e+00 : f32
    %max3A_73 = vector.broadcast %max3A_72 : f32 to vector<2000x128xf32>
    %max3A_74 = arith.maximumf %add3A_71, %max3A_73 : vector<2000x128xf32>
    %get3A_75 = arith.constant 0 : index
    %get3A_76 = arith.constant 0 : index
    %get3A_77 = vector.load %arg8[%get3A_75, %get3A_76] : memref<128x256xf32, #tpu.memory_space<vmem>>, vector<128x256xf32>
    %dot_general3A_78 = arith.constant dense<0.000000e+00> : vector<2000x256xf32>
    %dot_general3A_79 = tpu.matmul %max3A_74, %get3A_77, %dot_general3A_78 {dimension_numbers = #tpu.dot_dimension_numbers<[1], [0], [0], [1], [0, 0, 1, 1], [], []>, transpose_lhs_hint = false} : vector<2000x128xf32>, vector<128x256xf32>, vector<2000x256xf32> -> vector<2000x256xf32>
    %get3A_80 = arith.constant 0 : index
    %get3A_81 = vector.load %arg9[%get3A_80] : memref<256xf32, #tpu.memory_space<vmem>>, vector<256xf32>
    %broadcast_in_dim3A_82 = vector.shape_cast %get3A_81 : vector<256xf32> to vector<1x256xf32>
    %add3A_83 = vector.broadcast %broadcast_in_dim3A_82 : vector<1x256xf32> to vector<2000x256xf32>
    %add3A_84 = arith.addf %dot_general3A_79, %add3A_83 : vector<2000x256xf32>
    %get3A_85 = arith.constant 0 : index
    %get3A_86 = arith.constant 0 : index
    %get3A_87 = vector.load %arg10[%get3A_85, %get3A_86] : memref<3x128xf32, #tpu.memory_space<vmem>>, vector<3x128xf32>
    %dot_general3A_88 = arith.constant dense<0.000000e+00> : vector<2000x128xf32>
    %dot_general3A_89 = tpu.matmul %get3A_5, %get3A_87, %dot_general3A_88 {dimension_numbers = #tpu.dot_dimension_numbers<[1], [0], [0], [1], [0, 0, 1, 1], [], []>, transpose_lhs_hint = false} : vector<2000x3xf32>, vector<3x128xf32>, vector<2000x128xf32> -> vector<2000x128xf32>
    %get3A_90 = arith.constant 0 : index
    %get3A_91 = vector.load %arg11[%get3A_90] : memref<128xf32, #tpu.memory_space<vmem>>, vector<128xf32>
    %broadcast_in_dim3A_92 = vector.shape_cast %get3A_91 : vector<128xf32> to vector<1x128xf32>
    %add3A_93 = vector.broadcast %broadcast_in_dim3A_92 : vector<1x128xf32> to vector<2000x128xf32>
    %add3A_94 = arith.addf %dot_general3A_89, %add3A_93 : vector<2000x128xf32>
    %swap3A_95 = arith.constant 0 : index
    %swap3A_96 = arith.constant 0 : index
    %swap3A_97 = arith.constant 0 : index
    %swap3A_98 = vector.load %arg18[%swap3A_95, %swap3A_96, %swap3A_97] : memref<1x2000x384xf32, #tpu.memory_space<vmem>>, vector<1x2000x128xf32>
    %swap3A_99 = vector.shape_cast %swap3A_98 : vector<1x2000x128xf32> to vector<2000x128xf32>
    %swap3A_100 = vector.shape_cast %add3A_94 : vector<2000x128xf32> to vector<1x2000x128xf32>
    tpu.vector_store %arg18[%swap3A_95, %swap3A_96, %swap3A_97], %swap3A_100 {strides = array<i32>} : memref<1x2000x384xf32, #tpu.memory_space<vmem>>, vector<1x2000x128xf32>,
    %swap3A_101 = arith.constant 0 : index
    %swap3A_102 = arith.constant 0 : index
    %swap3A_103 = arith.constant 128 : index
    %swap3A_104 = vector.load %arg18[%swap3A_101, %swap3A_102, %swap3A_103] : memref<1x2000x384xf32, #tpu.memory_space<vmem>>, vector<1x2000x256xf32>
    %swap3A_105 = vector.shape_cast %swap3A_104 : vector<1x2000x256xf32> to vector<2000x256xf32>
    %swap3A_106 = vector.shape_cast %add3A_84 : vector<2000x256xf32> to vector<1x2000x256xf32>
    tpu.vector_store %arg18[%swap3A_101, %swap3A_102, %swap3A_103], %swap3A_106 {strides = array<i32>} : memref<1x2000x384xf32, #tpu.memory_space<vmem>>, vector<1x2000x256xf32>,
    %eq3A_107 = arith.constant 4 : i32
    %eq3A_108 = arith.cmpi eq, %arg1, %eq3A_107 : i32
    %convert_element_type3A_109 = arith.extui %eq3A_108 : i1 to i32
    %cond3A_110 = arith.constant 0 : i32
    %cond3A_111 = arith.cmpi ne, %convert_element_type3A_109, %cond3A_110 : i32
    scf.if %cond3A_111 {
      %div3A = vector.broadcast %add3A_34 : vector<1x512xf32> to vector<3x512xf32>
      %div3A_112 = arith.divf %add3A_42, %div3A : vector<3x512xf32>
      %div3A_113 = vector.broadcast %add3A_34 : vector<1x512xf32> to vector<64x512xf32>
      %div3A_114 = arith.divf %add3A_50, %div3A_113 : vector<64x512xf32>
      %swap3A_115 = arith.constant 0 : index
      %swap3A_116 = arith.constant 0 : index
      %swap3A_117 = arith.constant 0 : index
      %swap3A_118 = vector.load %arg19[%swap3A_115, %swap3A_116, %swap3A_117] : memref<1x3x512xf32, #tpu.memory_space<vmem>>, vector<1x3x512xf32>
      %swap3A_119 = vector.shape_cast %swap3A_118 : vector<1x3x512xf32> to vector<3x512xf32>
      %swap3A_120 = vector.shape_cast %div3A_112 : vector<3x512xf32> to vector<1x3x512xf32>
      tpu.vector_store %arg19[%swap3A_115, %swap3A_116, %swap3A_117], %swap3A_120 {strides = array<i32>} : memref<1x3x512xf32, #tpu.memory_space<vmem>>, vector<1x3x512xf32>,
      %get3A_121 = arith.constant 0 : index
      %get3A_122 = arith.constant 0 : index
      %get3A_123 = vector.load %arg12[%get3A_121, %get3A_122] : memref<64x1xf32, #tpu.memory_space<vmem>>, vector<64x1xf32>
      %dot_general3A_124 = arith.constant dense<0.000000e+00> : vector<1x512xf32>
      %dot_general3A_125 = tpu.matmul %get3A_123, %div3A_114, %dot_general3A_124 {dimension_numbers = #tpu.dot_dimension_numbers<[0], [0], [1], [1], [0, 1, 1, 1], [], []>, transpose_lhs_hint = false} : vector<64x1xf32>, vector<64x512xf32>, vector<1x512xf32> -> vector<1x512xf32>
      %get3A_126 = arith.constant 0 : index
      %get3A_127 = vector.load %arg13[%get3A_126] : memref<1xf32, #tpu.memory_space<vmem>>, vector<1xf32>
      %squeeze3A = vector.extract %get3A_127[0] : f32 from vector<1xf32>
      %add3A_128 = vector.broadcast %squeeze3A : f32 to vector<1x512xf32>
      %add3A_129 = arith.addf %dot_general3A_125, %add3A_128 : vector<1x512xf32>
      %max3A_130 = arith.constant 0.000000e+00 : f32
      %max3A_131 = vector.broadcast %max3A_130 : f32 to vector<1x512xf32>
      %max3A_132 = arith.maximumf %add3A_129, %max3A_131 : vector<1x512xf32>
      %abs3A = math.absf %add3A_129 : vector<1x512xf32>
      %neg3A = arith.constant 0.000000e+00 : f32
      %neg3A_133 = vector.broadcast %neg3A : f32 to vector<1x512xf32>
      %neg3A_134 = arith.subf %neg3A_133, %abs3A : vector<1x512xf32>
      %exp3A_135 = math.exp %neg3A_134 : vector<1x512xf32>
      %log1p3A = math.log1p %exp3A_135 : vector<1x512xf32>
      %add3A_136 = arith.addf %max3A_132, %log1p3A : vector<1x512xf32>
      %swap3A_137 = arith.constant 0 : index
      %swap3A_138 = arith.constant 0 : index
      %swap3A_139 = arith.constant 0 : index
      %swap3A_140 = vector.load %arg20[%swap3A_137, %swap3A_138, %swap3A_139] : memref<1x1x512xf32, #tpu.memory_space<vmem>>, vector<1x1x512xf32>
      %swap3A_141 = vector.shape_cast %swap3A_140 : vector<1x1x512xf32> to vector<1x512xf32>
      %swap3A_142 = vector.shape_cast %add3A_136 : vector<1x512xf32> to vector<1x1x512xf32>
      tpu.vector_store %arg20[%swap3A_137, %swap3A_138, %swap3A_139], %swap3A_142 {strides = array<i32>} : memref<1x1x512xf32, #tpu.memory_space<vmem>>, vector<1x1x512xf32>,
      %get3A_143 = arith.constant 0 : index
      %get3A_144 = arith.constant 0 : index
      %get3A_145 = vector.load %arg10[%get3A_143, %get3A_144] : memref<3x128xf32, #tpu.memory_space<vmem>>, vector<3x128xf32>
      %dot_general3A_146 = arith.constant dense<0.000000e+00> : vector<512x128xf32>
      %dot_general3A_147 = tpu.matmul %div3A_112, %get3A_145, %dot_general3A_146 {dimension_numbers = #tpu.dot_dimension_numbers<[0], [0], [1], [1], [0, 1, 1, 1], [], []>, transpose_lhs_hint = false} : vector<3x512xf32>, vector<3x128xf32>, vector<512x128xf32> -> vector<512x128xf32>
      %get3A_148 = arith.constant 0 : index
      %get3A_149 = vector.load %arg11[%get3A_148] : memref<128xf32, #tpu.memory_space<vmem>>, vector<128xf32>
      %broadcast_in_dim3A_150 = vector.shape_cast %get3A_149 : vector<128xf32> to vector<1x128xf32>
      %add3A_151 = vector.broadcast %broadcast_in_dim3A_150 : vector<1x128xf32> to vector<512x128xf32>
      %add3A_152 = arith.addf %dot_general3A_147, %add3A_151 : vector<512x128xf32>
      %swap3A_153 = arith.constant 0 : index
      %swap3A_154 = arith.constant 0 : index
      %swap3A_155 = arith.constant 0 : index
      %swap3A_156 = vector.load %arg21[%swap3A_153, %swap3A_154, %swap3A_155] : memref<1x512x128xf32, #tpu.memory_space<vmem>>, vector<1x512x128xf32>
      %swap3A_157 = vector.shape_cast %swap3A_156 : vector<1x512x128xf32> to vector<512x128xf32>
      %swap3A_158 = vector.shape_cast %add3A_152 : vector<512x128xf32> to vector<1x512x128xf32>
      tpu.vector_store %arg21[%swap3A_153, %swap3A_154, %swap3A_155], %swap3A_158 {strides = array<i32>} : memref<1x512x128xf32, #tpu.memory_space<vmem>>, vector<1x512x128xf32>,
      %concatenate3A = tpu.concatenate %div3A_112, %add3A_136 in 0 : vector<3x512xf32>, vector<1x512xf32> -> vector<4x512xf32>
      %get3A_159 = arith.constant 0 : index
      %get3A_160 = arith.constant 0 : index
      %get3A_161 = vector.load %arg14[%get3A_159, %get3A_160] : memref<4x128xf32, #tpu.memory_space<vmem>>, vector<4x128xf32>
      %dot_general3A_162 = arith.constant dense<0.000000e+00> : vector<512x128xf32>
      %dot_general3A_163 = tpu.matmul %concatenate3A, %get3A_161, %dot_general3A_162 {dimension_numbers = #tpu.dot_dimension_numbers<[0], [0], [1], [1], [0, 1, 1, 1], [], []>, transpose_lhs_hint = false} : vector<4x512xf32>, vector<4x128xf32>, vector<512x128xf32> -> vector<512x128xf32>
      %get3A_164 = arith.constant 0 : index
      %get3A_165 = vector.load %arg15[%get3A_164] : memref<128xf32, #tpu.memory_space<vmem>>, vector<128xf32>
      %broadcast_in_dim3A_166 = vector.shape_cast %get3A_165 : vector<128xf32> to vector<1x128xf32>
      %add3A_167 = vector.broadcast %broadcast_in_dim3A_166 : vector<1x128xf32> to vector<512x128xf32>
      %add3A_168 = arith.addf %dot_general3A_163, %add3A_167 : vector<512x128xf32>
      %max3A_169 = arith.constant 0.000000e+00 : f32
      %max3A_170 = vector.broadcast %max3A_169 : f32 to vector<512x128xf32>
      %max3A_171 = arith.maximumf %add3A_168, %max3A_170 : vector<512x128xf32>
      %get3A_172 = arith.constant 0 : index
      %get3A_173 = arith.constant 0 : index
      %get3A_174 = vector.load %arg16[%get3A_172, %get3A_173] : memref<128x256xf32, #tpu.memory_space<vmem>>, vector<128x256xf32>
      %dot_general3A_175 = arith.constant dense<0.000000e+00> : vector<512x256xf32>
      %dot_general3A_176 = tpu.matmul %max3A_171, %get3A_174, %dot_general3A_175 {dimension_numbers = #tpu.dot_dimension_numbers<[1], [0], [0], [1], [0, 0, 1, 1], [], []>, transpose_lhs_hint = false} : vector<512x128xf32>, vector<128x256xf32>, vector<512x256xf32> -> vector<512x256xf32>
      %get3A_177 = arith.constant 0 : index
      %get3A_178 = vector.load %arg17[%get3A_177] : memref<256xf32, #tpu.memory_space<vmem>>, vector<256xf32>
      %broadcast_in_dim3A_179 = vector.shape_cast %get3A_178 : vector<256xf32> to vector<1x256xf32>
      %add3A_180 = vector.broadcast %broadcast_in_dim3A_179 : vector<1x256xf32> to vector<512x256xf32>
      %add3A_181 = arith.addf %dot_general3A_176, %add3A_180 : vector<512x256xf32>
      %swap3A_182 = arith.constant 0 : index
      %swap3A_183 = arith.constant 0 : index
      %swap3A_184 = arith.constant 0 : index
      %swap3A_185 = vector.load %arg22[%swap3A_182, %swap3A_183, %swap3A_184] : memref<1x512x256xf32, #tpu.memory_space<vmem>>, vector<1x512x256xf32>
      %swap3A_186 = vector.shape_cast %swap3A_185 : vector<1x512x256xf32> to vector<512x256xf32>
      %swap3A_187 = vector.shape_cast %add3A_181 : vector<512x256xf32> to vector<1x512x256xf32>
      tpu.vector_store %arg22[%swap3A_182, %swap3A_183, %swap3A_184], %swap3A_187 {strides = array<i32>} : memref<1x512x256xf32, #tpu.memory_space<vmem>>, vector<1x512x256xf32>,
    } else {
    }
    return
  }
  func.func @transform_0(%arg0: i32, %arg1: i32) -> (i32, i32, i32) {
    %c0_i32 = arith.constant 0 : i32
    %c0_i32_0 = arith.constant 0 : i32
    return %arg0, %arg1, %c0_i32 : i32, i32, i32
  }
  func.func @transform_1(%arg0: i32, %arg1: i32) -> (i32, i32) {
    %c0_i32 = arith.constant 0 : i32
    %c0_i32_0 = arith.constant 0 : i32
    %c0_i32_1 = arith.constant 0 : i32
    return %c0_i32, %c0_i32_0 : i32, i32
  }
  func.func @transform_2(%arg0: i32, %arg1: i32) -> i32 {
    %c0_i32 = arith.constant 0 : i32
    %c0_i32_0 = arith.constant 0 : i32
    return %c0_i32 : i32
  }
  func.func @transform_3(%arg0: i32, %arg1: i32) -> (i32, i32) {
    %c0_i32 = arith.constant 0 : i32
    %c0_i32_0 = arith.constant 0 : i32
    %c0_i32_1 = arith.constant 0 : i32
    return %c0_i32, %c0_i32_0 : i32, i32
  }
  func.func @transform_4(%arg0: i32, %arg1: i32) -> (i32, i32) {
    %c0_i32 = arith.constant 0 : i32
    %c0_i32_0 = arith.constant 0 : i32
    %c0_i32_1 = arith.constant 0 : i32
    return %c0_i32, %c0_i32_0 : i32, i32
  }
  func.func @transform_5(%arg0: i32, %arg1: i32) -> i32 {
    %c0_i32 = arith.constant 0 : i32
    %c0_i32_0 = arith.constant 0 : i32
    return %c0_i32 : i32
  }
  func.func @transform_6(%arg0: i32, %arg1: i32) -> (i32, i32) {
    %c0_i32 = arith.constant 0 : i32
    %c0_i32_0 = arith.constant 0 : i32
    %c0_i32_1 = arith.constant 0 : i32
    return %c0_i32, %c0_i32_0 : i32, i32
  }
  func.func @transform_7(%arg0: i32, %arg1: i32) -> i32 {
    %c0_i32 = arith.constant 0 : i32
    %c0_i32_0 = arith.constant 0 : i32
    return %c0_i32 : i32
  }
  func.func @transform_8(%arg0: i32, %arg1: i32) -> (i32, i32) {
    %c0_i32 = arith.constant 0 : i32
    %c0_i32_0 = arith.constant 0 : i32
    %c0_i32_1 = arith.constant 0 : i32
    return %c0_i32, %c0_i32_0 : i32, i32
  }
  func.func @transform_9(%arg0: i32, %arg1: i32) -> i32 {
    %c0_i32 = arith.constant 0 : i32
    %c0_i32_0 = arith.constant 0 : i32
    return %c0_i32 : i32
  }
  func.func @transform_10(%arg0: i32, %arg1: i32) -> (i32, i32) {
    %c0_i32 = arith.constant 0 : i32
    %c0_i32_0 = arith.constant 0 : i32
    %c0_i32_1 = arith.constant 0 : i32
    return %c0_i32, %c0_i32_0 : i32, i32
  }
  func.func @transform_11(%arg0: i32, %arg1: i32) -> i32 {
    %c0_i32 = arith.constant 0 : i32
    %c0_i32_0 = arith.constant 0 : i32
    return %c0_i32 : i32
  }
  func.func @transform_12(%arg0: i32, %arg1: i32) -> (i32, i32) {
    %c0_i32 = arith.constant 0 : i32
    %c0_i32_0 = arith.constant 0 : i32
    %c0_i32_1 = arith.constant 0 : i32
    return %c0_i32, %c0_i32_0 : i32, i32
  }
  func.func @transform_13(%arg0: i32, %arg1: i32) -> i32 {
    %c0_i32 = arith.constant 0 : i32
    %c0_i32_0 = arith.constant 0 : i32
    return %c0_i32 : i32
  }
  func.func @transform_14(%arg0: i32, %arg1: i32) -> (i32, i32) {
    %c0_i32 = arith.constant 0 : i32
    %c0_i32_0 = arith.constant 0 : i32
    %c0_i32_1 = arith.constant 0 : i32
    return %c0_i32, %c0_i32_0 : i32, i32
  }
  func.func @transform_15(%arg0: i32, %arg1: i32) -> i32 {
    %c0_i32 = arith.constant 0 : i32
    %c0_i32_0 = arith.constant 0 : i32
    return %c0_i32 : i32
  }
  func.func @transform_16(%arg0: i32, %arg1: i32) -> (i32, i32, i32) {
    %c0_i32 = arith.constant 0 : i32
    %c0_i32_0 = arith.constant 0 : i32
    return %arg0, %arg1, %c0_i32 : i32, i32, i32
  }
  func.func @transform_17(%arg0: i32, %arg1: i32) -> (i32, i32, i32) {
    %c0_i32 = arith.constant 0 : i32
    %c0_i32_0 = arith.constant 0 : i32
    %c0_i32_1 = arith.constant 0 : i32
    return %arg0, %c0_i32, %c0_i32_0 : i32, i32, i32
  }
  func.func @transform_18(%arg0: i32, %arg1: i32) -> (i32, i32, i32) {
    %c0_i32 = arith.constant 0 : i32
    %c0_i32_0 = arith.constant 0 : i32
    %c0_i32_1 = arith.constant 0 : i32
    return %arg0, %c0_i32, %c0_i32_0 : i32, i32, i32
  }
  func.func @transform_19(%arg0: i32, %arg1: i32) -> (i32, i32, i32) {
    %c0_i32 = arith.constant 0 : i32
    %c0_i32_0 = arith.constant 0 : i32
    %c0_i32_1 = arith.constant 0 : i32
    return %arg0, %c0_i32, %c0_i32_0 : i32, i32, i32
  }
  func.func @transform_20(%arg0: i32, %arg1: i32) -> (i32, i32, i32) {
    %c0_i32 = arith.constant 0 : i32
    %c0_i32_0 = arith.constant 0 : i32
    %c0_i32_1 = arith.constant 0 : i32
    return %arg0, %c0_i32, %c0_i32_0 : i32, i32, i32
  }
}

module attributes {stable_mosaic.version = 14 : i64} {
  func.func @_topk_body(%arg0: i32, %arg1: i32, %arg2: memref<1x128x3xf32, #tpu.memory_space<vmem>>, %arg3: memref<1x3x10000xf32, #tpu.memory_space<vmem>>, %arg4: memref<1x128x16xi32, #tpu.memory_space<vmem>>) attributes {dimension_semantics = [#tpu.dimension_semantics<arbitrary>, #tpu.dimension_semantics<arbitrary>], iteration_bounds = array<i64: 2, 4>, scalar_prefetch = 0 : i64, scratch_operands = 0 : i64, tpu.core_type = #tpu.core_type<tc>, window_params = [{transform_indices = @transform_0, window_bounds = array<i64: 1, 128, 3>}, {transform_indices = @transform_1, window_bounds = array<i64: 1, 3, 10000>}, {transform_indices = @transform_2, window_bounds = array<i64: 1, 128, 16>}]} {
    %get3A = arith.constant 0 : index
    %get3A_0 = arith.constant 0 : index
    %get3A_1 = arith.constant 0 : index
    %get3A_2 = vector.load %arg2[%get3A, %get3A_0, %get3A_1] : memref<1x128x3xf32, #tpu.memory_space<vmem>>, vector<1x128x3xf32>
    %get3A_3 = vector.shape_cast %get3A_2 : vector<1x128x3xf32> to vector<128x3xf32>
    %get3A_4 = arith.constant 0 : index
    %get3A_5 = arith.constant 0 : index
    %get3A_6 = arith.constant 0 : index
    %get3A_7 = vector.load %arg3[%get3A_4, %get3A_5, %get3A_6] : memref<1x3x10000xf32, #tpu.memory_space<vmem>>, vector<1x3x10000xf32>
    %get3A_8 = vector.shape_cast %get3A_7 : vector<1x3x10000xf32> to vector<3x10000xf32>
    %slice3A = vector.extract_strided_slice %get3A_3 {offsets = [0, 0], sizes = [128, 1], strides = [1, 1]} : vector<128x3xf32> to vector<128x1xf32>
    %slice3A_9 = vector.extract_strided_slice %get3A_8 {offsets = [0, 0], sizes = [1, 10000], strides = [1, 1]} : vector<3x10000xf32> to vector<1x10000xf32>
    %sub3A = vector.broadcast %slice3A : vector<128x1xf32> to vector<128x10000xf32>
    %sub3A_10 = vector.broadcast %slice3A_9 : vector<1x10000xf32> to vector<128x10000xf32>
    %sub3A_11 = arith.subf %sub3A, %sub3A_10 : vector<128x10000xf32>
    %integer_pow3A = arith.mulf %sub3A_11, %sub3A_11 : vector<128x10000xf32>
    %slice3A_12 = vector.extract_strided_slice %get3A_3 {offsets = [0, 1], sizes = [128, 1], strides = [1, 1]} : vector<128x3xf32> to vector<128x1xf32>
    %slice3A_13 = vector.extract_strided_slice %get3A_8 {offsets = [1, 0], sizes = [1, 10000], strides = [1, 1]} : vector<3x10000xf32> to vector<1x10000xf32>
    %sub3A_14 = vector.broadcast %slice3A_12 : vector<128x1xf32> to vector<128x10000xf32>
    %sub3A_15 = vector.broadcast %slice3A_13 : vector<1x10000xf32> to vector<128x10000xf32>
    %sub3A_16 = arith.subf %sub3A_14, %sub3A_15 : vector<128x10000xf32>
    %integer_pow3A_17 = arith.mulf %sub3A_16, %sub3A_16 : vector<128x10000xf32>
    %add3A = arith.addf %integer_pow3A, %integer_pow3A_17 : vector<128x10000xf32>
    %slice3A_18 = vector.extract_strided_slice %get3A_3 {offsets = [0, 2], sizes = [128, 1], strides = [1, 1]} : vector<128x3xf32> to vector<128x1xf32>
    %slice3A_19 = vector.extract_strided_slice %get3A_8 {offsets = [2, 0], sizes = [1, 10000], strides = [1, 1]} : vector<3x10000xf32> to vector<1x10000xf32>
    %sub3A_20 = vector.broadcast %slice3A_18 : vector<128x1xf32> to vector<128x10000xf32>
    %sub3A_21 = vector.broadcast %slice3A_19 : vector<1x10000xf32> to vector<128x10000xf32>
    %sub3A_22 = arith.subf %sub3A_20, %sub3A_21 : vector<128x10000xf32>
    %integer_pow3A_23 = arith.mulf %sub3A_22, %sub3A_22 : vector<128x10000xf32>
    %add3A_24 = arith.addf %add3A, %integer_pow3A_23 : vector<128x10000xf32>
    %iota3A = tpu.iota {dimensions = array<i32: 1>} : vector<128x10000xi32>
    %reduce_min3A = arith.constant dense<0x7F800000> : vector<128xf32>
    %reduce_min3A_25 = vector.multi_reduction <minimumf>, %add3A_24, %reduce_min3A [1] : vector<128x10000xf32> to vector<128xf32>
    %broadcast_in_dim3A = vector.shape_cast %reduce_min3A_25 : vector<128xf32> to vector<128x1xf32>
    %eq3A = vector.broadcast %broadcast_in_dim3A : vector<128x1xf32> to vector<128x10000xf32>
    %eq3A_26 = arith.cmpf oeq, %add3A_24, %eq3A : vector<128x10000xf32>
    %jit3A = arith.constant 10000 : i32
    %broadcast_in_dim3A_27 = vector.broadcast %jit3A : i32 to vector<128x10000xi32>
    %select_n3A = arith.select %eq3A_26, %iota3A, %broadcast_in_dim3A_27 : vector<128x10000xi1>, vector<128x10000xi32>
    %reduce_min3A_28 = arith.constant dense<2147483647> : vector<128xi32>
    %reduce_min3A_29 = vector.multi_reduction <minsi>, %select_n3A, %reduce_min3A_28 [1] : vector<128x10000xi32> to vector<128xi32>
    %broadcast_in_dim3A_30 = vector.shape_cast %reduce_min3A_29 : vector<128xi32> to vector<128x1xi32>
    %eq3A_31 = vector.broadcast %broadcast_in_dim3A_30 : vector<128x1xi32> to vector<128x10000xi32>
    %eq3A_32 = arith.cmpi eq, %iota3A, %eq3A_31 : vector<128x10000xi32>
    %jit3A_33 = arith.constant 3.000000e+38 : f32
    %broadcast_in_dim3A_34 = vector.broadcast %jit3A_33 : f32 to vector<128x10000xf32>
    %select_n3A_35 = arith.select %eq3A_32, %broadcast_in_dim3A_34, %add3A_24 : vector<128x10000xi1>, vector<128x10000xf32>
    %reduce_min3A_36 = arith.constant dense<0x7F800000> : vector<128xf32>
    %reduce_min3A_37 = vector.multi_reduction <minimumf>, %select_n3A_35, %reduce_min3A_36 [1] : vector<128x10000xf32> to vector<128xf32>
    %broadcast_in_dim3A_38 = vector.shape_cast %reduce_min3A_37 : vector<128xf32> to vector<128x1xf32>
    %eq3A_39 = vector.broadcast %broadcast_in_dim3A_38 : vector<128x1xf32> to vector<128x10000xf32>
    %eq3A_40 = arith.cmpf oeq, %select_n3A_35, %eq3A_39 : vector<128x10000xf32>
    %jit3A_41 = arith.constant 10000 : i32
    %broadcast_in_dim3A_42 = vector.broadcast %jit3A_41 : i32 to vector<128x10000xi32>
    %select_n3A_43 = arith.select %eq3A_40, %iota3A, %broadcast_in_dim3A_42 : vector<128x10000xi1>, vector<128x10000xi32>
    %reduce_min3A_44 = arith.constant dense<2147483647> : vector<128xi32>
    %reduce_min3A_45 = vector.multi_reduction <minsi>, %select_n3A_43, %reduce_min3A_44 [1] : vector<128x10000xi32> to vector<128xi32>
    %broadcast_in_dim3A_46 = vector.shape_cast %reduce_min3A_45 : vector<128xi32> to vector<128x1xi32>
    %eq3A_47 = vector.broadcast %broadcast_in_dim3A_46 : vector<128x1xi32> to vector<128x10000xi32>
    %eq3A_48 = arith.cmpi eq, %iota3A, %eq3A_47 : vector<128x10000xi32>
    %jit3A_49 = arith.constant 3.000000e+38 : f32
    %broadcast_in_dim3A_50 = vector.broadcast %jit3A_49 : f32 to vector<128x10000xf32>
    %select_n3A_51 = arith.select %eq3A_48, %broadcast_in_dim3A_50, %select_n3A_35 : vector<128x10000xi1>, vector<128x10000xf32>
    %reduce_min3A_52 = arith.constant dense<0x7F800000> : vector<128xf32>
    %reduce_min3A_53 = vector.multi_reduction <minimumf>, %select_n3A_51, %reduce_min3A_52 [1] : vector<128x10000xf32> to vector<128xf32>
    %broadcast_in_dim3A_54 = vector.shape_cast %reduce_min3A_53 : vector<128xf32> to vector<128x1xf32>
    %eq3A_55 = vector.broadcast %broadcast_in_dim3A_54 : vector<128x1xf32> to vector<128x10000xf32>
    %eq3A_56 = arith.cmpf oeq, %select_n3A_51, %eq3A_55 : vector<128x10000xf32>
    %jit3A_57 = arith.constant 10000 : i32
    %broadcast_in_dim3A_58 = vector.broadcast %jit3A_57 : i32 to vector<128x10000xi32>
    %select_n3A_59 = arith.select %eq3A_56, %iota3A, %broadcast_in_dim3A_58 : vector<128x10000xi1>, vector<128x10000xi32>
    %reduce_min3A_60 = arith.constant dense<2147483647> : vector<128xi32>
    %reduce_min3A_61 = vector.multi_reduction <minsi>, %select_n3A_59, %reduce_min3A_60 [1] : vector<128x10000xi32> to vector<128xi32>
    %broadcast_in_dim3A_62 = vector.shape_cast %reduce_min3A_61 : vector<128xi32> to vector<128x1xi32>
    %eq3A_63 = vector.broadcast %broadcast_in_dim3A_62 : vector<128x1xi32> to vector<128x10000xi32>
    %eq3A_64 = arith.cmpi eq, %iota3A, %eq3A_63 : vector<128x10000xi32>
    %jit3A_65 = arith.constant 3.000000e+38 : f32
    %broadcast_in_dim3A_66 = vector.broadcast %jit3A_65 : f32 to vector<128x10000xf32>
    %select_n3A_67 = arith.select %eq3A_64, %broadcast_in_dim3A_66, %select_n3A_51 : vector<128x10000xi1>, vector<128x10000xf32>
    %reduce_min3A_68 = arith.constant dense<0x7F800000> : vector<128xf32>
    %reduce_min3A_69 = vector.multi_reduction <minimumf>, %select_n3A_67, %reduce_min3A_68 [1] : vector<128x10000xf32> to vector<128xf32>
    %broadcast_in_dim3A_70 = vector.shape_cast %reduce_min3A_69 : vector<128xf32> to vector<128x1xf32>
    %eq3A_71 = vector.broadcast %broadcast_in_dim3A_70 : vector<128x1xf32> to vector<128x10000xf32>
    %eq3A_72 = arith.cmpf oeq, %select_n3A_67, %eq3A_71 : vector<128x10000xf32>
    %jit3A_73 = arith.constant 10000 : i32
    %broadcast_in_dim3A_74 = vector.broadcast %jit3A_73 : i32 to vector<128x10000xi32>
    %select_n3A_75 = arith.select %eq3A_72, %iota3A, %broadcast_in_dim3A_74 : vector<128x10000xi1>, vector<128x10000xi32>
    %reduce_min3A_76 = arith.constant dense<2147483647> : vector<128xi32>
    %reduce_min3A_77 = vector.multi_reduction <minsi>, %select_n3A_75, %reduce_min3A_76 [1] : vector<128x10000xi32> to vector<128xi32>
    %broadcast_in_dim3A_78 = vector.shape_cast %reduce_min3A_77 : vector<128xi32> to vector<128x1xi32>
    %eq3A_79 = vector.broadcast %broadcast_in_dim3A_78 : vector<128x1xi32> to vector<128x10000xi32>
    %eq3A_80 = arith.cmpi eq, %iota3A, %eq3A_79 : vector<128x10000xi32>
    %jit3A_81 = arith.constant 3.000000e+38 : f32
    %broadcast_in_dim3A_82 = vector.broadcast %jit3A_81 : f32 to vector<128x10000xf32>
    %select_n3A_83 = arith.select %eq3A_80, %broadcast_in_dim3A_82, %select_n3A_67 : vector<128x10000xi1>, vector<128x10000xf32>
    %reduce_min3A_84 = arith.constant dense<0x7F800000> : vector<128xf32>
    %reduce_min3A_85 = vector.multi_reduction <minimumf>, %select_n3A_83, %reduce_min3A_84 [1] : vector<128x10000xf32> to vector<128xf32>
    %broadcast_in_dim3A_86 = vector.shape_cast %reduce_min3A_85 : vector<128xf32> to vector<128x1xf32>
    %eq3A_87 = vector.broadcast %broadcast_in_dim3A_86 : vector<128x1xf32> to vector<128x10000xf32>
    %eq3A_88 = arith.cmpf oeq, %select_n3A_83, %eq3A_87 : vector<128x10000xf32>
    %jit3A_89 = arith.constant 10000 : i32
    %broadcast_in_dim3A_90 = vector.broadcast %jit3A_89 : i32 to vector<128x10000xi32>
    %select_n3A_91 = arith.select %eq3A_88, %iota3A, %broadcast_in_dim3A_90 : vector<128x10000xi1>, vector<128x10000xi32>
    %reduce_min3A_92 = arith.constant dense<2147483647> : vector<128xi32>
    %reduce_min3A_93 = vector.multi_reduction <minsi>, %select_n3A_91, %reduce_min3A_92 [1] : vector<128x10000xi32> to vector<128xi32>
    %broadcast_in_dim3A_94 = vector.shape_cast %reduce_min3A_93 : vector<128xi32> to vector<128x1xi32>
    %eq3A_95 = vector.broadcast %broadcast_in_dim3A_94 : vector<128x1xi32> to vector<128x10000xi32>
    %eq3A_96 = arith.cmpi eq, %iota3A, %eq3A_95 : vector<128x10000xi32>
    %jit3A_97 = arith.constant 3.000000e+38 : f32
    %broadcast_in_dim3A_98 = vector.broadcast %jit3A_97 : f32 to vector<128x10000xf32>
    %select_n3A_99 = arith.select %eq3A_96, %broadcast_in_dim3A_98, %select_n3A_83 : vector<128x10000xi1>, vector<128x10000xf32>
    %reduce_min3A_100 = arith.constant dense<0x7F800000> : vector<128xf32>
    %reduce_min3A_101 = vector.multi_reduction <minimumf>, %select_n3A_99, %reduce_min3A_100 [1] : vector<128x10000xf32> to vector<128xf32>
    %broadcast_in_dim3A_102 = vector.shape_cast %reduce_min3A_101 : vector<128xf32> to vector<128x1xf32>
    %eq3A_103 = vector.broadcast %broadcast_in_dim3A_102 : vector<128x1xf32> to vector<128x10000xf32>
    %eq3A_104 = arith.cmpf oeq, %select_n3A_99, %eq3A_103 : vector<128x10000xf32>
    %jit3A_105 = arith.constant 10000 : i32
    %broadcast_in_dim3A_106 = vector.broadcast %jit3A_105 : i32 to vector<128x10000xi32>
    %select_n3A_107 = arith.select %eq3A_104, %iota3A, %broadcast_in_dim3A_106 : vector<128x10000xi1>, vector<128x10000xi32>
    %reduce_min3A_108 = arith.constant dense<2147483647> : vector<128xi32>
    %reduce_min3A_109 = vector.multi_reduction <minsi>, %select_n3A_107, %reduce_min3A_108 [1] : vector<128x10000xi32> to vector<128xi32>
    %broadcast_in_dim3A_110 = vector.shape_cast %reduce_min3A_109 : vector<128xi32> to vector<128x1xi32>
    %eq3A_111 = vector.broadcast %broadcast_in_dim3A_110 : vector<128x1xi32> to vector<128x10000xi32>
    %eq3A_112 = arith.cmpi eq, %iota3A, %eq3A_111 : vector<128x10000xi32>
    %jit3A_113 = arith.constant 3.000000e+38 : f32
    %broadcast_in_dim3A_114 = vector.broadcast %jit3A_113 : f32 to vector<128x10000xf32>
    %select_n3A_115 = arith.select %eq3A_112, %broadcast_in_dim3A_114, %select_n3A_99 : vector<128x10000xi1>, vector<128x10000xf32>
    %reduce_min3A_116 = arith.constant dense<0x7F800000> : vector<128xf32>
    %reduce_min3A_117 = vector.multi_reduction <minimumf>, %select_n3A_115, %reduce_min3A_116 [1] : vector<128x10000xf32> to vector<128xf32>
    %broadcast_in_dim3A_118 = vector.shape_cast %reduce_min3A_117 : vector<128xf32> to vector<128x1xf32>
    %eq3A_119 = vector.broadcast %broadcast_in_dim3A_118 : vector<128x1xf32> to vector<128x10000xf32>
    %eq3A_120 = arith.cmpf oeq, %select_n3A_115, %eq3A_119 : vector<128x10000xf32>
    %jit3A_121 = arith.constant 10000 : i32
    %broadcast_in_dim3A_122 = vector.broadcast %jit3A_121 : i32 to vector<128x10000xi32>
    %select_n3A_123 = arith.select %eq3A_120, %iota3A, %broadcast_in_dim3A_122 : vector<128x10000xi1>, vector<128x10000xi32>
    %reduce_min3A_124 = arith.constant dense<2147483647> : vector<128xi32>
    %reduce_min3A_125 = vector.multi_reduction <minsi>, %select_n3A_123, %reduce_min3A_124 [1] : vector<128x10000xi32> to vector<128xi32>
    %broadcast_in_dim3A_126 = vector.shape_cast %reduce_min3A_125 : vector<128xi32> to vector<128x1xi32>
    %eq3A_127 = vector.broadcast %broadcast_in_dim3A_126 : vector<128x1xi32> to vector<128x10000xi32>
    %eq3A_128 = arith.cmpi eq, %iota3A, %eq3A_127 : vector<128x10000xi32>
    %jit3A_129 = arith.constant 3.000000e+38 : f32
    %broadcast_in_dim3A_130 = vector.broadcast %jit3A_129 : f32 to vector<128x10000xf32>
    %select_n3A_131 = arith.select %eq3A_128, %broadcast_in_dim3A_130, %select_n3A_115 : vector<128x10000xi1>, vector<128x10000xf32>
    %reduce_min3A_132 = arith.constant dense<0x7F800000> : vector<128xf32>
    %reduce_min3A_133 = vector.multi_reduction <minimumf>, %select_n3A_131, %reduce_min3A_132 [1] : vector<128x10000xf32> to vector<128xf32>
    %broadcast_in_dim3A_134 = vector.shape_cast %reduce_min3A_133 : vector<128xf32> to vector<128x1xf32>
    %eq3A_135 = vector.broadcast %broadcast_in_dim3A_134 : vector<128x1xf32> to vector<128x10000xf32>
    %eq3A_136 = arith.cmpf oeq, %select_n3A_131, %eq3A_135 : vector<128x10000xf32>
    %jit3A_137 = arith.constant 10000 : i32
    %broadcast_in_dim3A_138 = vector.broadcast %jit3A_137 : i32 to vector<128x10000xi32>
    %select_n3A_139 = arith.select %eq3A_136, %iota3A, %broadcast_in_dim3A_138 : vector<128x10000xi1>, vector<128x10000xi32>
    %reduce_min3A_140 = arith.constant dense<2147483647> : vector<128xi32>
    %reduce_min3A_141 = vector.multi_reduction <minsi>, %select_n3A_139, %reduce_min3A_140 [1] : vector<128x10000xi32> to vector<128xi32>
    %broadcast_in_dim3A_142 = vector.shape_cast %reduce_min3A_141 : vector<128xi32> to vector<128x1xi32>
    %eq3A_143 = vector.broadcast %broadcast_in_dim3A_142 : vector<128x1xi32> to vector<128x10000xi32>
    %eq3A_144 = arith.cmpi eq, %iota3A, %eq3A_143 : vector<128x10000xi32>
    %jit3A_145 = arith.constant 3.000000e+38 : f32
    %broadcast_in_dim3A_146 = vector.broadcast %jit3A_145 : f32 to vector<128x10000xf32>
    %select_n3A_147 = arith.select %eq3A_144, %broadcast_in_dim3A_146, %select_n3A_131 : vector<128x10000xi1>, vector<128x10000xf32>
    %reduce_min3A_148 = arith.constant dense<0x7F800000> : vector<128xf32>
    %reduce_min3A_149 = vector.multi_reduction <minimumf>, %select_n3A_147, %reduce_min3A_148 [1] : vector<128x10000xf32> to vector<128xf32>
    %broadcast_in_dim3A_150 = vector.shape_cast %reduce_min3A_149 : vector<128xf32> to vector<128x1xf32>
    %eq3A_151 = vector.broadcast %broadcast_in_dim3A_150 : vector<128x1xf32> to vector<128x10000xf32>
    %eq3A_152 = arith.cmpf oeq, %select_n3A_147, %eq3A_151 : vector<128x10000xf32>
    %jit3A_153 = arith.constant 10000 : i32
    %broadcast_in_dim3A_154 = vector.broadcast %jit3A_153 : i32 to vector<128x10000xi32>
    %select_n3A_155 = arith.select %eq3A_152, %iota3A, %broadcast_in_dim3A_154 : vector<128x10000xi1>, vector<128x10000xi32>
    %reduce_min3A_156 = arith.constant dense<2147483647> : vector<128xi32>
    %reduce_min3A_157 = vector.multi_reduction <minsi>, %select_n3A_155, %reduce_min3A_156 [1] : vector<128x10000xi32> to vector<128xi32>
    %broadcast_in_dim3A_158 = vector.shape_cast %reduce_min3A_157 : vector<128xi32> to vector<128x1xi32>
    %eq3A_159 = vector.broadcast %broadcast_in_dim3A_158 : vector<128x1xi32> to vector<128x10000xi32>
    %eq3A_160 = arith.cmpi eq, %iota3A, %eq3A_159 : vector<128x10000xi32>
    %jit3A_161 = arith.constant 3.000000e+38 : f32
    %broadcast_in_dim3A_162 = vector.broadcast %jit3A_161 : f32 to vector<128x10000xf32>
    %select_n3A_163 = arith.select %eq3A_160, %broadcast_in_dim3A_162, %select_n3A_147 : vector<128x10000xi1>, vector<128x10000xf32>
    %reduce_min3A_164 = arith.constant dense<0x7F800000> : vector<128xf32>
    %reduce_min3A_165 = vector.multi_reduction <minimumf>, %select_n3A_163, %reduce_min3A_164 [1] : vector<128x10000xf32> to vector<128xf32>
    %broadcast_in_dim3A_166 = vector.shape_cast %reduce_min3A_165 : vector<128xf32> to vector<128x1xf32>
    %eq3A_167 = vector.broadcast %broadcast_in_dim3A_166 : vector<128x1xf32> to vector<128x10000xf32>
    %eq3A_168 = arith.cmpf oeq, %select_n3A_163, %eq3A_167 : vector<128x10000xf32>
    %jit3A_169 = arith.constant 10000 : i32
    %broadcast_in_dim3A_170 = vector.broadcast %jit3A_169 : i32 to vector<128x10000xi32>
    %select_n3A_171 = arith.select %eq3A_168, %iota3A, %broadcast_in_dim3A_170 : vector<128x10000xi1>, vector<128x10000xi32>
    %reduce_min3A_172 = arith.constant dense<2147483647> : vector<128xi32>
    %reduce_min3A_173 = vector.multi_reduction <minsi>, %select_n3A_171, %reduce_min3A_172 [1] : vector<128x10000xi32> to vector<128xi32>
    %broadcast_in_dim3A_174 = vector.shape_cast %reduce_min3A_173 : vector<128xi32> to vector<128x1xi32>
    %eq3A_175 = vector.broadcast %broadcast_in_dim3A_174 : vector<128x1xi32> to vector<128x10000xi32>
    %eq3A_176 = arith.cmpi eq, %iota3A, %eq3A_175 : vector<128x10000xi32>
    %jit3A_177 = arith.constant 3.000000e+38 : f32
    %broadcast_in_dim3A_178 = vector.broadcast %jit3A_177 : f32 to vector<128x10000xf32>
    %select_n3A_179 = arith.select %eq3A_176, %broadcast_in_dim3A_178, %select_n3A_163 : vector<128x10000xi1>, vector<128x10000xf32>
    %reduce_min3A_180 = arith.constant dense<0x7F800000> : vector<128xf32>
    %reduce_min3A_181 = vector.multi_reduction <minimumf>, %select_n3A_179, %reduce_min3A_180 [1] : vector<128x10000xf32> to vector<128xf32>
    %broadcast_in_dim3A_182 = vector.shape_cast %reduce_min3A_181 : vector<128xf32> to vector<128x1xf32>
    %eq3A_183 = vector.broadcast %broadcast_in_dim3A_182 : vector<128x1xf32> to vector<128x10000xf32>
    %eq3A_184 = arith.cmpf oeq, %select_n3A_179, %eq3A_183 : vector<128x10000xf32>
    %jit3A_185 = arith.constant 10000 : i32
    %broadcast_in_dim3A_186 = vector.broadcast %jit3A_185 : i32 to vector<128x10000xi32>
    %select_n3A_187 = arith.select %eq3A_184, %iota3A, %broadcast_in_dim3A_186 : vector<128x10000xi1>, vector<128x10000xi32>
    %reduce_min3A_188 = arith.constant dense<2147483647> : vector<128xi32>
    %reduce_min3A_189 = vector.multi_reduction <minsi>, %select_n3A_187, %reduce_min3A_188 [1] : vector<128x10000xi32> to vector<128xi32>
    %broadcast_in_dim3A_190 = vector.shape_cast %reduce_min3A_189 : vector<128xi32> to vector<128x1xi32>
    %eq3A_191 = vector.broadcast %broadcast_in_dim3A_190 : vector<128x1xi32> to vector<128x10000xi32>
    %eq3A_192 = arith.cmpi eq, %iota3A, %eq3A_191 : vector<128x10000xi32>
    %jit3A_193 = arith.constant 3.000000e+38 : f32
    %broadcast_in_dim3A_194 = vector.broadcast %jit3A_193 : f32 to vector<128x10000xf32>
    %select_n3A_195 = arith.select %eq3A_192, %broadcast_in_dim3A_194, %select_n3A_179 : vector<128x10000xi1>, vector<128x10000xf32>
    %reduce_min3A_196 = arith.constant dense<0x7F800000> : vector<128xf32>
    %reduce_min3A_197 = vector.multi_reduction <minimumf>, %select_n3A_195, %reduce_min3A_196 [1] : vector<128x10000xf32> to vector<128xf32>
    %broadcast_in_dim3A_198 = vector.shape_cast %reduce_min3A_197 : vector<128xf32> to vector<128x1xf32>
    %eq3A_199 = vector.broadcast %broadcast_in_dim3A_198 : vector<128x1xf32> to vector<128x10000xf32>
    %eq3A_200 = arith.cmpf oeq, %select_n3A_195, %eq3A_199 : vector<128x10000xf32>
    %jit3A_201 = arith.constant 10000 : i32
    %broadcast_in_dim3A_202 = vector.broadcast %jit3A_201 : i32 to vector<128x10000xi32>
    %select_n3A_203 = arith.select %eq3A_200, %iota3A, %broadcast_in_dim3A_202 : vector<128x10000xi1>, vector<128x10000xi32>
    %reduce_min3A_204 = arith.constant dense<2147483647> : vector<128xi32>
    %reduce_min3A_205 = vector.multi_reduction <minsi>, %select_n3A_203, %reduce_min3A_204 [1] : vector<128x10000xi32> to vector<128xi32>
    %broadcast_in_dim3A_206 = vector.shape_cast %reduce_min3A_205 : vector<128xi32> to vector<128x1xi32>
    %eq3A_207 = vector.broadcast %broadcast_in_dim3A_206 : vector<128x1xi32> to vector<128x10000xi32>
    %eq3A_208 = arith.cmpi eq, %iota3A, %eq3A_207 : vector<128x10000xi32>
    %jit3A_209 = arith.constant 3.000000e+38 : f32
    %broadcast_in_dim3A_210 = vector.broadcast %jit3A_209 : f32 to vector<128x10000xf32>
    %select_n3A_211 = arith.select %eq3A_208, %broadcast_in_dim3A_210, %select_n3A_195 : vector<128x10000xi1>, vector<128x10000xf32>
    %reduce_min3A_212 = arith.constant dense<0x7F800000> : vector<128xf32>
    %reduce_min3A_213 = vector.multi_reduction <minimumf>, %select_n3A_211, %reduce_min3A_212 [1] : vector<128x10000xf32> to vector<128xf32>
    %broadcast_in_dim3A_214 = vector.shape_cast %reduce_min3A_213 : vector<128xf32> to vector<128x1xf32>
    %eq3A_215 = vector.broadcast %broadcast_in_dim3A_214 : vector<128x1xf32> to vector<128x10000xf32>
    %eq3A_216 = arith.cmpf oeq, %select_n3A_211, %eq3A_215 : vector<128x10000xf32>
    %jit3A_217 = arith.constant 10000 : i32
    %broadcast_in_dim3A_218 = vector.broadcast %jit3A_217 : i32 to vector<128x10000xi32>
    %select_n3A_219 = arith.select %eq3A_216, %iota3A, %broadcast_in_dim3A_218 : vector<128x10000xi1>, vector<128x10000xi32>
    %reduce_min3A_220 = arith.constant dense<2147483647> : vector<128xi32>
    %reduce_min3A_221 = vector.multi_reduction <minsi>, %select_n3A_219, %reduce_min3A_220 [1] : vector<128x10000xi32> to vector<128xi32>
    %broadcast_in_dim3A_222 = vector.shape_cast %reduce_min3A_221 : vector<128xi32> to vector<128x1xi32>
    %eq3A_223 = vector.broadcast %broadcast_in_dim3A_222 : vector<128x1xi32> to vector<128x10000xi32>
    %eq3A_224 = arith.cmpi eq, %iota3A, %eq3A_223 : vector<128x10000xi32>
    %jit3A_225 = arith.constant 3.000000e+38 : f32
    %broadcast_in_dim3A_226 = vector.broadcast %jit3A_225 : f32 to vector<128x10000xf32>
    %select_n3A_227 = arith.select %eq3A_224, %broadcast_in_dim3A_226, %select_n3A_211 : vector<128x10000xi1>, vector<128x10000xf32>
    %reduce_min3A_228 = arith.constant dense<0x7F800000> : vector<128xf32>
    %reduce_min3A_229 = vector.multi_reduction <minimumf>, %select_n3A_227, %reduce_min3A_228 [1] : vector<128x10000xf32> to vector<128xf32>
    %broadcast_in_dim3A_230 = vector.shape_cast %reduce_min3A_229 : vector<128xf32> to vector<128x1xf32>
    %eq3A_231 = vector.broadcast %broadcast_in_dim3A_230 : vector<128x1xf32> to vector<128x10000xf32>
    %eq3A_232 = arith.cmpf oeq, %select_n3A_227, %eq3A_231 : vector<128x10000xf32>
    %jit3A_233 = arith.constant 10000 : i32
    %broadcast_in_dim3A_234 = vector.broadcast %jit3A_233 : i32 to vector<128x10000xi32>
    %select_n3A_235 = arith.select %eq3A_232, %iota3A, %broadcast_in_dim3A_234 : vector<128x10000xi1>, vector<128x10000xi32>
    %reduce_min3A_236 = arith.constant dense<2147483647> : vector<128xi32>
    %reduce_min3A_237 = vector.multi_reduction <minsi>, %select_n3A_235, %reduce_min3A_236 [1] : vector<128x10000xi32> to vector<128xi32>
    %broadcast_in_dim3A_238 = vector.shape_cast %reduce_min3A_237 : vector<128xi32> to vector<128x1xi32>
    %eq3A_239 = vector.broadcast %broadcast_in_dim3A_238 : vector<128x1xi32> to vector<128x10000xi32>
    %eq3A_240 = arith.cmpi eq, %iota3A, %eq3A_239 : vector<128x10000xi32>
    %jit3A_241 = arith.constant 3.000000e+38 : f32
    %broadcast_in_dim3A_242 = vector.broadcast %jit3A_241 : f32 to vector<128x10000xf32>
    %select_n3A_243 = arith.select %eq3A_240, %broadcast_in_dim3A_242, %select_n3A_227 : vector<128x10000xi1>, vector<128x10000xf32>
    %reduce_min3A_244 = arith.constant dense<0x7F800000> : vector<128xf32>
    %reduce_min3A_245 = vector.multi_reduction <minimumf>, %select_n3A_243, %reduce_min3A_244 [1] : vector<128x10000xf32> to vector<128xf32>
    %broadcast_in_dim3A_246 = vector.shape_cast %reduce_min3A_245 : vector<128xf32> to vector<128x1xf32>
    %eq3A_247 = vector.broadcast %broadcast_in_dim3A_246 : vector<128x1xf32> to vector<128x10000xf32>
    %eq3A_248 = arith.cmpf oeq, %select_n3A_243, %eq3A_247 : vector<128x10000xf32>
    %jit3A_249 = arith.constant 10000 : i32
    %broadcast_in_dim3A_250 = vector.broadcast %jit3A_249 : i32 to vector<128x10000xi32>
    %select_n3A_251 = arith.select %eq3A_248, %iota3A, %broadcast_in_dim3A_250 : vector<128x10000xi1>, vector<128x10000xi32>
    %reduce_min3A_252 = arith.constant dense<2147483647> : vector<128xi32>
    %reduce_min3A_253 = vector.multi_reduction <minsi>, %select_n3A_251, %reduce_min3A_252 [1] : vector<128x10000xi32> to vector<128xi32>
    %broadcast_in_dim3A_254 = vector.shape_cast %reduce_min3A_253 : vector<128xi32> to vector<128x1xi32>
    %eq3A_255 = vector.broadcast %broadcast_in_dim3A_254 : vector<128x1xi32> to vector<128x10000xi32>
    %eq3A_256 = arith.cmpi eq, %iota3A, %eq3A_255 : vector<128x10000xi32>
    %jit3A_257 = arith.constant 3.000000e+38 : f32
    %broadcast_in_dim3A_258 = vector.broadcast %jit3A_257 : f32 to vector<128x10000xf32>
    %select_n3A_259 = arith.select %eq3A_256, %broadcast_in_dim3A_258, %select_n3A_243 : vector<128x10000xi1>, vector<128x10000xf32>
    %reduce_min3A_260 = arith.constant dense<0x7F800000> : vector<128xf32>
    %reduce_min3A_261 = vector.multi_reduction <minimumf>, %select_n3A_259, %reduce_min3A_260 [1] : vector<128x10000xf32> to vector<128xf32>
    %broadcast_in_dim3A_262 = vector.shape_cast %reduce_min3A_261 : vector<128xf32> to vector<128x1xf32>
    %eq3A_263 = vector.broadcast %broadcast_in_dim3A_262 : vector<128x1xf32> to vector<128x10000xf32>
    %eq3A_264 = arith.cmpf oeq, %select_n3A_259, %eq3A_263 : vector<128x10000xf32>
    %jit3A_265 = arith.constant 10000 : i32
    %broadcast_in_dim3A_266 = vector.broadcast %jit3A_265 : i32 to vector<128x10000xi32>
    %select_n3A_267 = arith.select %eq3A_264, %iota3A, %broadcast_in_dim3A_266 : vector<128x10000xi1>, vector<128x10000xi32>
    %reduce_min3A_268 = arith.constant dense<2147483647> : vector<128xi32>
    %reduce_min3A_269 = vector.multi_reduction <minsi>, %select_n3A_267, %reduce_min3A_268 [1] : vector<128x10000xi32> to vector<128xi32>
    %broadcast_in_dim3A_270 = vector.shape_cast %reduce_min3A_269 : vector<128xi32> to vector<128x1xi32>
    %concatenate3A = tpu.concatenate %broadcast_in_dim3A_30, %broadcast_in_dim3A_46, %broadcast_in_dim3A_62, %broadcast_in_dim3A_78, %broadcast_in_dim3A_94, %broadcast_in_dim3A_110, %broadcast_in_dim3A_126, %broadcast_in_dim3A_142, %broadcast_in_dim3A_158, %broadcast_in_dim3A_174, %broadcast_in_dim3A_190, %broadcast_in_dim3A_206, %broadcast_in_dim3A_222, %broadcast_in_dim3A_238, %broadcast_in_dim3A_254, %broadcast_in_dim3A_270 in 1 : vector<128x1xi32>, vector<128x1xi32>, vector<128x1xi32>, vector<128x1xi32>, vector<128x1xi32>, vector<128x1xi32>, vector<128x1xi32>, vector<128x1xi32>, vector<128x1xi32>, vector<128x1xi32>, vector<128x1xi32>, vector<128x1xi32>, vector<128x1xi32>, vector<128x1xi32>, vector<128x1xi32>, vector<128x1xi32> -> vector<128x16xi32>
    %swap3A = arith.constant 0 : index
    %swap3A_271 = arith.constant 0 : index
    %swap3A_272 = arith.constant 0 : index
    %swap3A_273 = vector.load %arg4[%swap3A, %swap3A_271, %swap3A_272] : memref<1x128x16xi32, #tpu.memory_space<vmem>>, vector<1x128x16xi32>
    %swap3A_274 = vector.shape_cast %swap3A_273 : vector<1x128x16xi32> to vector<128x16xi32>
    %swap3A_275 = vector.shape_cast %concatenate3A : vector<128x16xi32> to vector<1x128x16xi32>
    tpu.vector_store %arg4[%swap3A, %swap3A_271, %swap3A_272], %swap3A_275 {strides = array<i32>} : memref<1x128x16xi32, #tpu.memory_space<vmem>>, vector<1x128x16xi32>,
    return
  }
  func.func @transform_0(%arg0: i32, %arg1: i32) -> (i32, i32, i32) {
    %c0_i32 = arith.constant 0 : i32
    %c0_i32_0 = arith.constant 0 : i32
    return %arg0, %arg1, %c0_i32 : i32, i32, i32
  }
  func.func @transform_1(%arg0: i32, %arg1: i32) -> (i32, i32, i32) {
    %c0_i32 = arith.constant 0 : i32
    %c0_i32_0 = arith.constant 0 : i32
    %c0_i32_1 = arith.constant 0 : i32
    return %arg0, %c0_i32, %c0_i32_0 : i32, i32, i32
  }
  func.func @transform_2(%arg0: i32, %arg1: i32) -> (i32, i32, i32) {
    %c0_i32 = arith.constant 0 : i32
    %c0_i32_0 = arith.constant 0 : i32
    return %arg0, %arg1, %c0_i32 : i32, i32, i32
  }
}

module attributes {stable_mosaic.version = 14 : i64} {
  func.func @_group_body(%arg0: i32, %arg1: i32, %arg2: memref<1x4096x384xf32, #tpu.memory_space<vmem>>, %arg3: memref<1x256x128xf32, #tpu.memory_space<vmem>>, %arg4: memref<1x256x256xf32, #tpu.memory_space<vmem>>, %arg5: memref<384x256xf32, #tpu.memory_space<vmem>>, %arg6: memref<256xf32, #tpu.memory_space<vmem>>, %arg7: memref<256x256xf32, #tpu.memory_space<vmem>>, %arg8: memref<256xf32, #tpu.memory_space<vmem>>, %arg9: memref<512x512xf32, #tpu.memory_space<vmem>>, %arg10: memref<512xf32, #tpu.memory_space<vmem>>, %arg11: memref<512x512xf32, #tpu.memory_space<vmem>>, %arg12: memref<512xf32, #tpu.memory_space<vmem>>, %arg13: memref<1024x512xf32, #tpu.memory_space<vmem>>, %arg14: memref<512xf32, #tpu.memory_space<vmem>>, %arg15: memref<512x512xf32, #tpu.memory_space<vmem>>, %arg16: memref<512xf32, #tpu.memory_space<vmem>>, %arg17: memref<1x256x512xf32, #tpu.memory_space<vmem>>, %arg18: memref<1x1x512xf32, #tpu.memory_space<vmem>>, %arg19: memref<1x512xf32, #tpu.memory_space<vmem>>, %arg20: memref<1x512xf32, #tpu.memory_space<vmem>>) attributes {dimension_semantics = [#tpu.dimension_semantics<arbitrary>, #tpu.dimension_semantics<arbitrary>], iteration_bounds = array<i64: 2, 2>, scalar_prefetch = 0 : i64, scratch_operands = 2 : i64, tpu.core_type = #tpu.core_type<tc>, window_params = [{transform_indices = @transform_0, window_bounds = array<i64: 1, 4096, 384>}, {transform_indices = @transform_1, window_bounds = array<i64: 1, 256, 128>}, {transform_indices = @transform_2, window_bounds = array<i64: 1, 256, 256>}, {pipeline_mode = #tpu.pipeline_mode<synchronous>, transform_indices = @transform_3, window_bounds = array<i64: 384, 256>}, {pipeline_mode = #tpu.pipeline_mode<synchronous>, transform_indices = @transform_4, window_bounds = array<i64: 256>}, {pipeline_mode = #tpu.pipeline_mode<synchronous>, transform_indices = @transform_5, window_bounds = array<i64: 256, 256>}, {pipeline_mode = #tpu.pipeline_mode<synchronous>, transform_indices = @transform_6, window_bounds = array<i64: 256>}, {pipeline_mode = #tpu.pipeline_mode<synchronous>, transform_indices = @transform_7, window_bounds = array<i64: 512, 512>}, {pipeline_mode = #tpu.pipeline_mode<synchronous>, transform_indices = @transform_8, window_bounds = array<i64: 512>}, {pipeline_mode = #tpu.pipeline_mode<synchronous>, transform_indices = @transform_9, window_bounds = array<i64: 512, 512>}, {pipeline_mode = #tpu.pipeline_mode<synchronous>, transform_indices = @transform_10, window_bounds = array<i64: 512>}, {pipeline_mode = #tpu.pipeline_mode<synchronous>, transform_indices = @transform_11, window_bounds = array<i64: 1024, 512>}, {pipeline_mode = #tpu.pipeline_mode<synchronous>, transform_indices = @transform_12, window_bounds = array<i64: 512>}, {pipeline_mode = #tpu.pipeline_mode<synchronous>, transform_indices = @transform_13, window_bounds = array<i64: 512, 512>}, {pipeline_mode = #tpu.pipeline_mode<synchronous>, transform_indices = @transform_14, window_bounds = array<i64: 512>}, {transform_indices = @transform_15, window_bounds = array<i64: 1, 256, 512>}, {transform_indices = @transform_16, window_bounds = array<i64: 1, 1, 512>}]} {
    %eq3A = arith.constant 0 : i32
    %eq3A_0 = arith.cmpi eq, %arg1, %eq3A : i32
    %convert_element_type3A = arith.extui %eq3A_0 : i1 to i32
    %cond3A = arith.constant 0 : i32
    %cond3A_1 = arith.cmpi ne, %convert_element_type3A, %cond3A : i32
    scf.if %cond3A_1 {
      %broadcast_in_dim3A_276 = arith.constant -1.000000e+30 : f32
      %broadcast_in_dim3A_277 = vector.broadcast %broadcast_in_dim3A_276 : f32 to vector<1x512xf32>
      %swap3A_278 = arith.constant 0 : index
      %swap3A_279 = arith.constant 0 : index
      %swap3A_280 = vector.load %arg19[%swap3A_278, %swap3A_279] : memref<1x512xf32, #tpu.memory_space<vmem>>, vector<1x512xf32>
      tpu.vector_store %arg19[%swap3A_278, %swap3A_279], %broadcast_in_dim3A_277 {strides = array<i32>} : memref<1x512xf32, #tpu.memory_space<vmem>>, vector<1x512xf32>,
      %broadcast_in_dim3A_281 = arith.constant 0.000000e+00 : f32
      %broadcast_in_dim3A_282 = vector.broadcast %broadcast_in_dim3A_281 : f32 to vector<1x512xf32>
      %swap3A_283 = arith.constant 0 : index
      %swap3A_284 = arith.constant 0 : index
      %swap3A_285 = vector.load %arg20[%swap3A_283, %swap3A_284] : memref<1x512xf32, #tpu.memory_space<vmem>>, vector<1x512xf32>
      tpu.vector_store %arg20[%swap3A_283, %swap3A_284], %broadcast_in_dim3A_282 {strides = array<i32>} : memref<1x512xf32, #tpu.memory_space<vmem>>, vector<1x512xf32>,
    } else {
    }
    %get3A = arith.constant 0 : index
    %get3A_2 = arith.constant 0 : index
    %get3A_3 = arith.constant 0 : index
    %get3A_4 = vector.load %arg2[%get3A, %get3A_2, %get3A_3] : memref<1x4096x384xf32, #tpu.memory_space<vmem>>, vector<1x4096x384xf32>
    %get3A_5 = vector.shape_cast %get3A_4 : vector<1x4096x384xf32> to vector<4096x384xf32>
    %get3A_6 = arith.constant 0 : index
    %get3A_7 = arith.constant 0 : index
    %get3A_8 = arith.constant 0 : index
    %get3A_9 = vector.load %arg3[%get3A_6, %get3A_7, %get3A_8] : memref<1x256x128xf32, #tpu.memory_space<vmem>>, vector<1x256x128xf32>
    %get3A_10 = vector.shape_cast %get3A_9 : vector<1x256x128xf32> to vector<256x128xf32>
    %get3A_11 = arith.constant 0 : index
    %get3A_12 = arith.constant 0 : index
    %get3A_13 = arith.constant 0 : index
    %get3A_14 = vector.load %arg4[%get3A_11, %get3A_12, %get3A_13] : memref<1x256x256xf32, #tpu.memory_space<vmem>>, vector<1x256x256xf32>
    %get3A_15 = vector.shape_cast %get3A_14 : vector<1x256x256xf32> to vector<256x256xf32>
    %get3A_16 = arith.constant 0 : index
    %get3A_17 = arith.constant 0 : index
    %get3A_18 = vector.load %arg5[%get3A_16, %get3A_17] : memref<384x256xf32, #tpu.memory_space<vmem>>, vector<384x256xf32>
    %get3A_19 = arith.constant 0 : index
    %get3A_20 = vector.load %arg6[%get3A_19] : memref<256xf32, #tpu.memory_space<vmem>>, vector<256xf32>
    %dot_general3A = arith.constant dense<0.000000e+00> : vector<4096x256xf32>
    %dot_general3A_21 = tpu.matmul %get3A_5, %get3A_18, %dot_general3A {dimension_numbers = #tpu.dot_dimension_numbers<[1], [0], [0], [1], [0, 0, 1, 1], [], []>, transpose_lhs_hint = false} : vector<4096x384xf32>, vector<384x256xf32>, vector<4096x256xf32> -> vector<4096x256xf32>
    %broadcast_in_dim3A = vector.shape_cast %get3A_20 : vector<256xf32> to vector<1x256xf32>
    %add3A = vector.broadcast %broadcast_in_dim3A : vector<1x256xf32> to vector<4096x256xf32>
    %add3A_22 = arith.addf %dot_general3A_21, %add3A : vector<4096x256xf32>
    %slice3A = vector.extract_strided_slice %get3A_18 {offsets = [0, 0], sizes = [128, 256], strides = [1, 1]} : vector<384x256xf32> to vector<128x256xf32>
    %dot_general3A_23 = arith.constant dense<0.000000e+00> : vector<256x256xf32>
    %dot_general3A_24 = tpu.matmul %get3A_10, %slice3A, %dot_general3A_23 {dimension_numbers = #tpu.dot_dimension_numbers<[1], [0], [0], [1], [0, 0, 1, 1], [], []>, transpose_lhs_hint = false} : vector<256x128xf32>, vector<128x256xf32>, vector<256x256xf32> -> vector<256x256xf32>
    %reshape3A = vector.shape_cast %add3A_22 : vector<4096x256xf32> to vector<256x16x256xf32>
    %reshape3A_25 = vector.shape_cast %dot_general3A_24 : vector<256x256xf32> to vector<256x1x256xf32>
    %sub3A = vector.broadcast %reshape3A_25 : vector<256x1x256xf32> to vector<256x16x256xf32>
    %sub3A_26 = arith.subf %reshape3A, %sub3A : vector<256x16x256xf32>
    %reduce_sum3A = arith.constant dense<0.000000e+00> : vector<256x16xf32>
    %reduce_sum3A_27 = vector.multi_reduction <add>, %sub3A_26, %reduce_sum3A [2] : vector<256x16x256xf32> to vector<256x16xf32>
    %broadcast_in_dim3A_28 = vector.shape_cast %reduce_sum3A_27 : vector<256x16xf32> to vector<256x16x1xf32>
    %div3A = arith.constant 2.560000e+02 : f32
    %div3A_29 = vector.broadcast %div3A : f32 to vector<256x16x1xf32>
    %div3A_30 = arith.divf %broadcast_in_dim3A_28, %div3A_29 : vector<256x16x1xf32>
    %sub3A_31 = vector.broadcast %div3A_30 : vector<256x16x1xf32> to vector<256x16x256xf32>
    %sub3A_32 = arith.subf %sub3A_26, %sub3A_31 : vector<256x16x256xf32>
    %sub3A_33 = vector.broadcast %div3A_30 : vector<256x16x1xf32> to vector<256x16x256xf32>
    %sub3A_34 = arith.subf %sub3A_26, %sub3A_33 : vector<256x16x256xf32>
    %mul3A = arith.mulf %sub3A_32, %sub3A_34 : vector<256x16x256xf32>
    %reduce_sum3A_35 = arith.constant dense<0.000000e+00> : vector<256x16xf32>
    %reduce_sum3A_36 = vector.multi_reduction <add>, %mul3A, %reduce_sum3A_35 [2] : vector<256x16x256xf32> to vector<256x16xf32>
    %broadcast_in_dim3A_37 = vector.shape_cast %reduce_sum3A_36 : vector<256x16xf32> to vector<256x16x1xf32>
    %div3A_38 = arith.constant 2.560000e+02 : f32
    %div3A_39 = vector.broadcast %div3A_38 : f32 to vector<256x16x1xf32>
    %div3A_40 = arith.divf %broadcast_in_dim3A_37, %div3A_39 : vector<256x16x1xf32>
    %sub3A_41 = vector.broadcast %div3A_30 : vector<256x16x1xf32> to vector<256x16x256xf32>
    %sub3A_42 = arith.subf %sub3A_26, %sub3A_41 : vector<256x16x256xf32>
    %add3A_43 = arith.constant 9.99999974E-6 : f32
    %add3A_44 = vector.broadcast %add3A_43 : f32 to vector<256x16x1xf32>
    %add3A_45 = arith.addf %div3A_40, %add3A_44 : vector<256x16x1xf32>
    %sqrt3A = math.sqrt %add3A_45 : vector<256x16x1xf32>
    %div3A_46 = vector.broadcast %sqrt3A : vector<256x16x1xf32> to vector<256x16x256xf32>
    %div3A_47 = arith.divf %sub3A_42, %div3A_46 : vector<256x16x256xf32>
    %max3A = arith.constant 0.000000e+00 : f32
    %max3A_48 = vector.broadcast %max3A : f32 to vector<256x16x256xf32>
    %max3A_49 = arith.maximumf %div3A_47, %max3A_48 : vector<256x16x256xf32>
    %reshape3A_50 = vector.shape_cast %max3A_49 : vector<256x16x256xf32> to vector<4096x256xf32>
    %slice3A_51 = vector.extract_strided_slice %get3A_18 {offsets = [128, 0], sizes = [256, 256], strides = [1, 1]} : vector<384x256xf32> to vector<256x256xf32>
    %dot_general3A_52 = arith.constant dense<0.000000e+00> : vector<256x256xf32>
    %dot_general3A_53 = tpu.matmul %get3A_15, %slice3A_51, %dot_general3A_52 {dimension_numbers = #tpu.dot_dimension_numbers<[1], [0], [0], [1], [0, 0, 1, 1], [], []>, transpose_lhs_hint = false} : vector<256x256xf32>, vector<256x256xf32>, vector<256x256xf32> -> vector<256x256xf32>
    %broadcast_in_dim3A_54 = vector.shape_cast %get3A_20 : vector<256xf32> to vector<1x256xf32>
    %add3A_55 = vector.broadcast %broadcast_in_dim3A_54 : vector<1x256xf32> to vector<256x256xf32>
    %add3A_56 = arith.addf %dot_general3A_53, %add3A_55 : vector<256x256xf32>
    %reduce_sum3A_57 = arith.constant dense<0.000000e+00> : vector<256xf32>
    %reduce_sum3A_58 = vector.multi_reduction <add>, %add3A_56, %reduce_sum3A_57 [1] : vector<256x256xf32> to vector<256xf32>
    %broadcast_in_dim3A_59 = vector.shape_cast %reduce_sum3A_58 : vector<256xf32> to vector<256x1xf32>
    %div3A_60 = arith.constant 2.560000e+02 : f32
    %div3A_61 = vector.broadcast %div3A_60 : f32 to vector<256x1xf32>
    %div3A_62 = arith.divf %broadcast_in_dim3A_59, %div3A_61 : vector<256x1xf32>
    %sub3A_63 = vector.broadcast %div3A_62 : vector<256x1xf32> to vector<256x256xf32>
    %sub3A_64 = arith.subf %add3A_56, %sub3A_63 : vector<256x256xf32>
    %sub3A_65 = vector.broadcast %div3A_62 : vector<256x1xf32> to vector<256x256xf32>
    %sub3A_66 = arith.subf %add3A_56, %sub3A_65 : vector<256x256xf32>
    %mul3A_67 = arith.mulf %sub3A_64, %sub3A_66 : vector<256x256xf32>
    %reduce_sum3A_68 = arith.constant dense<0.000000e+00> : vector<256xf32>
    %reduce_sum3A_69 = vector.multi_reduction <add>, %mul3A_67, %reduce_sum3A_68 [1] : vector<256x256xf32> to vector<256xf32>
    %broadcast_in_dim3A_70 = vector.shape_cast %reduce_sum3A_69 : vector<256xf32> to vector<256x1xf32>
    %div3A_71 = arith.constant 2.560000e+02 : f32
    %div3A_72 = vector.broadcast %div3A_71 : f32 to vector<256x1xf32>
    %div3A_73 = arith.divf %broadcast_in_dim3A_70, %div3A_72 : vector<256x1xf32>
    %sub3A_74 = vector.broadcast %div3A_62 : vector<256x1xf32> to vector<256x256xf32>
    %sub3A_75 = arith.subf %add3A_56, %sub3A_74 : vector<256x256xf32>
    %add3A_76 = arith.constant 9.99999974E-6 : f32
    %add3A_77 = vector.broadcast %add3A_76 : f32 to vector<256x1xf32>
    %add3A_78 = arith.addf %div3A_73, %add3A_77 : vector<256x1xf32>
    %sqrt3A_79 = math.sqrt %add3A_78 : vector<256x1xf32>
    %div3A_80 = vector.broadcast %sqrt3A_79 : vector<256x1xf32> to vector<256x256xf32>
    %div3A_81 = arith.divf %sub3A_75, %div3A_80 : vector<256x256xf32>
    %max3A_82 = arith.constant 0.000000e+00 : f32
    %max3A_83 = vector.broadcast %max3A_82 : f32 to vector<256x256xf32>
    %max3A_84 = arith.maximumf %div3A_81, %max3A_83 : vector<256x256xf32>
    %get3A_85 = arith.constant 0 : index
    %get3A_86 = arith.constant 0 : index
    %get3A_87 = vector.load %arg7[%get3A_85, %get3A_86] : memref<256x256xf32, #tpu.memory_space<vmem>>, vector<256x256xf32>
    %dot_general3A_88 = arith.constant dense<0.000000e+00> : vector<4096x256xf32>
    %dot_general3A_89 = tpu.matmul %reshape3A_50, %get3A_87, %dot_general3A_88 {dimension_numbers = #tpu.dot_dimension_numbers<[1], [0], [0], [1], [0, 0, 1, 1], [], []>, transpose_lhs_hint = false} : vector<4096x256xf32>, vector<256x256xf32>, vector<4096x256xf32> -> vector<4096x256xf32>
    %get3A_90 = arith.constant 0 : index
    %get3A_91 = vector.load %arg8[%get3A_90] : memref<256xf32, #tpu.memory_space<vmem>>, vector<256xf32>
    %broadcast_in_dim3A_92 = vector.shape_cast %get3A_91 : vector<256xf32> to vector<1x256xf32>
    %add3A_93 = vector.broadcast %broadcast_in_dim3A_92 : vector<1x256xf32> to vector<4096x256xf32>
    %add3A_94 = arith.addf %dot_general3A_89, %add3A_93 : vector<4096x256xf32>
    %reduce_sum3A_95 = arith.constant dense<0.000000e+00> : vector<4096xf32>
    %reduce_sum3A_96 = vector.multi_reduction <add>, %add3A_94, %reduce_sum3A_95 [1] : vector<4096x256xf32> to vector<4096xf32>
    %broadcast_in_dim3A_97 = vector.shape_cast %reduce_sum3A_96 : vector<4096xf32> to vector<4096x1xf32>
    %div3A_98 = arith.constant 2.560000e+02 : f32
    %div3A_99 = vector.broadcast %div3A_98 : f32 to vector<4096x1xf32>
    %div3A_100 = arith.divf %broadcast_in_dim3A_97, %div3A_99 : vector<4096x1xf32>
    %sub3A_101 = vector.broadcast %div3A_100 : vector<4096x1xf32> to vector<4096x256xf32>
    %sub3A_102 = arith.subf %add3A_94, %sub3A_101 : vector<4096x256xf32>
    %sub3A_103 = vector.broadcast %div3A_100 : vector<4096x1xf32> to vector<4096x256xf32>
    %sub3A_104 = arith.subf %add3A_94, %sub3A_103 : vector<4096x256xf32>
    %mul3A_105 = arith.mulf %sub3A_102, %sub3A_104 : vector<4096x256xf32>
    %reduce_sum3A_106 = arith.constant dense<0.000000e+00> : vector<4096xf32>
    %reduce_sum3A_107 = vector.multi_reduction <add>, %mul3A_105, %reduce_sum3A_106 [1] : vector<4096x256xf32> to vector<4096xf32>
    %broadcast_in_dim3A_108 = vector.shape_cast %reduce_sum3A_107 : vector<4096xf32> to vector<4096x1xf32>
    %div3A_109 = arith.constant 2.560000e+02 : f32
    %div3A_110 = vector.broadcast %div3A_109 : f32 to vector<4096x1xf32>
    %div3A_111 = arith.divf %broadcast_in_dim3A_108, %div3A_110 : vector<4096x1xf32>
    %sub3A_112 = vector.broadcast %div3A_100 : vector<4096x1xf32> to vector<4096x256xf32>
    %sub3A_113 = arith.subf %add3A_94, %sub3A_112 : vector<4096x256xf32>
    %add3A_114 = arith.constant 9.99999974E-6 : f32
    %add3A_115 = vector.broadcast %add3A_114 : f32 to vector<4096x1xf32>
    %add3A_116 = arith.addf %div3A_111, %add3A_115 : vector<4096x1xf32>
    %sqrt3A_117 = math.sqrt %add3A_116 : vector<4096x1xf32>
    %div3A_118 = vector.broadcast %sqrt3A_117 : vector<4096x1xf32> to vector<4096x256xf32>
    %div3A_119 = arith.divf %sub3A_113, %div3A_118 : vector<4096x256xf32>
    %max3A_120 = arith.constant 0.000000e+00 : f32
    %max3A_121 = vector.broadcast %max3A_120 : f32 to vector<4096x256xf32>
    %max3A_122 = arith.maximumf %div3A_119, %max3A_121 : vector<4096x256xf32>
    %get3A_123 = arith.constant 0 : index
    %get3A_124 = arith.constant 0 : index
    %get3A_125 = vector.load %arg7[%get3A_123, %get3A_124] : memref<256x256xf32, #tpu.memory_space<vmem>>, vector<256x256xf32>
    %dot_general3A_126 = arith.constant dense<0.000000e+00> : vector<256x256xf32>
    %dot_general3A_127 = tpu.matmul %max3A_84, %get3A_125, %dot_general3A_126 {dimension_numbers = #tpu.dot_dimension_numbers<[1], [0], [0], [1], [0, 0, 1, 1], [], []>, transpose_lhs_hint = false} : vector<256x256xf32>, vector<256x256xf32>, vector<256x256xf32> -> vector<256x256xf32>
    %get3A_128 = arith.constant 0 : index
    %get3A_129 = vector.load %arg8[%get3A_128] : memref<256xf32, #tpu.memory_space<vmem>>, vector<256xf32>
    %broadcast_in_dim3A_130 = vector.shape_cast %get3A_129 : vector<256xf32> to vector<1x256xf32>
    %add3A_131 = vector.broadcast %broadcast_in_dim3A_130 : vector<1x256xf32> to vector<256x256xf32>
    %add3A_132 = arith.addf %dot_general3A_127, %add3A_131 : vector<256x256xf32>
    %reduce_sum3A_133 = arith.constant dense<0.000000e+00> : vector<256xf32>
    %reduce_sum3A_134 = vector.multi_reduction <add>, %add3A_132, %reduce_sum3A_133 [1] : vector<256x256xf32> to vector<256xf32>
    %broadcast_in_dim3A_135 = vector.shape_cast %reduce_sum3A_134 : vector<256xf32> to vector<256x1xf32>
    %div3A_136 = arith.constant 2.560000e+02 : f32
    %div3A_137 = vector.broadcast %div3A_136 : f32 to vector<256x1xf32>
    %div3A_138 = arith.divf %broadcast_in_dim3A_135, %div3A_137 : vector<256x1xf32>
    %sub3A_139 = vector.broadcast %div3A_138 : vector<256x1xf32> to vector<256x256xf32>
    %sub3A_140 = arith.subf %add3A_132, %sub3A_139 : vector<256x256xf32>
    %sub3A_141 = vector.broadcast %div3A_138 : vector<256x1xf32> to vector<256x256xf32>
    %sub3A_142 = arith.subf %add3A_132, %sub3A_141 : vector<256x256xf32>
    %mul3A_143 = arith.mulf %sub3A_140, %sub3A_142 : vector<256x256xf32>
    %reduce_sum3A_144 = arith.constant dense<0.000000e+00> : vector<256xf32>
    %reduce_sum3A_145 = vector.multi_reduction <add>, %mul3A_143, %reduce_sum3A_144 [1] : vector<256x256xf32> to vector<256xf32>
    %broadcast_in_dim3A_146 = vector.shape_cast %reduce_sum3A_145 : vector<256xf32> to vector<256x1xf32>
    %div3A_147 = arith.constant 2.560000e+02 : f32
    %div3A_148 = vector.broadcast %div3A_147 : f32 to vector<256x1xf32>
    %div3A_149 = arith.divf %broadcast_in_dim3A_146, %div3A_148 : vector<256x1xf32>
    %sub3A_150 = vector.broadcast %div3A_138 : vector<256x1xf32> to vector<256x256xf32>
    %sub3A_151 = arith.subf %add3A_132, %sub3A_150 : vector<256x256xf32>
    %add3A_152 = arith.constant 9.99999974E-6 : f32
    %add3A_153 = vector.broadcast %add3A_152 : f32 to vector<256x1xf32>
    %add3A_154 = arith.addf %div3A_149, %add3A_153 : vector<256x1xf32>
    %sqrt3A_155 = math.sqrt %add3A_154 : vector<256x1xf32>
    %div3A_156 = vector.broadcast %sqrt3A_155 : vector<256x1xf32> to vector<256x256xf32>
    %div3A_157 = arith.divf %sub3A_151, %div3A_156 : vector<256x256xf32>
    %max3A_158 = arith.constant 0.000000e+00 : f32
    %max3A_159 = vector.broadcast %max3A_158 : f32 to vector<256x256xf32>
    %max3A_160 = arith.maximumf %div3A_157, %max3A_159 : vector<256x256xf32>
    %reshape3A_161 = vector.shape_cast %max3A_122 : vector<4096x256xf32> to vector<256x16x256xf32>
    %reduce_max3A = arith.constant dense<0xFF800000> : vector<256x256xf32>
    %reduce_max3A_162 = vector.multi_reduction <maximumf>, %reshape3A_161, %reduce_max3A [1] : vector<256x16x256xf32> to vector<256x256xf32>
    %max3A_163 = arith.maximumf %reduce_max3A_162, %max3A_160 : vector<256x256xf32>
    %reduce_sum3A_164 = arith.constant dense<0.000000e+00> : vector<256x256xf32>
    %reduce_sum3A_165 = vector.multi_reduction <add>, %reshape3A_161, %reduce_sum3A_164 [1] : vector<256x16x256xf32> to vector<256x256xf32>
    %add3A_166 = arith.addf %reduce_sum3A_165, %max3A_160 : vector<256x256xf32>
    %mul3A_167 = arith.constant 0.0588235296 : f32
    %mul3A_168 = vector.broadcast %mul3A_167 : f32 to vector<256x256xf32>
    %mul3A_169 = arith.mulf %add3A_166, %mul3A_168 : vector<256x256xf32>
    %concatenate3A = tpu.concatenate %max3A_163, %mul3A_169 in 1 : vector<256x256xf32>, vector<256x256xf32> -> vector<256x512xf32>
    %get3A_170 = arith.constant 0 : index
    %get3A_171 = arith.constant 0 : index
    %get3A_172 = vector.load %arg9[%get3A_170, %get3A_171] : memref<512x512xf32, #tpu.memory_space<vmem>>, vector<512x512xf32>
    %dot_general3A_173 = arith.constant dense<0.000000e+00> : vector<256x512xf32>
    %dot_general3A_174 = tpu.matmul %concatenate3A, %get3A_172, %dot_general3A_173 {dimension_numbers = #tpu.dot_dimension_numbers<[1], [0], [0], [1], [0, 0, 1, 1], [], []>, transpose_lhs_hint = false} : vector<256x512xf32>, vector<512x512xf32>, vector<256x512xf32> -> vector<256x512xf32>
    %get3A_175 = arith.constant 0 : index
    %get3A_176 = vector.load %arg10[%get3A_175] : memref<512xf32, #tpu.memory_space<vmem>>, vector<512xf32>
    %broadcast_in_dim3A_177 = vector.shape_cast %get3A_176 : vector<512xf32> to vector<1x512xf32>
    %add3A_178 = vector.broadcast %broadcast_in_dim3A_177 : vector<1x512xf32> to vector<256x512xf32>
    %add3A_179 = arith.addf %dot_general3A_174, %add3A_178 : vector<256x512xf32>
    %reduce_sum3A_180 = arith.constant dense<0.000000e+00> : vector<256xf32>
    %reduce_sum3A_181 = vector.multi_reduction <add>, %add3A_179, %reduce_sum3A_180 [1] : vector<256x512xf32> to vector<256xf32>
    %broadcast_in_dim3A_182 = vector.shape_cast %reduce_sum3A_181 : vector<256xf32> to vector<256x1xf32>
    %div3A_183 = arith.constant 5.120000e+02 : f32
    %div3A_184 = vector.broadcast %div3A_183 : f32 to vector<256x1xf32>
    %div3A_185 = arith.divf %broadcast_in_dim3A_182, %div3A_184 : vector<256x1xf32>
    %sub3A_186 = vector.broadcast %div3A_185 : vector<256x1xf32> to vector<256x512xf32>
    %sub3A_187 = arith.subf %add3A_179, %sub3A_186 : vector<256x512xf32>
    %sub3A_188 = vector.broadcast %div3A_185 : vector<256x1xf32> to vector<256x512xf32>
    %sub3A_189 = arith.subf %add3A_179, %sub3A_188 : vector<256x512xf32>
    %mul3A_190 = arith.mulf %sub3A_187, %sub3A_189 : vector<256x512xf32>
    %reduce_sum3A_191 = arith.constant dense<0.000000e+00> : vector<256xf32>
    %reduce_sum3A_192 = vector.multi_reduction <add>, %mul3A_190, %reduce_sum3A_191 [1] : vector<256x512xf32> to vector<256xf32>
    %broadcast_in_dim3A_193 = vector.shape_cast %reduce_sum3A_192 : vector<256xf32> to vector<256x1xf32>
    %div3A_194 = arith.constant 5.120000e+02 : f32
    %div3A_195 = vector.broadcast %div3A_194 : f32 to vector<256x1xf32>
    %div3A_196 = arith.divf %broadcast_in_dim3A_193, %div3A_195 : vector<256x1xf32>
    %sub3A_197 = vector.broadcast %div3A_185 : vector<256x1xf32> to vector<256x512xf32>
    %sub3A_198 = arith.subf %add3A_179, %sub3A_197 : vector<256x512xf32>
    %add3A_199 = arith.constant 9.99999974E-6 : f32
    %add3A_200 = vector.broadcast %add3A_199 : f32 to vector<256x1xf32>
    %add3A_201 = arith.addf %div3A_196, %add3A_200 : vector<256x1xf32>
    %sqrt3A_202 = math.sqrt %add3A_201 : vector<256x1xf32>
    %div3A_203 = vector.broadcast %sqrt3A_202 : vector<256x1xf32> to vector<256x512xf32>
    %div3A_204 = arith.divf %sub3A_198, %div3A_203 : vector<256x512xf32>
    %max3A_205 = arith.constant 0.000000e+00 : f32
    %max3A_206 = vector.broadcast %max3A_205 : f32 to vector<256x512xf32>
    %max3A_207 = arith.maximumf %div3A_204, %max3A_206 : vector<256x512xf32>
    %get3A_208 = arith.constant 0 : index
    %get3A_209 = arith.constant 0 : index
    %get3A_210 = vector.load %arg11[%get3A_208, %get3A_209] : memref<512x512xf32, #tpu.memory_space<vmem>>, vector<512x512xf32>
    %dot_general3A_211 = arith.constant dense<0.000000e+00> : vector<256x512xf32>
    %dot_general3A_212 = tpu.matmul %max3A_207, %get3A_210, %dot_general3A_211 {dimension_numbers = #tpu.dot_dimension_numbers<[1], [0], [0], [1], [0, 0, 1, 1], [], []>, transpose_lhs_hint = false} : vector<256x512xf32>, vector<512x512xf32>, vector<256x512xf32> -> vector<256x512xf32>
    %get3A_213 = arith.constant 0 : index
    %get3A_214 = vector.load %arg12[%get3A_213] : memref<512xf32, #tpu.memory_space<vmem>>, vector<512xf32>
    %broadcast_in_dim3A_215 = vector.shape_cast %get3A_214 : vector<512xf32> to vector<1x512xf32>
    %add3A_216 = vector.broadcast %broadcast_in_dim3A_215 : vector<1x512xf32> to vector<256x512xf32>
    %add3A_217 = arith.addf %dot_general3A_212, %add3A_216 : vector<256x512xf32>
    %reduce_sum3A_218 = arith.constant dense<0.000000e+00> : vector<256xf32>
    %reduce_sum3A_219 = vector.multi_reduction <add>, %add3A_217, %reduce_sum3A_218 [1] : vector<256x512xf32> to vector<256xf32>
    %broadcast_in_dim3A_220 = vector.shape_cast %reduce_sum3A_219 : vector<256xf32> to vector<256x1xf32>
    %div3A_221 = arith.constant 5.120000e+02 : f32
    %div3A_222 = vector.broadcast %div3A_221 : f32 to vector<256x1xf32>
    %div3A_223 = arith.divf %broadcast_in_dim3A_220, %div3A_222 : vector<256x1xf32>
    %sub3A_224 = vector.broadcast %div3A_223 : vector<256x1xf32> to vector<256x512xf32>
    %sub3A_225 = arith.subf %add3A_217, %sub3A_224 : vector<256x512xf32>
    %sub3A_226 = vector.broadcast %div3A_223 : vector<256x1xf32> to vector<256x512xf32>
    %sub3A_227 = arith.subf %add3A_217, %sub3A_226 : vector<256x512xf32>
    %mul3A_228 = arith.mulf %sub3A_225, %sub3A_227 : vector<256x512xf32>
    %reduce_sum3A_229 = arith.constant dense<0.000000e+00> : vector<256xf32>
    %reduce_sum3A_230 = vector.multi_reduction <add>, %mul3A_228, %reduce_sum3A_229 [1] : vector<256x512xf32> to vector<256xf32>
    %broadcast_in_dim3A_231 = vector.shape_cast %reduce_sum3A_230 : vector<256xf32> to vector<256x1xf32>
    %div3A_232 = arith.constant 5.120000e+02 : f32
    %div3A_233 = vector.broadcast %div3A_232 : f32 to vector<256x1xf32>
    %div3A_234 = arith.divf %broadcast_in_dim3A_231, %div3A_233 : vector<256x1xf32>
    %sub3A_235 = vector.broadcast %div3A_223 : vector<256x1xf32> to vector<256x512xf32>
    %sub3A_236 = arith.subf %add3A_217, %sub3A_235 : vector<256x512xf32>
    %add3A_237 = arith.constant 9.99999974E-6 : f32
    %add3A_238 = vector.broadcast %add3A_237 : f32 to vector<256x1xf32>
    %add3A_239 = arith.addf %div3A_234, %add3A_238 : vector<256x1xf32>
    %sqrt3A_240 = math.sqrt %add3A_239 : vector<256x1xf32>
    %div3A_241 = vector.broadcast %sqrt3A_240 : vector<256x1xf32> to vector<256x512xf32>
    %div3A_242 = arith.divf %sub3A_236, %div3A_241 : vector<256x512xf32>
    %max3A_243 = arith.constant 0.000000e+00 : f32
    %max3A_244 = vector.broadcast %max3A_243 : f32 to vector<256x512xf32>
    %max3A_245 = arith.maximumf %div3A_242, %max3A_244 : vector<256x512xf32>
    %swap3A = arith.constant 0 : index
    %swap3A_246 = arith.constant 0 : index
    %swap3A_247 = arith.constant 0 : index
    %swap3A_248 = vector.load %arg17[%swap3A, %swap3A_246, %swap3A_247] : memref<1x256x512xf32, #tpu.memory_space<vmem>>, vector<1x256x512xf32>
    %swap3A_249 = vector.shape_cast %swap3A_248 : vector<1x256x512xf32> to vector<256x512xf32>
    %swap3A_250 = vector.shape_cast %max3A_245 : vector<256x512xf32> to vector<1x256x512xf32>
    tpu.vector_store %arg17[%swap3A, %swap3A_246, %swap3A_247], %swap3A_250 {strides = array<i32>} : memref<1x256x512xf32, #tpu.memory_space<vmem>>, vector<1x256x512xf32>,
    %get3A_251 = arith.constant 0 : index
    %get3A_252 = arith.constant 0 : index
    %get3A_253 = vector.load %arg19[%get3A_251, %get3A_252] : memref<1x512xf32, #tpu.memory_space<vmem>>, vector<1x512xf32>
    %reduce_max3A_254 = arith.constant dense<0xFF800000> : vector<512xf32>
    %reduce_max3A_255 = vector.multi_reduction <maximumf>, %concatenate3A, %reduce_max3A_254 [0] : vector<256x512xf32> to vector<512xf32>
    %broadcast_in_dim3A_256 = vector.shape_cast %reduce_max3A_255 : vector<512xf32> to vector<1x512xf32>
    %max3A_257 = arith.maximumf %get3A_253, %broadcast_in_dim3A_256 : vector<1x512xf32>
    %swap3A_258 = arith.constant 0 : index
    %swap3A_259 = arith.constant 0 : index
    %swap3A_260 = vector.load %arg19[%swap3A_258, %swap3A_259] : memref<1x512xf32, #tpu.memory_space<vmem>>, vector<1x512xf32>
    tpu.vector_store %arg19[%swap3A_258, %swap3A_259], %max3A_257 {strides = array<i32>} : memref<1x512xf32, #tpu.memory_space<vmem>>, vector<1x512xf32>,
    %get3A_261 = arith.constant 0 : index
    %get3A_262 = arith.constant 0 : index
    %get3A_263 = vector.load %arg20[%get3A_261, %get3A_262] : memref<1x512xf32, #tpu.memory_space<vmem>>, vector<1x512xf32>
    %reduce_sum3A_264 = arith.constant dense<0.000000e+00> : vector<512xf32>
    %reduce_sum3A_265 = vector.multi_reduction <add>, %concatenate3A, %reduce_sum3A_264 [0] : vector<256x512xf32> to vector<512xf32>
    %broadcast_in_dim3A_266 = vector.shape_cast %reduce_sum3A_265 : vector<512xf32> to vector<1x512xf32>
    %add3A_267 = arith.addf %get3A_263, %broadcast_in_dim3A_266 : vector<1x512xf32>
    %swap3A_268 = arith.constant 0 : index
    %swap3A_269 = arith.constant 0 : index
    %swap3A_270 = vector.load %arg20[%swap3A_268, %swap3A_269] : memref<1x512xf32, #tpu.memory_space<vmem>>, vector<1x512xf32>
    tpu.vector_store %arg20[%swap3A_268, %swap3A_269], %add3A_267 {strides = array<i32>} : memref<1x512xf32, #tpu.memory_space<vmem>>, vector<1x512xf32>,
    %eq3A_271 = arith.constant 1 : i32
    %eq3A_272 = arith.cmpi eq, %arg1, %eq3A_271 : i32
    %convert_element_type3A_273 = arith.extui %eq3A_272 : i1 to i32
    %cond3A_274 = arith.constant 0 : i32
    %cond3A_275 = arith.cmpi ne, %convert_element_type3A_273, %cond3A_274 : i32
    scf.if %cond3A_275 {
      %get3A_276 = arith.constant 0 : index
      %get3A_277 = arith.constant 0 : index
      %get3A_278 = vector.load %arg19[%get3A_276, %get3A_277] : memref<1x512xf32, #tpu.memory_space<vmem>>, vector<1x512xf32>
      %get3A_279 = arith.constant 0 : index
      %get3A_280 = arith.constant 0 : index
      %get3A_281 = vector.load %arg20[%get3A_279, %get3A_280] : memref<1x512xf32, #tpu.memory_space<vmem>>, vector<1x512xf32>
      %mul3A_282 = arith.constant 0.001953125 : f32
      %mul3A_283 = vector.broadcast %mul3A_282 : f32 to vector<1x512xf32>
      %mul3A_284 = arith.mulf %get3A_281, %mul3A_283 : vector<1x512xf32>
      %concatenate3A_285 = tpu.concatenate %get3A_278, %mul3A_284 in 1 : vector<1x512xf32>, vector<1x512xf32> -> vector<1x1024xf32>
      %get3A_286 = arith.constant 0 : index
      %get3A_287 = arith.constant 0 : index
      %get3A_288 = vector.load %arg13[%get3A_286, %get3A_287] : memref<1024x512xf32, #tpu.memory_space<vmem>>, vector<1024x512xf32>
      %dot_general3A_289 = arith.constant dense<0.000000e+00> : vector<1x512xf32>
      %dot_general3A_290 = tpu.matmul %concatenate3A_285, %get3A_288, %dot_general3A_289 {dimension_numbers = #tpu.dot_dimension_numbers<[1], [0], [0], [1], [0, 0, 1, 1], [], []>, transpose_lhs_hint = false} : vector<1x1024xf32>, vector<1024x512xf32>, vector<1x512xf32> -> vector<1x512xf32>
      %get3A_291 = arith.constant 0 : index
      %get3A_292 = vector.load %arg14[%get3A_291] : memref<512xf32, #tpu.memory_space<vmem>>, vector<512xf32>
      %broadcast_in_dim3A_293 = vector.shape_cast %get3A_292 : vector<512xf32> to vector<1x512xf32>
      %add3A_294 = arith.addf %dot_general3A_290, %broadcast_in_dim3A_293 : vector<1x512xf32>
      %reduce_sum3A_295 = arith.constant dense<0.000000e+00> : vector<1xf32>
      %reduce_sum3A_296 = vector.multi_reduction <add>, %add3A_294, %reduce_sum3A_295 [1] : vector<1x512xf32> to vector<1xf32>
      %broadcast_in_dim3A_297 = vector.shape_cast %reduce_sum3A_296 : vector<1xf32> to vector<1x1xf32>
      %div3A_298 = arith.constant 5.120000e+02 : f32
      %div3A_299 = vector.broadcast %div3A_298 : f32 to vector<1x1xf32>
      %div3A_300 = arith.divf %broadcast_in_dim3A_297, %div3A_299 : vector<1x1xf32>
      %sub3A_301 = vector.broadcast %div3A_300 : vector<1x1xf32> to vector<1x512xf32>
      %sub3A_302 = arith.subf %add3A_294, %sub3A_301 : vector<1x512xf32>
      %sub3A_303 = vector.broadcast %div3A_300 : vector<1x1xf32> to vector<1x512xf32>
      %sub3A_304 = arith.subf %add3A_294, %sub3A_303 : vector<1x512xf32>
      %mul3A_305 = arith.mulf %sub3A_302, %sub3A_304 : vector<1x512xf32>
      %reduce_sum3A_306 = arith.constant dense<0.000000e+00> : vector<1xf32>
      %reduce_sum3A_307 = vector.multi_reduction <add>, %mul3A_305, %reduce_sum3A_306 [1] : vector<1x512xf32> to vector<1xf32>
      %broadcast_in_dim3A_308 = vector.shape_cast %reduce_sum3A_307 : vector<1xf32> to vector<1x1xf32>
      %div3A_309 = arith.constant 5.120000e+02 : f32
      %div3A_310 = vector.broadcast %div3A_309 : f32 to vector<1x1xf32>
      %div3A_311 = arith.divf %broadcast_in_dim3A_308, %div3A_310 : vector<1x1xf32>
      %sub3A_312 = vector.broadcast %div3A_300 : vector<1x1xf32> to vector<1x512xf32>
      %sub3A_313 = arith.subf %add3A_294, %sub3A_312 : vector<1x512xf32>
      %add3A_314 = arith.constant 9.99999974E-6 : f32
      %add3A_315 = vector.broadcast %add3A_314 : f32 to vector<1x1xf32>
      %add3A_316 = arith.addf %div3A_311, %add3A_315 : vector<1x1xf32>
      %sqrt3A_317 = math.sqrt %add3A_316 : vector<1x1xf32>
      %div3A_318 = vector.broadcast %sqrt3A_317 : vector<1x1xf32> to vector<1x512xf32>
      %div3A_319 = arith.divf %sub3A_313, %div3A_318 : vector<1x512xf32>
      %max3A_320 = arith.constant 0.000000e+00 : f32
      %max3A_321 = vector.broadcast %max3A_320 : f32 to vector<1x512xf32>
      %max3A_322 = arith.maximumf %div3A_319, %max3A_321 : vector<1x512xf32>
      %get3A_323 = arith.constant 0 : index
      %get3A_324 = arith.constant 0 : index
      %get3A_325 = vector.load %arg15[%get3A_323, %get3A_324] : memref<512x512xf32, #tpu.memory_space<vmem>>, vector<512x512xf32>
      %dot_general3A_326 = arith.constant dense<0.000000e+00> : vector<1x512xf32>
      %dot_general3A_327 = tpu.matmul %max3A_322, %get3A_325, %dot_general3A_326 {dimension_numbers = #tpu.dot_dimension_numbers<[1], [0], [0], [1], [0, 0, 1, 1], [], []>, transpose_lhs_hint = false} : vector<1x512xf32>, vector<512x512xf32>, vector<1x512xf32> -> vector<1x512xf32>
      %get3A_328 = arith.constant 0 : index
      %get3A_329 = vector.load %arg16[%get3A_328] : memref<512xf32, #tpu.memory_space<vmem>>, vector<512xf32>
      %broadcast_in_dim3A_330 = vector.shape_cast %get3A_329 : vector<512xf32> to vector<1x512xf32>
      %add3A_331 = arith.addf %dot_general3A_327, %broadcast_in_dim3A_330 : vector<1x512xf32>
      %reduce_sum3A_332 = arith.constant dense<0.000000e+00> : vector<1xf32>
      %reduce_sum3A_333 = vector.multi_reduction <add>, %add3A_331, %reduce_sum3A_332 [1] : vector<1x512xf32> to vector<1xf32>
      %broadcast_in_dim3A_334 = vector.shape_cast %reduce_sum3A_333 : vector<1xf32> to vector<1x1xf32>
      %div3A_335 = arith.constant 5.120000e+02 : f32
      %div3A_336 = vector.broadcast %div3A_335 : f32 to vector<1x1xf32>
      %div3A_337 = arith.divf %broadcast_in_dim3A_334, %div3A_336 : vector<1x1xf32>
      %sub3A_338 = vector.broadcast %div3A_337 : vector<1x1xf32> to vector<1x512xf32>
      %sub3A_339 = arith.subf %add3A_331, %sub3A_338 : vector<1x512xf32>
      %sub3A_340 = vector.broadcast %div3A_337 : vector<1x1xf32> to vector<1x512xf32>
      %sub3A_341 = arith.subf %add3A_331, %sub3A_340 : vector<1x512xf32>
      %mul3A_342 = arith.mulf %sub3A_339, %sub3A_341 : vector<1x512xf32>
      %reduce_sum3A_343 = arith.constant dense<0.000000e+00> : vector<1xf32>
      %reduce_sum3A_344 = vector.multi_reduction <add>, %mul3A_342, %reduce_sum3A_343 [1] : vector<1x512xf32> to vector<1xf32>
      %broadcast_in_dim3A_345 = vector.shape_cast %reduce_sum3A_344 : vector<1xf32> to vector<1x1xf32>
      %div3A_346 = arith.constant 5.120000e+02 : f32
      %div3A_347 = vector.broadcast %div3A_346 : f32 to vector<1x1xf32>
      %div3A_348 = arith.divf %broadcast_in_dim3A_345, %div3A_347 : vector<1x1xf32>
      %sub3A_349 = vector.broadcast %div3A_337 : vector<1x1xf32> to vector<1x512xf32>
      %sub3A_350 = arith.subf %add3A_331, %sub3A_349 : vector<1x512xf32>
      %add3A_351 = arith.constant 9.99999974E-6 : f32
      %add3A_352 = vector.broadcast %add3A_351 : f32 to vector<1x1xf32>
      %add3A_353 = arith.addf %div3A_348, %add3A_352 : vector<1x1xf32>
      %sqrt3A_354 = math.sqrt %add3A_353 : vector<1x1xf32>
      %div3A_355 = vector.broadcast %sqrt3A_354 : vector<1x1xf32> to vector<1x512xf32>
      %div3A_356 = arith.divf %sub3A_350, %div3A_355 : vector<1x512xf32>
      %max3A_357 = arith.constant 0.000000e+00 : f32
      %max3A_358 = vector.broadcast %max3A_357 : f32 to vector<1x512xf32>
      %max3A_359 = arith.maximumf %div3A_356, %max3A_358 : vector<1x512xf32>
      %swap3A_360 = arith.constant 0 : index
      %swap3A_361 = arith.constant 0 : index
      %swap3A_362 = arith.constant 0 : index
      %swap3A_363 = vector.load %arg18[%swap3A_360, %swap3A_361, %swap3A_362] : memref<1x1x512xf32, #tpu.memory_space<vmem>>, vector<1x1x512xf32>
      %swap3A_364 = vector.shape_cast %swap3A_363 : vector<1x1x512xf32> to vector<1x512xf32>
      %swap3A_365 = vector.shape_cast %max3A_359 : vector<1x512xf32> to vector<1x1x512xf32>
      tpu.vector_store %arg18[%swap3A_360, %swap3A_361, %swap3A_362], %swap3A_365 {strides = array<i32>} : memref<1x1x512xf32, #tpu.memory_space<vmem>>, vector<1x1x512xf32>,
    } else {
    }
    return
  }
  func.func @transform_0(%arg0: i32, %arg1: i32) -> (i32, i32, i32) {
    %c0_i32 = arith.constant 0 : i32
    %c0_i32_0 = arith.constant 0 : i32
    return %arg0, %arg1, %c0_i32 : i32, i32, i32
  }
  func.func @transform_1(%arg0: i32, %arg1: i32) -> (i32, i32, i32) {
    %c0_i32 = arith.constant 0 : i32
    %c0_i32_0 = arith.constant 0 : i32
    return %arg0, %arg1, %c0_i32 : i32, i32, i32
  }
  func.func @transform_2(%arg0: i32, %arg1: i32) -> (i32, i32, i32) {
    %c0_i32 = arith.constant 0 : i32
    %c0_i32_0 = arith.constant 0 : i32
    return %arg0, %arg1, %c0_i32 : i32, i32, i32
  }
  func.func @transform_3(%arg0: i32, %arg1: i32) -> (i32, i32) {
    %c0_i32 = arith.constant 0 : i32
    %c0_i32_0 = arith.constant 0 : i32
    %c0_i32_1 = arith.constant 0 : i32
    return %c0_i32, %c0_i32_0 : i32, i32
  }
  func.func @transform_4(%arg0: i32, %arg1: i32) -> i32 {
    %c0_i32 = arith.constant 0 : i32
    %c0_i32_0 = arith.constant 0 : i32
    return %c0_i32 : i32
  }
  func.func @transform_5(%arg0: i32, %arg1: i32) -> (i32, i32) {
    %c0_i32 = arith.constant 0 : i32
    %c0_i32_0 = arith.constant 0 : i32
    %c0_i32_1 = arith.constant 0 : i32
    return %c0_i32, %c0_i32_0 : i32, i32
  }
  func.func @transform_6(%arg0: i32, %arg1: i32) -> i32 {
    %c0_i32 = arith.constant 0 : i32
    %c0_i32_0 = arith.constant 0 : i32
    return %c0_i32 : i32
  }
  func.func @transform_7(%arg0: i32, %arg1: i32) -> (i32, i32) {
    %c0_i32 = arith.constant 0 : i32
    %c0_i32_0 = arith.constant 0 : i32
    %c0_i32_1 = arith.constant 0 : i32
    return %c0_i32, %c0_i32_0 : i32, i32
  }
  func.func @transform_8(%arg0: i32, %arg1: i32) -> i32 {
    %c0_i32 = arith.constant 0 : i32
    %c0_i32_0 = arith.constant 0 : i32
    return %c0_i32 : i32
  }
  func.func @transform_9(%arg0: i32, %arg1: i32) -> (i32, i32) {
    %c0_i32 = arith.constant 0 : i32
    %c0_i32_0 = arith.constant 0 : i32
    %c0_i32_1 = arith.constant 0 : i32
    return %c0_i32, %c0_i32_0 : i32, i32
  }
  func.func @transform_10(%arg0: i32, %arg1: i32) -> i32 {
    %c0_i32 = arith.constant 0 : i32
    %c0_i32_0 = arith.constant 0 : i32
    return %c0_i32 : i32
  }
  func.func @transform_11(%arg0: i32, %arg1: i32) -> (i32, i32) {
    %c0_i32 = arith.constant 0 : i32
    %c0_i32_0 = arith.constant 0 : i32
    %c0_i32_1 = arith.constant 0 : i32
    return %c0_i32, %c0_i32_0 : i32, i32
  }
  func.func @transform_12(%arg0: i32, %arg1: i32) -> i32 {
    %c0_i32 = arith.constant 0 : i32
    %c0_i32_0 = arith.constant 0 : i32
    return %c0_i32 : i32
  }
  func.func @transform_13(%arg0: i32, %arg1: i32) -> (i32, i32) {
    %c0_i32 = arith.constant 0 : i32
    %c0_i32_0 = arith.constant 0 : i32
    %c0_i32_1 = arith.constant 0 : i32
    return %c0_i32, %c0_i32_0 : i32, i32
  }
  func.func @transform_14(%arg0: i32, %arg1: i32) -> i32 {
    %c0_i32 = arith.constant 0 : i32
    %c0_i32_0 = arith.constant 0 : i32
    return %c0_i32 : i32
  }
  func.func @transform_15(%arg0: i32, %arg1: i32) -> (i32, i32, i32) {
    %c0_i32 = arith.constant 0 : i32
    %c0_i32_0 = arith.constant 0 : i32
    return %arg0, %arg1, %c0_i32 : i32, i32, i32
  }
  func.func @transform_16(%arg0: i32, %arg1: i32) -> (i32, i32, i32) {
    %c0_i32 = arith.constant 0 : i32
    %c0_i32_0 = arith.constant 0 : i32
    %c0_i32_1 = arith.constant 0 : i32
    return %arg0, %c0_i32, %c0_i32_0 : i32, i32, i32
  }
}

</mosaic_0001>

<sc_bundles>
// kernel: kernel.6.cloned.1.call-start
scs
__scs_entry_jumppad:
0x0: {  	(pc) =	sbr.rel $0x88, $3  }
0x1: {  	(tag) =	ssettag $0x0;
	lr =	simm.s32 $0x1  }
0x2: {  	[smem:$0x3F85] =	sst lr;
	_ =	strace $0xD0000000  }
0x3: {  	_ = 	snop  }
0x4: {  	_ = 	snop  }
0x5: {  	_ = 	snop  }
0x6: {  	_ = 	snop  }
0x7: {  	_ = 	snop  }
__scs_overlays_trampoline_lowered:
0x8: {  	[smem:$0x3F94] =	sst s0  }
0x9: {  	[smem:$0x3F95] =	sst s1  }
0xa: {  	[smem:$0x3F96] =	sst s2  }
0xb: {  	[smem:$0x3F97] =	sst s3  }
0xc: {  	[smem:$0x3F98] =	sst s4  }
0xd: {  	[smem:$0x3F99] =	sst s5  }
0xe: {  	[smem:$0x3F9A] =	sst s6  }
0xf: {  	[smem:$0x3F9B] =	sst s7  }
0x10: {  	[smem:$0x3F9C] =	sst s8  }
0x11: {  	[smem:$0x3F9D] =	sst s9;
	s0 =	simm.s32 @!p0 $0x0  }
0x12: {  	s1 =	sld [smem:$0x3F83];
	s0 =	simm.s32 @p0 $0x1  }
0x13: {  	[smem:$0x3F9E] =	sst s0;
	s0 =	simm.s32 @!p1 $0x0  }
0x14: {  	s2 =	sld [smem:$0x3F82];
	s0 =	simm.s32 @p1 $0x1  }
0x15: {  	[smem:$0x3F9F] =	sst s0;
	s0 =	simm.s32 @!p2 $0x0  }
0x16: {  	s3 =	sld [smem:$0x3FDB];
	s0 =	simm.s32 @p2 $0x1  }
0x17: {  	s4 =	simm.s32 $0x1BF5;
	[smem:$0x3FA1] =	sst s0  }
0x18: {  	s0 =	sld [smem:$0x3F84];
	_ =	swait.ge [sflag:s4], $0x0  }
0x19: {  	s7 =	sld [smem:$0x3F85]  }
0x1a: {  	s8 =	sadd.s32 $0xFFFFE003, lr  }
0x1b: {  	s9 =	sadd.s32 $0xFFFFFEF7, lr;
	s5 =	simm.s32 $0xFFFFFFFF;
	p2 =	slt.u32 s8, $0xFFFFF086  }
0x1c: {  	p1 =	slt.u32 s9, $0xF7A;
	s5 =	simm.s32 @!p2 $0x0  }
0x1d: {  	s5 =	simm.s32 @p1 $0x1;
	p0 =	seq.s32 s7, s2  }
0x1e: {  	s7 =	smul.u32 @!p0 $0xF7A, s2;
	p2 =	seq.s32 @!p0 s5, $0x0  }
0x1f: {  	s9 =	smul.u32 $0xF7A, s1;
	s8 =	simm.s32 @!p0 $0x1BF5;
	p2 =	por !p2, p0  }
0x20: {  	[sflag:s8] =	ssyncset.s32 @!p0 $0xFFFFF086;
	s6 =	sadd.s32 @!p0 s3, s7;
	s7 =	simm.s32 @!p0 $0x108  }
0x21: {  	s3 =	sadd.s32 s3, s9;
	s6 =	sadd.s32 @!p0 $0x88, s6;
	s7 =	simm.s32 @p2 $0x1082  }
0x22: {  	[simem:s7], [sflag:s8] =	dma.local @!p0 [hbm:s6], $0xF7A  }
0x23: {  	s9 =	sor.u32 $0xD0000000, s2;
	s6 =	simm.s32 $0x108;
	_ =	swait.ge @!p0 [sflag:s8], $0x0  }
0x24: {  	s3 =	sadd.s32 $0x88, s3;
	s6 =	simm.s32 @!p1 $0x1082;
	[sflag:s4] =	ssyncset.s32 $0xFFFFF086  }
0x25: {  	[simem:s6], [sflag:s4] =	dma.local [hbm:s3], $0xF7A  }
0x26: {  	[smem:$0x3F85] =	sst s1;
	(tag) =	ssettag s2;
	_ =	strace s9  }
0x27: {  	s1 =	sld [smem:$0x3F95]  }
0x28: {  	s2 =	sld [smem:$0x3F96]  }
0x29: {  	s4 =	sld [smem:$0x3F98]  }
0x2a: {  	p0 =	seq.s32 s5, $0x0;
	s5 =	sld [smem:$0x3F99]  }
0x2b: {  	s6 =	sld [smem:$0x3F9A]  }
0x2c: {  	s7 =	sld [smem:$0x3F9B]  }
0x2d: {  	s3 =	simm.s32 $0x108;
	s8 =	sld [smem:$0x3F9C]  }
0x2e: {  	s3 =	simm.s32 @!p0 $0x1082;
	s9 =	sld [smem:$0x3F9D]  }
0x2f: {  	lr =	sadd.s32 s0, s3;
	s0 =	sld [smem:$0x3F94]  }
0x30: {  	s3 =	sld [smem:$0x3F97]  }
0x31: {  	[smem:$0x3FA0] =	sst s10  }
0x32: {  	s10 =	sld [smem:$0x3F9E];
	_ =	sdelay $0x3  }
0x33: {  	p0 =	seq.s32 s10, $0x1;
	s10 =	sld [smem:$0x3FA0];
	_ =	sdelay $0x3  }
0x34: {  	[smem:$0x3FA0] =	sst s10  }
0x35: {  	s10 =	sld [smem:$0x3F9F];
	_ =	sdelay $0x3  }
0x36: {  	p1 =	seq.s32 s10, $0x1;
	s10 =	sld [smem:$0x3FA0];
	_ =	sdelay $0x3  }
0x37: {  	[smem:$0x3FA0] =	sst s10  }
0x38: {  	s10 =	sld [smem:$0x3FA1]  }
0x39: {  	_ = 	snop;
	(pc) =	sbr.ind lr, $3  }
0x3a: {  	_ = 	snop  }
0x3b: {  	_ = 	snop  }
0x3c: {  	p2 =	seq.s32 s10, $0x1;
	s10 =	sld [smem:$0x3FA0]  }
0x3d: {  	_ =	shalt  }
0x3e: {  	_ =	shalt  }
0x3f: {  	_ =	shalt  }
0x40: {  	_ =	shalt  }
0x41: {  	_ =	shalt  }
0x42: {  	_ =	shalt  }
0x43: {  	_ =	shalt  }
0x44: {  	_ =	shalt  }
0x45: {  	_ =	shalt  }
0x46: {  	_ =	shalt  }
0x47: {  	_ =	shalt  }
0x48: {  	_ =	shalt  }
0x49: {  	_ =	shalt  }
0x4a: {  	_ =	shalt  }
0x4b: {  	_ =	shalt  }
0x4c: {  	_ =	shalt  }
0x4d: {  	_ =	shalt  }
0x4e: {  	_ =	shalt  }
0x4f: {  	_ =	shalt  }
0x50: {  	_ =	shalt  }
0x51: {  	_ =	shalt  }
0x52: {  	_ =	shalt  }
0x53: {  	_ =	shalt  }
0x54: {  	_ =	shalt  }
0x55: {  	_ =	shalt  }
0x56: {  	_ =	shalt  }
0x57: {  	_ =	shalt  }
0x58: {  	_ =	shalt  }
0x59: {  	_ =	shalt  }
0x5a: {  	_ =	shalt  }
0x5b: {  	_ =	shalt  }
0x5c: {  	_ =	shalt  }
0x5d: {  	_ =	shalt  }
0x5e: {  	_ =	shalt  }
0x5f: {  	_ =	shalt  }
0x60: {  	_ =	shalt  }
0x61: {  	_ =	shalt  }
0x62: {  	_ =	shalt  }
0x63: {  	_ =	shalt  }
0x64: {  	_ =	shalt  }
0x65: {  	_ =	shalt  }
0x66: {  	_ =	shalt  }
0x67: {  	_ =	shalt  }
0x68: {  	_ =	shalt  }
0x69: {  	_ =	shalt  }
0x6a: {  	_ =	shalt  }
0x6b: {  	_ =	shalt  }
0x6c: {  	_ =	shalt  }
0x6d: {  	_ =	shalt  }
0x6e: {  	_ =	shalt  }
0x6f: {  	_ =	shalt  }
0x70: {  	_ =	shalt  }
0x71: {  	_ =	shalt  }
0x72: {  	_ =	shalt  }
0x73: {  	_ =	shalt  }
0x74: {  	_ =	shalt  }
0x75: {  	_ =	shalt  }
0x76: {  	_ =	shalt  }
0x77: {  	_ =	shalt  }
0x78: {  	_ =	shalt  }
0x79: {  	_ =	shalt  }
0x7a: {  	_ =	shalt  }
0x7b: {  	_ =	shalt  }
0x7c: {  	_ =	shalt  }
0x7d: {  	_ =	shalt  }
0x7e: {  	_ =	shalt  }
0x7f: {  	_ =	shalt  }
0x80: {  	_ =	shalt  }
0x81: {  	_ =	shalt  }
0x82: {  	_ =	shalt  }
0x83: {  	_ =	shalt  }
0x84: {  	_ =	shalt  }
0x85: {  	_ =	shalt  }
0x86: {  	_ =	shalt  }
0x87: {  	_ =	shalt  }
.Lfunc_end0:
.L_simem_size_0:
called_computation_lowered:
.L_overlay_start_0:
0x88: {  	s2 =	sld [smem:$0x3FD9]  }
0x89: {  	s3 =	sld [smem:$0x3FFE];
	_ =	sdelay $0x1  }
0x8a: {  	s1 =	srdreg.scid  }
0x8b: {  	s0 =	sand.u32 $0x1, s1  }
0x8c: {  	s14 =	sshll.u32 s0, $0xA;
	s2 =	sadd.s32 s3, s2  }
0x8d: {  	s2 =	sadd.s32 s2, s14  }
0x8e: {  	[smem:$0x3FAC] =	sst s2  }
0x8f: {  	_ = 	snop  }
0x90: {  	s2 =	sld [smem:$0x3FD0];
	_ =	sdelay $0x2  }
0x91: {  	s15 =	simm.s32 $0xA;
	s4 =	simm.s32 $0x10  }
0x92: {  	[smem:s4], [sflag:s15] =	dma.local [hbm:s2], $0x1  }
0x93: {  	_ =	swait.eq [sflag:s15], $0x1  }
0x94: {  	[sflag:s15] =	ssyncset.done $0x0  }
0x95: {  	[sflag:s15] =	ssyncadd.s32 $0xFFFFFFFF  }
0x96: {  	s16 =	sld [smem:$0x10];
	(tm) =	ssettm $0x1  }
0x97: {  	s17 =	sld [smem:$0x3FFB];
	_ =	sdelay $0x3  }
0x98: {  	_ =	strace s17  }
0x99: {  	s3 =	sld [smem:$0x3FFC];
	_ =	sdelay $0x3  }
0x9a: {  	_ =	strace s3  }
0x9b: {  	s3 =	sld [smem:$0x3FFD];
	_ =	sdelay $0x3  }
0x9c: {  	_ =	strace s3  }
0x9d: {  	_ =	strace $0x8FFFFFFF  }
0x9e: {  	s18 =	sld [smem:$0x3FDB];
	_ =	sdelay $0x1  }
0x9f: {  	s19 =	simm.s32 $_scs_section_size  }
0xa0: {  	s5 =	simm.s32 $_size__tile_overlayer_lowered;
	s6 =	simm.s32 $_tile_overlayer_lowered  }
0xa1: {  	s22 =	simm.s32 $0x1BFF;
	s21 =	sshll.u32 s6, $0x1;
	s3 =	sadd.s32 s19, s18  }
0xa2: {  	s7 =	simm.s32 $0x0;
	s20 =	sshll.u32 s5, $0x1;
	s5 =	sadd.s32 s21, s3  }
0xa3: {  	[timem:s7], [sflag:s22] =	dma.local [hbm:s5], s20  }
0xa4: {  	_ =	swait.ge [sflag:s22], s20  }
0xa5: {  	s4 =	ssub.s32 $0x0, s20;
	[sflag:s22] =	ssyncset.done $0x0  }
0xa6: {  	[sflag:s22] =	ssyncadd.s32 s4;
	_ =	sdelay $0x1  }
0xa7: {  	s23 =	simm.s32 $0x1B8B  }
0xa8: {  	_ =	swait.ge [sflag:s23], $0x1  }
0xa9: {  	[sflag:s23] =	ssyncset.done $0x0  }
0xaa: {  	s25 =	simm.s32 $0x1B8E;
	s24 =	sld [smem:$0x3FFE];
	[sflag:s23] =	ssyncadd.s32 $0xFFFFFFFF  }
0xab: {  	s26 =	simm.s32 $execute0_lowered;
	[smem:$0x3FD2] =	sst s25  }
0xac: {  	s5 =	sshll.u32 s26, $0x1;
	_ =	strace $0x80000046;
	[dreg:$0x1] =	wrdreg $0xFFFFFFFF  }
0xad: {  	s28 =	simm.s32 $_size_execute0_lowered;
	s3 =	sadd.s32 s3, s5;
	[dreg:$0x0] =	wrdreg $0x0  }
0xae: {  	s5 =	sshll.u32 s28, $0x1;
	[dreg:$0x2] =	wrdreg s3  }
0xaf: {  	[dreg:$0x3] =	wrdreg s5  }
0xb0: {  	[dreg:$0x4] =	wrdreg $0xC0  }
0xb1: {  	_ =	task [dreg:s7], $0x5FFFF  }
0xb2: {  	[dreg:$0x1] =	wrdreg $0xFFFFFFFF  }
0xb3: {  	[dreg:$0x0] =	wrdreg $0x60  }
0xb4: {  	[dreg:$0x2] =	wrdreg s16  }
0xb5: {  	[dreg:$0x3] =	wrdreg s24  }
0xb6: {  	[dreg:$0x4] =	wrdreg $0x9  }
0xb7: {  	_ =	task.clear_ibuf [dreg:s7], $0x5FFFF;
	_ =	strace $0x90000046  }
0xb8: {  	s29 =	simm.s32 $0x9;
	_ =	strace $0x80000048  }
0xb9: {  	_ =	swait.ge [sflag:s29], $0x1  }
0xba: {  	[sflag:s29] =	ssyncadd.s32 $0xFFFFFFFF  }
0xbb: {  	_ =	strace $0x90000048  }
0xbc: {  	_ =	sfence  }
0xbd: {  	s30 =	sld [smem:$0x0];
	_ =	sdelay $0x2  }
0xbe: {  	s31 =	sshll.u32 s1, $0xD;
	s1 =	sshrl.u32 s1, $0x2  }
0xbf: {  	s3 =	sand.u32 $0x4000, s31;
	s1 =	sadd.s32 s1, s30  }
0xc0: {  	s0 =	sor.u32 s3, s0;
	s1 =	sshll.u32 s1, $0x11  }
0xc1: {  	s0 =	sor.u32 s1, s0  }
0xc2: {  	s0 =	sadd.s32 $0x8F2B, s0  }
0xc3: {  	[sflag:s0] =	ssyncadd.remote.s32 $0x1  }
0xc4: {  	_ =	sfence.sel $0xFFFF  }
0xc5: {  	[dreg:$0x0] =	wrdreg $0xFFFFFFFF;
	(pc) =	sbr.abs _section_cstart, $3  }
0xc6: {  	[dreg:$0x1] =	wrdreg $0xFFFFFFFF  }
0xc7: {  	_ =	task.clear_ibuf [dreg:s7], $0x2FFFF;
	_ =	strace $0x9FFFFFFF  }
0xc8: {  	(tm) =	ssettm $0x7FFFFFFF  }
0xc9: {  	_ =	shalt  }
tec
execute0_lowered:
.L_overlay_start_1:
0x0: {  	(tag) =	ssettag $0x1  }
0x1: {  	s0 =	rddreg [dreg:$0x0]  }
0x2: {  	s1 =	rddreg [dreg:$0x1];
	s2 =	srdreg.scid  }
0x3: {  	s10 =	stileid.u32;
	s28 =	simm.s32 $0xE00;
	s29 =	simm.s32 $0x1600  }
0x4: {  	s30 =	simm.s32 $0x1A00;
	s31 =	simm.s32 $0x2200;
	s11 =	simm.s32 $0x3E00  }
0x5: {  	s12 =	simm.s32 $0x4600;
	s13 =	simm.s32 $0x4A00;
	s14 =	simm.s32 $0x5200  }
0x6: {  	s15 =	simm.s32 $0x5600;
	s17 =	simm.s32 $0x5E00;
	s18 =	simm.s32 $0x6200  }
0x7: {  	s16 =	simm.s32 $0x9A00;
	s3 =	sand.u32 $0x1, s2;
	s2 =	simm.s32 $0x0  }
0x8: {  	s4 =	sshll.u32 s10, $0x7;
	s9 =	sadd.s32 $0xEE200, s1;
	s20 =	sshrl.u32 s10, $0x3  }
0x9: {  	s10 =	simm.s32 $0x3A00;
	s5 =	sshll.u32 s3, $0x6;
	[smem:$0x7FF] =	sst s2  }
0xa: {  	s19 =	ssub.s32 $0x2, s3;
	s3 =	sadd.s32 $0x3C00, s1;
	s24 =	smul.u32 $0x2710, s20  }
0xb: {  	s20 =	simm.s32 $0x6E00;
	s4 =	sor.u32 s5, s4;
	_ =	strace $0x80000047  }
0xc: {  	s7 =	sshrl.u32 s19, $0x1;
	s5 =	sadd.s32 $0x3D00, s1;
	s6 =	smul.u32 $0x180, s4  }
0xd: {  	s1 =	simm.s32 $0xC200;
	s8 =	smul.u32 $0xC00, s4;
	s7 =	ssub.s32 s19, s7  }
0xe: {  	s0 =	sadd.s32 s0, s4;
	v0 =	vmov s24;
	s19 =	simm.s32 $0x6A00;
	s24 =	simm.s32 $0x9200  }
0xf: {  	[dreg:$0x3] =	wrdreg s0;
	s6 =	sadd.s32 s9, s6;
	s21 =	sshrl.u32 s8, $0x3  }
0x10: {  	s8 =	smax.u32 s7, $0x1;
	s7 =	simm.s32 $0x3;
	[dreg:$0x7] =	wrdreg s6  }
0x11: {  	s22 =	sadd.s32 $0x1800, s6;
	s23 =	sadd.s32 s9, s21;
	s9 =	simm.s32 $0x3200  }
0x12: {  	v3 =	vlaneseq.u32;
	s21 =	simm.s32 $0x7600;
	[dreg:$0x4] =	wrdreg s22;
	s25 =	sadd.s32 $0x3000, s23  }
0x13: {  	vm0 =	vmmov $0xffff;
	vm1 =	vmmov $0xff;
	v2 =	vshrl.u32 v3, $0x3;
	s26 =	sadd.s32 $0x4800, s23;
	s22 =	simm.s32 $0x7A00;
	[dreg:$0x5] =	wrdreg s25  }
0x14: {  	v1 =	vand.u32 $0x7, v3;
	v3 =	vor.u32 $0x8, v3;
	v2 =	vmul.u32 $0x8, v2;
	s23 =	simm.s32 $0x8200;
	[dreg:$0x6] =	wrdreg s26;
	s26 =	simm.s32 $0xA00  }
.LBB2_1:
0x15: {  	s25 =	rddreg [dreg:$0x3]  }
0x16: {  	[tilespmem:s2], [sflag:$0x3] =	stream.linear.gather [hbm4b:s25+s2], $0x200, $0x38;
	[tilespmem:$0x18200] =	vst v63  }
0x17: {  	_ =	swait.ge [sflag:s7], $0x200  }
0x18: {  	[sflag:s7] =	ssyncset.done $0x0  }
0x19: {  	[sflag:s7] =	ssyncadd.s32 $0xFFFFFE00  }
0x1a: {  	v4 =	vld [tilespmem:$0x0]  }
0x1b: {  	v5 =	vld [tilespmem:$0x10]  }
0x1c: {  	v6 =	vld [tilespmem:$0x20]  }
0x1d: {  	v7 =	vld [tilespmem:$0x30]  }
0x1e: {  	v8 =	vld [tilespmem:$0x40]  }
0x1f: {  	v10 =	vld [tilespmem:$0x50];
	v9 =	vadd.s32 v0, v4  }
0x20: {  	v11 =	vld [tilespmem:$0x60];
	v5 =	vadd.s32 v0, v5;
	[tilespmem:$0x0] =	vst v9  }
0x21: {  	v37 =	vld [tilespmem:$0x70];
	[tilespmem:$0x10] =	vst v5;
	v5 =	vadd.s32 v0, v6  }
0x22: {  	v38 =	vld [tilespmem:$0x80];
	[tilespmem:$0x20] =	vst v5;
	v5 =	vadd.s32 v0, v7  }
0x23: {  	v39 =	vld [tilespmem:$0x90];
	[tilespmem:$0x30] =	vst v5;
	v5 =	vadd.s32 v0, v8  }
0x24: {  	v40 =	vld [tilespmem:$0xA0];
	[tilespmem:$0x40] =	vst v5;
	v5 =	vadd.s32 v0, v10  }
0x25: {  	v41 =	vld [tilespmem:$0xB0];
	[tilespmem:$0x50] =	vst v5;
	v5 =	vadd.s32 v0, v11  }
0x26: {  	v42 =	vld [tilespmem:$0xC0];
	[tilespmem:$0x60] =	vst v5;
	v5 =	vadd.s32 v0, v37  }
0x27: {  	v43 =	vld [tilespmem:$0xD0];
	[tilespmem:$0x70] =	vst v5;
	v5 =	vadd.s32 v0, v38  }
0x28: {  	v44 =	vld [tilespmem:$0xE0];
	[tilespmem:$0x80] =	vst v5;
	v5 =	vadd.s32 v0, v39  }
0x29: {  	v45 =	vld [tilespmem:$0xF0];
	[tilespmem:$0x90] =	vst v5;
	v5 =	vadd.s32 v0, v40  }
0x2a: {  	v46 =	vld [tilespmem:$0x100];
	[tilespmem:$0xA0] =	vst v5;
	v5 =	vadd.s32 v0, v41  }
0x2b: {  	v47 =	vld [tilespmem:$0x110];
	[tilespmem:$0xB0] =	vst v5;
	v5 =	vadd.s32 v0, v42  }
0x2c: {  	v48 =	vld [tilespmem:$0x120];
	[tilespmem:$0xC0] =	vst v5;
	v5 =	vadd.s32 v0, v43  }
0x2d: {  	v49 =	vld [tilespmem:$0x130];
	[tilespmem:$0xD0] =	vst v5;
	v5 =	vadd.s32 v0, v44  }
0x2e: {  	v50 =	vld [tilespmem:$0x140];
	[tilespmem:$0xE0] =	vst v5;
	v5 =	vadd.s32 v0, v45  }
0x2f: {  	v51 =	vld [tilespmem:$0x150];
	[tilespmem:$0xF0] =	vst v5;
	v5 =	vadd.s32 v0, v46  }
0x30: {  	v52 =	vld [tilespmem:$0x160];
	[tilespmem:$0x100] =	vst v5;
	v5 =	vadd.s32 v0, v47  }
0x31: {  	v53 =	vld [tilespmem:$0x170];
	[tilespmem:$0x110] =	vst v5;
	v5 =	vadd.s32 v0, v48  }
0x32: {  	v54 =	vld [tilespmem:$0x180];
	[tilespmem:$0x120] =	vst v5;
	v5 =	vadd.s32 v0, v49  }
0x33: {  	v55 =	vld [tilespmem:$0x190];
	[tilespmem:$0x130] =	vst v5;
	v5 =	vadd.s32 v0, v50  }
0x34: {  	v56 =	vld [tilespmem:$0x1A0];
	[tilespmem:$0x140] =	vst v5;
	v5 =	vadd.s32 v0, v51  }
0x35: {  	v57 =	vld [tilespmem:$0x1B0];
	v9 =	vshrl.u32 v9, $0x3;
	[tilespmem:$0x150] =	vst v5;
	v5 =	vadd.s32 v0, v52  }
0x36: {  	v58 =	vld [tilespmem:$0x1C0];
	v9 =	vmul.u32 $0x18, v9;
	[tilespmem:$0x160] =	vst v5;
	v5 =	vadd.s32 v0, v53  }
0x37: {  	v59 =	vld [tilespmem:$0x1D0];
	v4 =	vand.u32 $0x7, v4;
	[tilespmem:$0x170] =	vst v5;
	v5 =	vadd.s32 v0, v54  }
0x38: {  	v60 =	vld [tilespmem:$0x1E0];
	v4 =	vor.u32 v4, v9;
	[tilespmem:$0x180] =	vst v5;
	v5 =	vadd.s32 v0, v55  }
0x39: {  	v61 =	vld [tilespmem:$0x1F0];
	v62 =	vperm.xlane v4, v1;
	[tilespmem:$0x190] =	vst v5;
	v5 =	vadd.s32 v0, v56  }
0x3a: {  	[tilespmem:$0x1A0] =	vst v5;
	v5 =	vadd.s32 v0, v57  }
0x3b: {  	v63 =	vadd.s32 v2, v62;
	[tilespmem:$0x1B0] =	vst v5;
	v5 =	vadd.s32 v0, v58  }
0x3c: {  	[tilespmem:$0x1C0] =	vst v5;
	v5 =	vadd.s32 v0, v59  }
0x3d: {  	v4 =	vperm.xlane v4, v3;
	[tilespmem:$0x1D0] =	vst v5;
	v5 =	vadd.s32 v0, v60  }
0x3e: {  	[tilespmem:$0x1E0] =	vst v5;
	v5 =	vadd.s32 v0, v61  }
0x3f: {  	s0 =	simm.s32 $0x200;
	v4 =	vadd.s32 v2, v4;
	[tilespmem:$0x1F0] =	vst v5  }
0x40: {  	[tilespmem:s0], [sflag:$0x1] =	stream.indirect_vreg.gather [hbm4b:s3+s2], $0x80, v63, vm0, $0xb8;
	[tilespmem:$0x18200] =	vst v63  }
0x41: {  	_ = 	snop  }
0x42: {  	[tilespmem:s26], [sflag:$0x1] =	stream.indirect_vreg.gather [hbm4b:s5+s2], $0x80, v63, vm1, $0xb8;
	[tilespmem:$0x18200] =	vst v63  }
0x43: {  	_ = 	snop  }
0x44: {  	[tilespmem:s28], [sflag:$0x1] =	stream.indirect_vreg.gather [hbm4b:s3+s2], $0x80, v4, vm0, $0xb8;
	[tilespmem:$0x18200] =	vst v63  }
0x45: {  	_ = 	snop  }
0x46: {  	[tilespmem:s29], [sflag:$0x1] =	stream.indirect_vreg.gather [hbm4b:s5+s2], $0x80, v4, vm1, $0xb8;
	[tilespmem:$0x18200] =	vst v63  }
0x47: {  	v4 =	vld [tilespmem:$0x10];
	_ =	sdelay $0x4  }
0x48: {  	v5 =	vshrl.u32 v4, $0x3  }
0x49: {  	v5 =	vmul.u32 $0x18, v5  }
0x4a: {  	v4 =	vand.u32 $0x7, v4  }
0x4b: {  	v4 =	vor.u32 v4, v5  }
0x4c: {  	v5 =	vperm.xlane v4, v1;
	_ =	sdelay $0x1  }
0x4d: {  	v5 =	vadd.s32 v2, v5;
	_ =	sdelay $0x1  }
0x4e: {  	v4 =	vperm.xlane v4, v3;
	_ =	sdelay $0x1  }
0x4f: {  	v4 =	vadd.s32 v2, v4  }
0x50: {  	[tilespmem:s30], [sflag:$0x1] =	stream.indirect_vreg.gather [hbm4b:s3+s2], $0x80, v5, vm0, $0xb8;
	[tilespmem:$0x18200] =	vst v63  }
0x51: {  	_ = 	snop  }
0x52: {  	[tilespmem:s31], [sflag:$0x1] =	stream.indirect_vreg.gather [hbm4b:s5+s2], $0x80, v5, vm1, $0xb8;
	[tilespmem:$0x18200] =	vst v63  }
0x53: {  	s6 =	simm.s32 $0x2600  }
0x54: {  	[tilespmem:s6], [sflag:$0x1] =	stream.indirect_vreg.gather [hbm4b:s3+s2], $0x80, v4, vm0, $0xb8;
	[tilespmem:$0x18200] =	vst v63  }
0x55: {  	s25 =	simm.s32 $0x2E00  }
0x56: {  	[tilespmem:s25], [sflag:$0x1] =	stream.indirect_vreg.gather [hbm4b:s5+s2], $0x80, v4, vm1, $0xb8;
	[tilespmem:$0x18200] =	vst v63  }
0x57: {  	v4 =	vld [tilespmem:$0x20];
	_ =	sdelay $0x4  }
0x58: {  	v5 =	vshrl.u32 v4, $0x3  }
0x59: {  	v5 =	vmul.u32 $0x18, v5  }
0x5a: {  	v4 =	vand.u32 $0x7, v4  }
0x5b: {  	v4 =	vor.u32 v4, v5  }
0x5c: {  	v5 =	vperm.xlane v4, v1;
	_ =	sdelay $0x1  }
0x5d: {  	v5 =	vadd.s32 v2, v5;
	_ =	sdelay $0x1  }
0x5e: {  	v4 =	vperm.xlane v4, v3;
	_ =	sdelay $0x1  }
0x5f: {  	v4 =	vadd.s32 v2, v4  }
0x60: {  	[tilespmem:s9], [sflag:$0x1] =	stream.indirect_vreg.gather [hbm4b:s3+s2], $0x80, v5, vm0, $0xb8;
	[tilespmem:$0x18200] =	vst v63  }
0x61: {  	_ = 	snop  }
0x62: {  	[tilespmem:s10], [sflag:$0x1] =	stream.indirect_vreg.gather [hbm4b:s5+s2], $0x80, v5, vm1, $0xb8;
	[tilespmem:$0x18200] =	vst v63  }
0x63: {  	_ = 	snop  }
0x64: {  	[tilespmem:s11], [sflag:$0x1] =	stream.indirect_vreg.gather [hbm4b:s3+s2], $0x80, v4, vm0, $0xb8;
	[tilespmem:$0x18200] =	vst v63  }
0x65: {  	_ = 	snop  }
0x66: {  	[tilespmem:s12], [sflag:$0x1] =	stream.indirect_vreg.gather [hbm4b:s5+s2], $0x80, v4, vm1, $0xb8;
	[tilespmem:$0x18200] =	vst v63  }
0x67: {  	v4 =	vld [tilespmem:$0x30];
	_ =	sdelay $0x4  }
0x68: {  	v5 =	vshrl.u32 v4, $0x3  }
0x69: {  	v5 =	vmul.u32 $0x18, v5  }
0x6a: {  	v4 =	vand.u32 $0x7, v4  }
0x6b: {  	v4 =	vor.u32 v4, v5  }
0x6c: {  	v5 =	vperm.xlane v4, v1;
	_ =	sdelay $0x1  }
0x6d: {  	v5 =	vadd.s32 v2, v5;
	_ =	sdelay $0x1  }
0x6e: {  	v4 =	vperm.xlane v4, v3;
	_ =	sdelay $0x1  }
0x6f: {  	v4 =	vadd.s32 v2, v4  }
0x70: {  	[tilespmem:s13], [sflag:$0x1] =	stream.indirect_vreg.gather [hbm4b:s3+s2], $0x80, v5, vm0, $0xb8;
	[tilespmem:$0x18200] =	vst v63  }
0x71: {  	_ = 	snop  }
0x72: {  	[tilespmem:s14], [sflag:$0x1] =	stream.indirect_vreg.gather [hbm4b:s5+s2], $0x80, v5, vm1, $0xb8;
	[tilespmem:$0x18200] =	vst v63  }
0x73: {  	_ = 	snop  }
0x74: {  	[tilespmem:s15], [sflag:$0x1] =	stream.indirect_vreg.gather [hbm4b:s3+s2], $0x80, v4, vm0, $0xb8;
	[tilespmem:$0x18200] =	vst v63  }
0x75: {  	_ = 	snop  }
0x76: {  	[tilespmem:s17], [sflag:$0x1] =	stream.indirect_vreg.gather [hbm4b:s5+s2], $0x80, v4, vm1, $0xb8;
	[tilespmem:$0x18200] =	vst v63  }
0x77: {  	v4 =	vld [tilespmem:$0x40];
	_ =	sdelay $0x4  }
0x78: {  	v5 =	vshrl.u32 v4, $0x3  }
0x79: {  	v5 =	vmul.u32 $0x18, v5  }
0x7a: {  	v4 =	vand.u32 $0x7, v4  }
0x7b: {  	v4 =	vor.u32 v4, v5  }
0x7c: {  	v5 =	vperm.xlane v4, v1;
	_ =	sdelay $0x1  }
0x7d: {  	v5 =	vadd.s32 v2, v5;
	_ =	sdelay $0x1  }
0x7e: {  	v4 =	vperm.xlane v4, v3;
	_ =	sdelay $0x1  }
0x7f: {  	v4 =	vadd.s32 v2, v4  }
0x80: {  	[tilespmem:s18], [sflag:$0x1] =	stream.indirect_vreg.gather [hbm4b:s3+s2], $0x80, v5, vm0, $0xb8;
	[tilespmem:$0x18200] =	vst v63  }
0x81: {  	_ = 	snop  }
0x82: {  	[tilespmem:s19], [sflag:$0x1] =	stream.indirect_vreg.gather [hbm4b:s5+s2], $0x80, v5, vm1, $0xb8;
	[tilespmem:$0x18200] =	vst v63  }
0x83: {  	_ = 	snop  }
0x84: {  	[tilespmem:s20], [sflag:$0x1] =	stream.indirect_vreg.gather [hbm4b:s3+s2], $0x80, v4, vm0, $0xb8;
	[tilespmem:$0x18200] =	vst v63  }
0x85: {  	_ = 	snop  }
0x86: {  	[tilespmem:s21], [sflag:$0x1] =	stream.indirect_vreg.gather [hbm4b:s5+s2], $0x80, v4, vm1, $0xb8;
	[tilespmem:$0x18200] =	vst v63  }
0x87: {  	v4 =	vld [tilespmem:$0x50];
	_ =	sdelay $0x4  }
0x88: {  	v5 =	vshrl.u32 v4, $0x3  }
0x89: {  	v5 =	vmul.u32 $0x18, v5  }
0x8a: {  	v4 =	vand.u32 $0x7, v4  }
0x8b: {  	v4 =	vor.u32 v4, v5  }
0x8c: {  	v5 =	vperm.xlane v4, v1;
	_ =	sdelay $0x1  }
0x8d: {  	v5 =	vadd.s32 v2, v5;
	_ =	sdelay $0x1  }
0x8e: {  	v4 =	vperm.xlane v4, v3;
	_ =	sdelay $0x1  }
0x8f: {  	v4 =	vadd.s32 v2, v4  }
0x90: {  	[tilespmem:s22], [sflag:$0x1] =	stream.indirect_vreg.gather [hbm4b:s3+s2], $0x80, v5, vm0, $0xb8;
	[tilespmem:$0x18200] =	vst v63  }
0x91: {  	_ = 	snop  }
0x92: {  	[tilespmem:s23], [sflag:$0x1] =	stream.indirect_vreg.gather [hbm4b:s5+s2], $0x80, v5, vm1, $0xb8;
	[tilespmem:$0x18200] =	vst v63  }
0x93: {  	s4 =	simm.s32 $0x8600  }
0x94: {  	[tilespmem:s4], [sflag:$0x1] =	stream.indirect_vreg.gather [hbm4b:s3+s2], $0x80, v4, vm0, $0xb8;
	[tilespmem:$0x18200] =	vst v63  }
0x95: {  	s4 =	simm.s32 $0x8E00  }
0x96: {  	[tilespmem:s4], [sflag:$0x1] =	stream.indirect_vreg.gather [hbm4b:s5+s2], $0x80, v4, vm1, $0xb8;
	[tilespmem:$0x18200] =	vst v63  }
0x97: {  	v4 =	vld [tilespmem:$0x60];
	_ =	sdelay $0x4  }
0x98: {  	v5 =	vshrl.u32 v4, $0x3  }
0x99: {  	v5 =	vmul.u32 $0x18, v5  }
0x9a: {  	v4 =	vand.u32 $0x7, v4  }
0x9b: {  	v4 =	vor.u32 v4, v5  }
0x9c: {  	v5 =	vperm.xlane v4, v1;
	_ =	sdelay $0x1  }
0x9d: {  	v5 =	vadd.s32 v2, v5;
	_ =	sdelay $0x1  }
0x9e: {  	v4 =	vperm.xlane v4, v3;
	_ =	sdelay $0x1  }
0x9f: {  	v4 =	vadd.s32 v2, v4  }
0xa0: {  	[tilespmem:s24], [sflag:$0x1] =	stream.indirect_vreg.gather [hbm4b:s3+s2], $0x80, v5, vm0, $0xb8;
	[tilespmem:$0x18200] =	vst v63  }
0xa1: {  	_ = 	snop  }
0xa2: {  	[tilespmem:s16], [sflag:$0x1] =	stream.indirect_vreg.gather [hbm4b:s5+s2], $0x80, v5, vm1, $0xb8;
	[tilespmem:$0x18200] =	vst v63  }
0xa3: {  	s6 =	simm.s32 $0x9E00  }
0xa4: {  	[tilespmem:s6], [sflag:$0x1] =	stream.indirect_vreg.gather [hbm4b:s3+s2], $0x80, v4, vm0, $0xb8;
	[tilespmem:$0x18200] =	vst v63  }
0xa5: {  	s25 =	simm.s32 $0xA600  }
0xa6: {  	[tilespmem:s25], [sflag:$0x1] =	stream.indirect_vreg.gather [hbm4b:s5+s2], $0x80, v4, vm1, $0xb8;
	[tilespmem:$0x18200] =	vst v63  }
0xa7: {  	v4 =	vld [tilespmem:$0x70];
	_ =	sdelay $0x4  }
0xa8: {  	v5 =	vshrl.u32 v4, $0x3  }
0xa9: {  	v5 =	vmul.u32 $0x18, v5  }
0xaa: {  	v4 =	vand.u32 $0x7, v4  }
0xab: {  	v4 =	vor.u32 v4, v5  }
0xac: {  	v5 =	vperm.xlane v4, v1;
	_ =	sdelay $0x1  }
0xad: {  	v5 =	vadd.s32 v2, v5;
	_ =	sdelay $0x1  }
0xae: {  	v4 =	vperm.xlane v4, v3;
	_ =	sdelay $0x1  }
0xaf: {  	s6 =	simm.s32 $0xAA00;
	v4 =	vadd.s32 v2, v4  }
0xb0: {  	[tilespmem:s6], [sflag:$0x1] =	stream.indirect_vreg.gather [hbm4b:s3+s2], $0x80, v5, vm0, $0xb8;
	[tilespmem:$0x18200] =	vst v63  }
0xb1: {  	s25 =	simm.s32 $0xB200  }
0xb2: {  	[tilespmem:s25], [sflag:$0x1] =	stream.indirect_vreg.gather [hbm4b:s5+s2], $0x80, v5, vm1, $0xb8;
	[tilespmem:$0x18200] =	vst v63  }
0xb3: {  	s6 =	simm.s32 $0xB600  }
0xb4: {  	[tilespmem:s6], [sflag:$0x1] =	stream.indirect_vreg.gather [hbm4b:s3+s2], $0x80, v4, vm0, $0xb8;
	[tilespmem:$0x18200] =	vst v63  }
0xb5: {  	s25 =	simm.s32 $0xBE00  }
0xb6: {  	[tilespmem:s25], [sflag:$0x1] =	stream.indirect_vreg.gather [hbm4b:s5+s2], $0x80, v4, vm1, $0xb8;
	[tilespmem:$0x18200] =	vst v63  }
0xb7: {  	v4 =	vld [tilespmem:$0x80];
	_ =	sdelay $0x4  }
0xb8: {  	v5 =	vshrl.u32 v4, $0x3  }
0xb9: {  	v5 =	vmul.u32 $0x18, v5  }
0xba: {  	v4 =	vand.u32 $0x7, v4  }
0xbb: {  	v4 =	vor.u32 v4, v5  }
0xbc: {  	v5 =	vperm.xlane v4, v1;
	_ =	sdelay $0x1  }
0xbd: {  	v5 =	vadd.s32 v2, v5;
	_ =	sdelay $0x1  }
0xbe: {  	v4 =	vperm.xlane v4, v3;
	_ =	sdelay $0x1  }
0xbf: {  	v4 =	vadd.s32 v2, v4  }
0xc0: {  	[tilespmem:s1], [sflag:$0x2] =	stream.indirect_vreg.gather [hbm4b:s3+s2], $0x80, v5, vm0, $0xb8;
	[tilespmem:$0x18200] =	vst v63  }
0xc1: {  	s6 =	simm.s32 $0xCA00  }
0xc2: {  	[tilespmem:s6], [sflag:$0x2] =	stream.indirect_vreg.gather [hbm4b:s5+s2], $0x80, v5, vm1, $0xb8;
	[tilespmem:$0x18200] =	vst v63  }
0xc3: {  	s25 =	simm.s32 $0xCE00  }
0xc4: {  	[tilespmem:s25], [sflag:$0x2] =	stream.indirect_vreg.gather [hbm4b:s3+s2], $0x80, v4, vm0, $0xb8;
	[tilespmem:$0x18200] =	vst v63  }
0xc5: {  	s6 =	simm.s32 $0xD600  }
0xc6: {  	[tilespmem:s6], [sflag:$0x2] =	stream.indirect_vreg.gather [hbm4b:s5+s2], $0x80, v4, vm1, $0xb8;
	[tilespmem:$0x18200] =	vst v63  }
0xc7: {  	v4 =	vld [tilespmem:$0x90];
	_ =	sdelay $0x4  }
0xc8: {  	v5 =	vshrl.u32 v4, $0x3  }
0xc9: {  	v5 =	vmul.u32 $0x18, v5  }
0xca: {  	v4 =	vand.u32 $0x7, v4  }
0xcb: {  	v4 =	vor.u32 v4, v5  }
0xcc: {  	v5 =	vperm.xlane v4, v1;
	_ =	sdelay $0x1  }
0xcd: {  	v5 =	vadd.s32 v2, v5;
	_ =	sdelay $0x1  }
0xce: {  	v4 =	vperm.xlane v4, v3;
	_ =	sdelay $0x1  }
0xcf: {  	s25 =	simm.s32 $0xDA00;
	v4 =	vadd.s32 v2, v4  }
0xd0: {  	[tilespmem:s25], [sflag:$0x2] =	stream.indirect_vreg.gather [hbm4b:s3+s2], $0x80, v5, vm0, $0xb8;
	[tilespmem:$0x18200] =	vst v63  }
0xd1: {  	s6 =	simm.s32 $0xE200  }
0xd2: {  	[tilespmem:s6], [sflag:$0x2] =	stream.indirect_vreg.gather [hbm4b:s5+s2], $0x80, v5, vm1, $0xb8;
	[tilespmem:$0x18200] =	vst v63  }
0xd3: {  	s25 =	simm.s32 $0xE600  }
0xd4: {  	[tilespmem:s25], [sflag:$0x2] =	stream.indirect_vreg.gather [hbm4b:s3+s2], $0x80, v4, vm0, $0xb8;
	[tilespmem:$0x18200] =	vst v63  }
0xd5: {  	s6 =	simm.s32 $0xEE00  }
0xd6: {  	[tilespmem:s6], [sflag:$0x2] =	stream.indirect_vreg.gather [hbm4b:s5+s2], $0x80, v4, vm1, $0xb8;
	[tilespmem:$0x18200] =	vst v63  }
0xd7: {  	v4 =	vld [tilespmem:$0xA0];
	_ =	sdelay $0x4  }
0xd8: {  	v5 =	vshrl.u32 v4, $0x3  }
0xd9: {  	v5 =	vmul.u32 $0x18, v5  }
0xda: {  	v4 =	vand.u32 $0x7, v4  }
0xdb: {  	v4 =	vor.u32 v4, v5  }
0xdc: {  	v5 =	vperm.xlane v4, v1;
	_ =	sdelay $0x1  }
0xdd: {  	v5 =	vadd.s32 v2, v5;
	_ =	sdelay $0x1  }
0xde: {  	v4 =	vperm.xlane v4, v3;
	_ =	sdelay $0x1  }
0xdf: {  	s25 =	simm.s32 $0xF200;
	v4 =	vadd.s32 v2, v4  }
0xe0: {  	[tilespmem:s25], [sflag:$0x2] =	stream.indirect_vreg.gather [hbm4b:s3+s2], $0x80, v5, vm0, $0xb8;
	[tilespmem:$0x18200] =	vst v63  }
0xe1: {  	s6 =	simm.s32 $0xFA00  }
0xe2: {  	[tilespmem:s6], [sflag:$0x2] =	stream.indirect_vreg.gather [hbm4b:s5+s2], $0x80, v5, vm1, $0xb8;
	[tilespmem:$0x18200] =	vst v63  }
0xe3: {  	s25 =	simm.s32 $0xFE00  }
0xe4: {  	[tilespmem:s25], [sflag:$0x2] =	stream.indirect_vreg.gather [hbm4b:s3+s2], $0x80, v4, vm0, $0xb8;
	[tilespmem:$0x18200] =	vst v63  }
0xe5: {  	s6 =	simm.s32 $0x10600  }
0xe6: {  	[tilespmem:s6], [sflag:$0x2] =	stream.indirect_vreg.gather [hbm4b:s5+s2], $0x80, v4, vm1, $0xb8;
	[tilespmem:$0x18200] =	vst v63  }
0xe7: {  	v4 =	vld [tilespmem:$0xB0];
	_ =	sdelay $0x4  }
0xe8: {  	v5 =	vshrl.u32 v4, $0x3  }
0xe9: {  	v5 =	vmul.u32 $0x18, v5  }
0xea: {  	v4 =	vand.u32 $0x7, v4  }
0xeb: {  	v4 =	vor.u32 v4, v5  }
0xec: {  	v5 =	vperm.xlane v4, v1;
	_ =	sdelay $0x1  }
0xed: {  	v5 =	vadd.s32 v2, v5;
	_ =	sdelay $0x1  }
0xee: {  	v4 =	vperm.xlane v4, v3;
	_ =	sdelay $0x1  }
0xef: {  	s25 =	simm.s32 $0x10A00;
	v4 =	vadd.s32 v2, v4  }
0xf0: {  	[tilespmem:s25], [sflag:$0x2] =	stream.indirect_vreg.gather [hbm4b:s3+s2], $0x80, v5, vm0, $0xb8;
	[tilespmem:$0x18200] =	vst v63  }
0xf1: {  	s6 =	simm.s32 $0x11200  }
0xf2: {  	[tilespmem:s6], [sflag:$0x2] =	stream.indirect_vreg.gather [hbm4b:s5+s2], $0x80, v5, vm1, $0xb8;
	[tilespmem:$0x18200] =	vst v63  }
0xf3: {  	s25 =	simm.s32 $0x11600  }
0xf4: {  	[tilespmem:s25], [sflag:$0x2] =	stream.indirect_vreg.gather [hbm4b:s3+s2], $0x80, v4, vm0, $0xb8;
	[tilespmem:$0x18200] =	vst v63  }
0xf5: {  	s6 =	simm.s32 $0x11E00  }
0xf6: {  	[tilespmem:s6], [sflag:$0x2] =	stream.indirect_vreg.gather [hbm4b:s5+s2], $0x80, v4, vm1, $0xb8;
	[tilespmem:$0x18200] =	vst v63  }
0xf7: {  	v4 =	vld [tilespmem:$0xC0];
	_ =	sdelay $0x4  }
0xf8: {  	v5 =	vshrl.u32 v4, $0x3  }
0xf9: {  	v5 =	vmul.u32 $0x18, v5  }
0xfa: {  	v4 =	vand.u32 $0x7, v4  }
0xfb: {  	v4 =	vor.u32 v4, v5  }
0xfc: {  	v5 =	vperm.xlane v4, v1;
	_ =	sdelay $0x1  }
0xfd: {  	v5 =	vadd.s32 v2, v5;
	_ =	sdelay $0x1  }
0xfe: {  	v4 =	vperm.xlane v4, v3;
	_ =	sdelay $0x1  }
0xff: {  	s25 =	simm.s32 $0x12200;
	v4 =	vadd.s32 v2, v4  }
0x100: {  	[tilespmem:s25], [sflag:$0x2] =	stream.indirect_vreg.gather [hbm4b:s3+s2], $0x80, v5, vm0, $0xb8;
	[tilespmem:$0x18200] =	vst v63  }
0x101: {  	s6 =	simm.s32 $0x12A00  }
0x102: {  	[tilespmem:s6], [sflag:$0x2] =	stream.indirect_vreg.gather [hbm4b:s5+s2], $0x80, v5, vm1, $0xb8;
	[tilespmem:$0x18200] =	vst v63  }
0x103: {  	s25 =	simm.s32 $0x12E00  }
0x104: {  	[tilespmem:s25], [sflag:$0x2] =	stream.indirect_vreg.gather [hbm4b:s3+s2], $0x80, v4, vm0, $0xb8;
	[tilespmem:$0x18200] =	vst v63  }
0x105: {  	s6 =	simm.s32 $0x13600  }
0x106: {  	[tilespmem:s6], [sflag:$0x2] =	stream.indirect_vreg.gather [hbm4b:s5+s2], $0x80, v4, vm1, $0xb8;
	[tilespmem:$0x18200] =	vst v63  }
0x107: {  	v4 =	vld [tilespmem:$0xD0];
	_ =	sdelay $0x4  }
0x108: {  	v5 =	vshrl.u32 v4, $0x3  }
0x109: {  	v5 =	vmul.u32 $0x18, v5  }
0x10a: {  	v4 =	vand.u32 $0x7, v4  }
0x10b: {  	v4 =	vor.u32 v4, v5  }
0x10c: {  	v5 =	vperm.xlane v4, v1;
	_ =	sdelay $0x1  }
0x10d: {  	v5 =	vadd.s32 v2, v5;
	_ =	sdelay $0x1  }
0x10e: {  	v4 =	vperm.xlane v4, v3;
	_ =	sdelay $0x1  }
0x10f: {  	s25 =	simm.s32 $0x13A00;
	v4 =	vadd.s32 v2, v4  }
0x110: {  	[tilespmem:s25], [sflag:$0x2] =	stream.indirect_vreg.gather [hbm4b:s3+s2], $0x80, v5, vm0, $0xb8;
	[tilespmem:$0x18200] =	vst v63  }
0x111: {  	s6 =	simm.s32 $0x14200  }
0x112: {  	[tilespmem:s6], [sflag:$0x2] =	stream.indirect_vreg.gather [hbm4b:s5+s2], $0x80, v5, vm1, $0xb8;
	[tilespmem:$0x18200] =	vst v63  }
0x113: {  	s25 =	simm.s32 $0x14600  }
0x114: {  	[tilespmem:s25], [sflag:$0x2] =	stream.indirect_vreg.gather [hbm4b:s3+s2], $0x80, v4, vm0, $0xb8;
	[tilespmem:$0x18200] =	vst v63  }
0x115: {  	s6 =	simm.s32 $0x14E00  }
0x116: {  	[tilespmem:s6], [sflag:$0x2] =	stream.indirect_vreg.gather [hbm4b:s5+s2], $0x80, v4, vm1, $0xb8;
	[tilespmem:$0x18200] =	vst v63  }
0x117: {  	v4 =	vld [tilespmem:$0xE0];
	_ =	sdelay $0x4  }
0x118: {  	v5 =	vshrl.u32 v4, $0x3  }
0x119: {  	v5 =	vmul.u32 $0x18, v5  }
0x11a: {  	v4 =	vand.u32 $0x7, v4  }
0x11b: {  	v4 =	vor.u32 v4, v5  }
0x11c: {  	v5 =	vperm.xlane v4, v1;
	_ =	sdelay $0x1  }
0x11d: {  	v5 =	vadd.s32 v2, v5;
	_ =	sdelay $0x1  }
0x11e: {  	v4 =	vperm.xlane v4, v3;
	_ =	sdelay $0x1  }
0x11f: {  	s25 =	simm.s32 $0x15200;
	v4 =	vadd.s32 v2, v4  }
0x120: {  	[tilespmem:s25], [sflag:$0x2] =	stream.indirect_vreg.gather [hbm4b:s3+s2], $0x80, v5, vm0, $0xb8;
	[tilespmem:$0x18200] =	vst v63  }
0x121: {  	s6 =	simm.s32 $0x15A00  }
0x122: {  	[tilespmem:s6], [sflag:$0x2] =	stream.indirect_vreg.gather [hbm4b:s5+s2], $0x80, v5, vm1, $0xb8;
	[tilespmem:$0x18200] =	vst v63  }
0x123: {  	s25 =	simm.s32 $0x15E00  }
0x124: {  	[tilespmem:s25], [sflag:$0x2] =	stream.indirect_vreg.gather [hbm4b:s3+s2], $0x80, v4, vm0, $0xb8;
	[tilespmem:$0x18200] =	vst v63  }
0x125: {  	s6 =	simm.s32 $0x16600  }
0x126: {  	[tilespmem:s6], [sflag:$0x2] =	stream.indirect_vreg.gather [hbm4b:s5+s2], $0x80, v4, vm1, $0xb8;
	[tilespmem:$0x18200] =	vst v63  }
0x127: {  	v4 =	vld [tilespmem:$0xF0];
	_ =	sdelay $0x4  }
0x128: {  	v5 =	vshrl.u32 v4, $0x3  }
0x129: {  	v5 =	vmul.u32 $0x18, v5  }
0x12a: {  	v4 =	vand.u32 $0x7, v4  }
0x12b: {  	v4 =	vor.u32 v4, v5  }
0x12c: {  	v5 =	vperm.xlane v4, v1;
	_ =	sdelay $0x1  }
0x12d: {  	v5 =	vadd.s32 v2, v5;
	_ =	sdelay $0x1  }
0x12e: {  	v4 =	vperm.xlane v4, v3;
	_ =	sdelay $0x1  }
0x12f: {  	s25 =	simm.s32 $0x16A00;
	v4 =	vadd.s32 v2, v4  }
0x130: {  	[tilespmem:s25], [sflag:$0x2] =	stream.indirect_vreg.gather [hbm4b:s3+s2], $0x80, v5, vm0, $0xb8;
	[tilespmem:$0x18200] =	vst v63  }
0x131: {  	s6 =	simm.s32 $0x17200  }
0x132: {  	[tilespmem:s6], [sflag:$0x2] =	stream.indirect_vreg.gather [hbm4b:s5+s2], $0x80, v5, vm1, $0xb8;
	[tilespmem:$0x18200] =	vst v63  }
0x133: {  	s25 =	simm.s32 $0x17600  }
0x134: {  	[tilespmem:s25], [sflag:$0x2] =	stream.indirect_vreg.gather [hbm4b:s3+s2], $0x80, v4, vm0, $0xb8;
	[tilespmem:$0x18200] =	vst v63  }
0x135: {  	s0 =	simm.s32 $0x1;
	s6 =	simm.s32 $0x17E00  }
0x136: {  	[tilespmem:s6], [sflag:$0x2] =	stream.indirect_vreg.gather [hbm4b:s5+s2], $0x80, v4, vm1, $0xb8;
	[tilespmem:$0x18200] =	vst v63  }
0x137: {  	_ =	swait.ge [sflag:s0], $0xC000  }
0x138: {  	[sflag:s0] =	ssyncset.done $0x0  }
0x139: {  	s6 =	simm.s32 $0x200;
	s25 =	rddreg [dreg:$0x7];
	[sflag:s0] =	ssyncadd.s32 $0xFFFF4000  }
0x13a: {  	[hbm4b:s25+s2] =	stream.linear.scatter [tilespmem:s6], [sflag:$0x3], $0xC000, $0x38;
	[tilespmem:$0x18200] =	vst v63  }
0x13b: {  	_ =	swait.ge [sflag:s7], $0xC000  }
0x13c: {  	[sflag:s7] =	ssyncset.done $0x0  }
0x13d: {  	[sflag:s7] =	ssyncadd.s32 $0xFFFF4000  }
0x13e: {  	v4 =	vld [tilespmem:$0x100];
	_ =	sdelay $0x4  }
0x13f: {  	v5 =	vshrl.u32 v4, $0x3  }
0x140: {  	v5 =	vmul.u32 $0x18, v5  }
0x141: {  	v4 =	vand.u32 $0x7, v4  }
0x142: {  	v4 =	vor.u32 v4, v5  }
0x143: {  	v5 =	vperm.xlane v4, v1;
	_ =	sdelay $0x1  }
0x144: {  	v5 =	vadd.s32 v2, v5;
	_ =	sdelay $0x1  }
0x145: {  	v4 =	vperm.xlane v4, v3;
	_ =	sdelay $0x1  }
0x146: {  	v4 =	vadd.s32 v2, v4  }
0x147: {  	[tilespmem:s6], [sflag:$0x1] =	stream.indirect_vreg.gather [hbm4b:s3+s2], $0x80, v5, vm0, $0xb8;
	[tilespmem:$0x18200] =	vst v63  }
0x148: {  	_ = 	snop  }
0x149: {  	[tilespmem:s26], [sflag:$0x1] =	stream.indirect_vreg.gather [hbm4b:s5+s2], $0x80, v5, vm1, $0xb8;
	[tilespmem:$0x18200] =	vst v63  }
0x14a: {  	_ = 	snop  }
0x14b: {  	[tilespmem:s28], [sflag:$0x1] =	stream.indirect_vreg.gather [hbm4b:s3+s2], $0x80, v4, vm0, $0xb8;
	[tilespmem:$0x18200] =	vst v63  }
0x14c: {  	_ = 	snop  }
0x14d: {  	[tilespmem:s29], [sflag:$0x1] =	stream.indirect_vreg.gather [hbm4b:s5+s2], $0x80, v4, vm1, $0xb8;
	[tilespmem:$0x18200] =	vst v63  }
0x14e: {  	v4 =	vld [tilespmem:$0x110];
	_ =	sdelay $0x4  }
0x14f: {  	v5 =	vshrl.u32 v4, $0x3  }
0x150: {  	v5 =	vmul.u32 $0x18, v5  }
0x151: {  	v4 =	vand.u32 $0x7, v4  }
0x152: {  	v4 =	vor.u32 v4, v5  }
0x153: {  	v5 =	vperm.xlane v4, v1;
	_ =	sdelay $0x1  }
0x154: {  	v5 =	vadd.s32 v2, v5;
	_ =	sdelay $0x1  }
0x155: {  	v4 =	vperm.xlane v4, v3;
	_ =	sdelay $0x1  }
0x156: {  	v4 =	vadd.s32 v2, v4  }
0x157: {  	[tilespmem:s30], [sflag:$0x1] =	stream.indirect_vreg.gather [hbm4b:s3+s2], $0x80, v5, vm0, $0xb8;
	[tilespmem:$0x18200] =	vst v63  }
0x158: {  	_ = 	snop  }
0x159: {  	[tilespmem:s31], [sflag:$0x1] =	stream.indirect_vreg.gather [hbm4b:s5+s2], $0x80, v5, vm1, $0xb8;
	[tilespmem:$0x18200] =	vst v63  }
0x15a: {  	s25 =	simm.s32 $0x2600  }
0x15b: {  	[tilespmem:s25], [sflag:$0x1] =	stream.indirect_vreg.gather [hbm4b:s3+s2], $0x80, v4, vm0, $0xb8;
	[tilespmem:$0x18200] =	vst v63  }
0x15c: {  	s25 =	simm.s32 $0x2E00  }
0x15d: {  	[tilespmem:s25], [sflag:$0x1] =	stream.indirect_vreg.gather [hbm4b:s5+s2], $0x80, v4, vm1, $0xb8;
	[tilespmem:$0x18200] =	vst v63  }
0x15e: {  	v4 =	vld [tilespmem:$0x120];
	_ =	sdelay $0x4  }
0x15f: {  	v5 =	vshrl.u32 v4, $0x3  }
0x160: {  	v5 =	vmul.u32 $0x18, v5  }
0x161: {  	v4 =	vand.u32 $0x7, v4  }
0x162: {  	v4 =	vor.u32 v4, v5  }
0x163: {  	v5 =	vperm.xlane v4, v1;
	_ =	sdelay $0x1  }
0x164: {  	v5 =	vadd.s32 v2, v5;
	_ =	sdelay $0x1  }
0x165: {  	v4 =	vperm.xlane v4, v3;
	_ =	sdelay $0x1  }
0x166: {  	v4 =	vadd.s32 v2, v4  }
0x167: {  	[tilespmem:s9], [sflag:$0x1] =	stream.indirect_vreg.gather [hbm4b:s3+s2], $0x80, v5, vm0, $0xb8;
	[tilespmem:$0x18200] =	vst v63  }
0x168: {  	_ = 	snop  }
0x169: {  	[tilespmem:s10], [sflag:$0x1] =	stream.indirect_vreg.gather [hbm4b:s5+s2], $0x80, v5, vm1, $0xb8;
	[tilespmem:$0x18200] =	vst v63  }
0x16a: {  	_ = 	snop  }
0x16b: {  	[tilespmem:s11], [sflag:$0x1] =	stream.indirect_vreg.gather [hbm4b:s3+s2], $0x80, v4, vm0, $0xb8;
	[tilespmem:$0x18200] =	vst v63  }
0x16c: {  	_ = 	snop  }
0x16d: {  	[tilespmem:s12], [sflag:$0x1] =	stream.indirect_vreg.gather [hbm4b:s5+s2], $0x80, v4, vm1, $0xb8;
	[tilespmem:$0x18200] =	vst v63  }
0x16e: {  	v4 =	vld [tilespmem:$0x130];
	_ =	sdelay $0x4  }
0x16f: {  	v5 =	vshrl.u32 v4, $0x3  }
0x170: {  	v5 =	vmul.u32 $0x18, v5  }
0x171: {  	v4 =	vand.u32 $0x7, v4  }
0x172: {  	v4 =	vor.u32 v4, v5  }
0x173: {  	v5 =	vperm.xlane v4, v1;
	_ =	sdelay $0x1  }
0x174: {  	v5 =	vadd.s32 v2, v5;
	_ =	sdelay $0x1  }
0x175: {  	v4 =	vperm.xlane v4, v3;
	_ =	sdelay $0x1  }
0x176: {  	v4 =	vadd.s32 v2, v4  }
0x177: {  	[tilespmem:s13], [sflag:$0x1] =	stream.indirect_vreg.gather [hbm4b:s3+s2], $0x80, v5, vm0, $0xb8;
	[tilespmem:$0x18200] =	vst v63  }
0x178: {  	_ = 	snop  }
0x179: {  	[tilespmem:s14], [sflag:$0x1] =	stream.indirect_vreg.gather [hbm4b:s5+s2], $0x80, v5, vm1, $0xb8;
	[tilespmem:$0x18200] =	vst v63  }
0x17a: {  	_ = 	snop  }
0x17b: {  	[tilespmem:s15], [sflag:$0x1] =	stream.indirect_vreg.gather [hbm4b:s3+s2], $0x80, v4, vm0, $0xb8;
	[tilespmem:$0x18200] =	vst v63  }
0x17c: {  	_ = 	snop  }
0x17d: {  	[tilespmem:s17], [sflag:$0x1] =	stream.indirect_vreg.gather [hbm4b:s5+s2], $0x80, v4, vm1, $0xb8;
	[tilespmem:$0x18200] =	vst v63  }
0x17e: {  	v4 =	vld [tilespmem:$0x140];
	_ =	sdelay $0x4  }
0x17f: {  	v5 =	vshrl.u32 v4, $0x3  }
0x180: {  	v5 =	vmul.u32 $0x18, v5  }
0x181: {  	v4 =	vand.u32 $0x7, v4  }
0x182: {  	v4 =	vor.u32 v4, v5  }
0x183: {  	v5 =	vperm.xlane v4, v1;
	_ =	sdelay $0x1  }
0x184: {  	v5 =	vadd.s32 v2, v5;
	_ =	sdelay $0x1  }
0x185: {  	v4 =	vperm.xlane v4, v3;
	_ =	sdelay $0x1  }
0x186: {  	v4 =	vadd.s32 v2, v4  }
0x187: {  	[tilespmem:s18], [sflag:$0x1] =	stream.indirect_vreg.gather [hbm4b:s3+s2], $0x80, v5, vm0, $0xb8;
	[tilespmem:$0x18200] =	vst v63  }
0x188: {  	_ = 	snop  }
0x189: {  	[tilespmem:s19], [sflag:$0x1] =	stream.indirect_vreg.gather [hbm4b:s5+s2], $0x80, v5, vm1, $0xb8;
	[tilespmem:$0x18200] =	vst v63  }
0x18a: {  	_ = 	snop  }
0x18b: {  	[tilespmem:s20], [sflag:$0x1] =	stream.indirect_vreg.gather [hbm4b:s3+s2], $0x80, v4, vm0, $0xb8;
	[tilespmem:$0x18200] =	vst v63  }
0x18c: {  	_ = 	snop  }
0x18d: {  	[tilespmem:s21], [sflag:$0x1] =	stream.indirect_vreg.gather [hbm4b:s5+s2], $0x80, v4, vm1, $0xb8;
	[tilespmem:$0x18200] =	vst v63  }
0x18e: {  	v4 =	vld [tilespmem:$0x150];
	_ =	sdelay $0x4  }
0x18f: {  	v5 =	vshrl.u32 v4, $0x3  }
0x190: {  	v5 =	vmul.u32 $0x18, v5  }
0x191: {  	v4 =	vand.u32 $0x7, v4  }
0x192: {  	v4 =	vor.u32 v4, v5  }
0x193: {  	v5 =	vperm.xlane v4, v1;
	_ =	sdelay $0x1  }
0x194: {  	v5 =	vadd.s32 v2, v5;
	_ =	sdelay $0x1  }
0x195: {  	v4 =	vperm.xlane v4, v3;
	_ =	sdelay $0x1  }
0x196: {  	v4 =	vadd.s32 v2, v4  }
0x197: {  	[tilespmem:s22], [sflag:$0x1] =	stream.indirect_vreg.gather [hbm4b:s3+s2], $0x80, v5, vm0, $0xb8;
	[tilespmem:$0x18200] =	vst v63  }
0x198: {  	_ = 	snop  }
0x199: {  	[tilespmem:s23], [sflag:$0x1] =	stream.indirect_vreg.gather [hbm4b:s5+s2], $0x80, v5, vm1, $0xb8;
	[tilespmem:$0x18200] =	vst v63  }
0x19a: {  	s25 =	simm.s32 $0x8600  }
0x19b: {  	[tilespmem:s25], [sflag:$0x1] =	stream.indirect_vreg.gather [hbm4b:s3+s2], $0x80, v4, vm0, $0xb8;
	[tilespmem:$0x18200] =	vst v63  }
0x19c: {  	_ = 	snop  }
0x19d: {  	[tilespmem:s4], [sflag:$0x1] =	stream.indirect_vreg.gather [hbm4b:s5+s2], $0x80, v4, vm1, $0xb8;
	[tilespmem:$0x18200] =	vst v63  }
0x19e: {  	v4 =	vld [tilespmem:$0x160];
	_ =	sdelay $0x4  }
0x19f: {  	v5 =	vshrl.u32 v4, $0x3  }
0x1a0: {  	v5 =	vmul.u32 $0x18, v5  }
0x1a1: {  	v4 =	vand.u32 $0x7, v4  }
0x1a2: {  	v4 =	vor.u32 v4, v5  }
0x1a3: {  	v5 =	vperm.xlane v4, v1;
	_ =	sdelay $0x1  }
0x1a4: {  	v5 =	vadd.s32 v2, v5;
	_ =	sdelay $0x1  }
0x1a5: {  	v4 =	vperm.xlane v4, v3;
	_ =	sdelay $0x1  }
0x1a6: {  	v4 =	vadd.s32 v2, v4  }
0x1a7: {  	[tilespmem:s24], [sflag:$0x1] =	stream.indirect_vreg.gather [hbm4b:s3+s2], $0x80, v5, vm0, $0xb8;
	[tilespmem:$0x18200] =	vst v63  }
0x1a8: {  	_ = 	snop  }
0x1a9: {  	[tilespmem:s16], [sflag:$0x1] =	stream.indirect_vreg.gather [hbm4b:s5+s2], $0x80, v5, vm1, $0xb8;
	[tilespmem:$0x18200] =	vst v63  }
0x1aa: {  	s6 =	simm.s32 $0x9E00  }
0x1ab: {  	[tilespmem:s6], [sflag:$0x1] =	stream.indirect_vreg.gather [hbm4b:s3+s2], $0x80, v4, vm0, $0xb8;
	[tilespmem:$0x18200] =	vst v63  }
0x1ac: {  	s25 =	simm.s32 $0xA600  }
0x1ad: {  	[tilespmem:s25], [sflag:$0x1] =	stream.indirect_vreg.gather [hbm4b:s5+s2], $0x80, v4, vm1, $0xb8;
	[tilespmem:$0x18200] =	vst v63  }
0x1ae: {  	v4 =	vld [tilespmem:$0x170];
	_ =	sdelay $0x4  }
0x1af: {  	v5 =	vshrl.u32 v4, $0x3  }
0x1b0: {  	v5 =	vmul.u32 $0x18, v5  }
0x1b1: {  	v4 =	vand.u32 $0x7, v4  }
0x1b2: {  	v4 =	vor.u32 v4, v5  }
0x1b3: {  	v5 =	vperm.xlane v4, v1;
	_ =	sdelay $0x1  }
0x1b4: {  	v5 =	vadd.s32 v2, v5;
	_ =	sdelay $0x1  }
0x1b5: {  	v4 =	vperm.xlane v4, v3;
	_ =	sdelay $0x1  }
0x1b6: {  	s6 =	simm.s32 $0xAA00;
	v4 =	vadd.s32 v2, v4  }
0x1b7: {  	[tilespmem:s6], [sflag:$0x1] =	stream.indirect_vreg.gather [hbm4b:s3+s2], $0x80, v5, vm0, $0xb8;
	[tilespmem:$0x18200] =	vst v63  }
0x1b8: {  	s25 =	simm.s32 $0xB200  }
0x1b9: {  	[tilespmem:s25], [sflag:$0x1] =	stream.indirect_vreg.gather [hbm4b:s5+s2], $0x80, v5, vm1, $0xb8;
	[tilespmem:$0x18200] =	vst v63  }
0x1ba: {  	s6 =	simm.s32 $0xB600  }
0x1bb: {  	[tilespmem:s6], [sflag:$0x1] =	stream.indirect_vreg.gather [hbm4b:s3+s2], $0x80, v4, vm0, $0xb8;
	[tilespmem:$0x18200] =	vst v63  }
0x1bc: {  	s4 =	simm.s32 $0x2;
	s25 =	simm.s32 $0xBE00  }
0x1bd: {  	[tilespmem:s25], [sflag:$0x1] =	stream.indirect_vreg.gather [hbm4b:s5+s2], $0x80, v4, vm1, $0xb8;
	[tilespmem:$0x18200] =	vst v63  }
0x1be: {  	_ =	swait.ge [sflag:s4], $0xC000  }
0x1bf: {  	[sflag:s4] =	ssyncset.done $0x0  }
0x1c0: {  	s6 =	rddreg [dreg:$0x4];
	[sflag:s4] =	ssyncadd.s32 $0xFFFF4000  }
0x1c1: {  	[hbm4b:s6+s2] =	stream.linear.scatter [tilespmem:s1], [sflag:$0x3], $0xC000, $0x38;
	[tilespmem:$0x18200] =	vst v63  }
0x1c2: {  	_ =	swait.ge [sflag:s7], $0xC000  }
0x1c3: {  	[sflag:s7] =	ssyncset.done $0x0  }
0x1c4: {  	[sflag:s7] =	ssyncadd.s32 $0xFFFF4000  }
0x1c5: {  	v4 =	vld [tilespmem:$0x180];
	_ =	sdelay $0x4  }
0x1c6: {  	v5 =	vshrl.u32 v4, $0x3  }
0x1c7: {  	v5 =	vmul.u32 $0x18, v5  }
0x1c8: {  	v4 =	vand.u32 $0x7, v4  }
0x1c9: {  	v4 =	vor.u32 v4, v5  }
0x1ca: {  	v5 =	vperm.xlane v4, v1;
	_ =	sdelay $0x1  }
0x1cb: {  	v5 =	vadd.s32 v2, v5;
	_ =	sdelay $0x1  }
0x1cc: {  	v4 =	vperm.xlane v4, v3;
	_ =	sdelay $0x1  }
0x1cd: {  	v4 =	vadd.s32 v2, v4  }
0x1ce: {  	[tilespmem:s1], [sflag:$0x2] =	stream.indirect_vreg.gather [hbm4b:s3+s2], $0x80, v5, vm0, $0xb8;
	[tilespmem:$0x18200] =	vst v63  }
0x1cf: {  	s25 =	simm.s32 $0xCA00  }
0x1d0: {  	[tilespmem:s25], [sflag:$0x2] =	stream.indirect_vreg.gather [hbm4b:s5+s2], $0x80, v5, vm1, $0xb8;
	[tilespmem:$0x18200] =	vst v63  }
0x1d1: {  	s25 =	simm.s32 $0xCE00  }
0x1d2: {  	[tilespmem:s25], [sflag:$0x2] =	stream.indirect_vreg.gather [hbm4b:s3+s2], $0x80, v4, vm0, $0xb8;
	[tilespmem:$0x18200] =	vst v63  }
0x1d3: {  	s25 =	simm.s32 $0xD600  }
0x1d4: {  	[tilespmem:s25], [sflag:$0x2] =	stream.indirect_vreg.gather [hbm4b:s5+s2], $0x80, v4, vm1, $0xb8;
	[tilespmem:$0x18200] =	vst v63  }
0x1d5: {  	v4 =	vld [tilespmem:$0x190];
	_ =	sdelay $0x4  }
0x1d6: {  	v5 =	vshrl.u32 v4, $0x3  }
0x1d7: {  	v5 =	vmul.u32 $0x18, v5  }
0x1d8: {  	v4 =	vand.u32 $0x7, v4  }
0x1d9: {  	v4 =	vor.u32 v4, v5  }
0x1da: {  	v5 =	vperm.xlane v4, v1;
	_ =	sdelay $0x1  }
0x1db: {  	v5 =	vadd.s32 v2, v5;
	_ =	sdelay $0x1  }
0x1dc: {  	v4 =	vperm.xlane v4, v3;
	_ =	sdelay $0x1  }
0x1dd: {  	s25 =	simm.s32 $0xDA00;
	v4 =	vadd.s32 v2, v4  }
0x1de: {  	[tilespmem:s25], [sflag:$0x2] =	stream.indirect_vreg.gather [hbm4b:s3+s2], $0x80, v5, vm0, $0xb8;
	[tilespmem:$0x18200] =	vst v63  }
0x1df: {  	s25 =	simm.s32 $0xE200  }
0x1e0: {  	[tilespmem:s25], [sflag:$0x2] =	stream.indirect_vreg.gather [hbm4b:s5+s2], $0x80, v5, vm1, $0xb8;
	[tilespmem:$0x18200] =	vst v63  }
0x1e1: {  	s25 =	simm.s32 $0xE600  }
0x1e2: {  	[tilespmem:s25], [sflag:$0x2] =	stream.indirect_vreg.gather [hbm4b:s3+s2], $0x80, v4, vm0, $0xb8;
	[tilespmem:$0x18200] =	vst v63  }
0x1e3: {  	s25 =	simm.s32 $0xEE00  }
0x1e4: {  	[tilespmem:s25], [sflag:$0x2] =	stream.indirect_vreg.gather [hbm4b:s5+s2], $0x80, v4, vm1, $0xb8;
	[tilespmem:$0x18200] =	vst v63  }
0x1e5: {  	v4 =	vld [tilespmem:$0x1A0];
	_ =	sdelay $0x4  }
0x1e6: {  	v5 =	vshrl.u32 v4, $0x3  }
0x1e7: {  	v5 =	vmul.u32 $0x18, v5  }
0x1e8: {  	v4 =	vand.u32 $0x7, v4  }
0x1e9: {  	v4 =	vor.u32 v4, v5  }
0x1ea: {  	v5 =	vperm.xlane v4, v1;
	_ =	sdelay $0x1  }
0x1eb: {  	v5 =	vadd.s32 v2, v5;
	_ =	sdelay $0x1  }
0x1ec: {  	v4 =	vperm.xlane v4, v3;
	_ =	sdelay $0x1  }
0x1ed: {  	s25 =	simm.s32 $0xF200;
	v4 =	vadd.s32 v2, v4  }
0x1ee: {  	[tilespmem:s25], [sflag:$0x2] =	stream.indirect_vreg.gather [hbm4b:s3+s2], $0x80, v5, vm0, $0xb8;
	[tilespmem:$0x18200] =	vst v63  }
0x1ef: {  	s25 =	simm.s32 $0xFA00  }
0x1f0: {  	[tilespmem:s25], [sflag:$0x2] =	stream.indirect_vreg.gather [hbm4b:s5+s2], $0x80, v5, vm1, $0xb8;
	[tilespmem:$0x18200] =	vst v63  }
0x1f1: {  	s25 =	simm.s32 $0xFE00  }
0x1f2: {  	[tilespmem:s25], [sflag:$0x2] =	stream.indirect_vreg.gather [hbm4b:s3+s2], $0x80, v4, vm0, $0xb8;
	[tilespmem:$0x18200] =	vst v63  }
0x1f3: {  	s25 =	simm.s32 $0x10600  }
0x1f4: {  	[tilespmem:s25], [sflag:$0x2] =	stream.indirect_vreg.gather [hbm4b:s5+s2], $0x80, v4, vm1, $0xb8;
	[tilespmem:$0x18200] =	vst v63  }
0x1f5: {  	v4 =	vld [tilespmem:$0x1B0];
	_ =	sdelay $0x4  }
0x1f6: {  	v5 =	vshrl.u32 v4, $0x3  }
0x1f7: {  	v5 =	vmul.u32 $0x18, v5  }
0x1f8: {  	v4 =	vand.u32 $0x7, v4  }
0x1f9: {  	v4 =	vor.u32 v4, v5  }
0x1fa: {  	v5 =	vperm.xlane v4, v1;
	_ =	sdelay $0x1  }
0x1fb: {  	v5 =	vadd.s32 v2, v5;
	_ =	sdelay $0x1  }
0x1fc: {  	v4 =	vperm.xlane v4, v3;
	_ =	sdelay $0x1  }
0x1fd: {  	s25 =	simm.s32 $0x10A00;
	v4 =	vadd.s32 v2, v4  }
0x1fe: {  	[tilespmem:s25], [sflag:$0x2] =	stream.indirect_vreg.gather [hbm4b:s3+s2], $0x80, v5, vm0, $0xb8;
	[tilespmem:$0x18200] =	vst v63  }
0x1ff: {  	s25 =	simm.s32 $0x11200  }
0x200: {  	[tilespmem:s25], [sflag:$0x2] =	stream.indirect_vreg.gather [hbm4b:s5+s2], $0x80, v5, vm1, $0xb8;
	[tilespmem:$0x18200] =	vst v63  }
0x201: {  	s25 =	simm.s32 $0x11600  }
0x202: {  	[tilespmem:s25], [sflag:$0x2] =	stream.indirect_vreg.gather [hbm4b:s3+s2], $0x80, v4, vm0, $0xb8;
	[tilespmem:$0x18200] =	vst v63  }
0x203: {  	s25 =	simm.s32 $0x11E00  }
0x204: {  	[tilespmem:s25], [sflag:$0x2] =	stream.indirect_vreg.gather [hbm4b:s5+s2], $0x80, v4, vm1, $0xb8;
	[tilespmem:$0x18200] =	vst v63  }
0x205: {  	v4 =	vld [tilespmem:$0x1C0];
	_ =	sdelay $0x4  }
0x206: {  	v5 =	vshrl.u32 v4, $0x3  }
0x207: {  	v5 =	vmul.u32 $0x18, v5  }
0x208: {  	v4 =	vand.u32 $0x7, v4  }
0x209: {  	v4 =	vor.u32 v4, v5  }
0x20a: {  	v5 =	vperm.xlane v4, v1;
	_ =	sdelay $0x1  }
0x20b: {  	v5 =	vadd.s32 v2, v5;
	_ =	sdelay $0x1  }
0x20c: {  	v4 =	vperm.xlane v4, v3;
	_ =	sdelay $0x1  }
0x20d: {  	s25 =	simm.s32 $0x12200;
	v4 =	vadd.s32 v2, v4  }
0x20e: {  	[tilespmem:s25], [sflag:$0x2] =	stream.indirect_vreg.gather [hbm4b:s3+s2], $0x80, v5, vm0, $0xb8;
	[tilespmem:$0x18200] =	vst v63  }
0x20f: {  	s25 =	simm.s32 $0x12A00  }
0x210: {  	[tilespmem:s25], [sflag:$0x2] =	stream.indirect_vreg.gather [hbm4b:s5+s2], $0x80, v5, vm1, $0xb8;
	[tilespmem:$0x18200] =	vst v63  }
0x211: {  	s25 =	simm.s32 $0x12E00  }
0x212: {  	[tilespmem:s25], [sflag:$0x2] =	stream.indirect_vreg.gather [hbm4b:s3+s2], $0x80, v4, vm0, $0xb8;
	[tilespmem:$0x18200] =	vst v63  }
0x213: {  	s25 =	simm.s32 $0x13600  }
0x214: {  	[tilespmem:s25], [sflag:$0x2] =	stream.indirect_vreg.gather [hbm4b:s5+s2], $0x80, v4, vm1, $0xb8;
	[tilespmem:$0x18200] =	vst v63  }
0x215: {  	v4 =	vld [tilespmem:$0x1D0];
	_ =	sdelay $0x4  }
0x216: {  	v5 =	vshrl.u32 v4, $0x3  }
0x217: {  	v5 =	vmul.u32 $0x18, v5  }
0x218: {  	v4 =	vand.u32 $0x7, v4  }
0x219: {  	v4 =	vor.u32 v4, v5  }
0x21a: {  	v5 =	vperm.xlane v4, v1;
	_ =	sdelay $0x1  }
0x21b: {  	v5 =	vadd.s32 v2, v5;
	_ =	sdelay $0x1  }
0x21c: {  	v4 =	vperm.xlane v4, v3;
	_ =	sdelay $0x1  }
0x21d: {  	s25 =	simm.s32 $0x13A00;
	v4 =	vadd.s32 v2, v4  }
0x21e: {  	[tilespmem:s25], [sflag:$0x2] =	stream.indirect_vreg.gather [hbm4b:s3+s2], $0x80, v5, vm0, $0xb8;
	[tilespmem:$0x18200] =	vst v63  }
0x21f: {  	s25 =	simm.s32 $0x14200  }
0x220: {  	[tilespmem:s25], [sflag:$0x2] =	stream.indirect_vreg.gather [hbm4b:s5+s2], $0x80, v5, vm1, $0xb8;
	[tilespmem:$0x18200] =	vst v63  }
0x221: {  	s25 =	simm.s32 $0x14600  }
0x222: {  	[tilespmem:s25], [sflag:$0x2] =	stream.indirect_vreg.gather [hbm4b:s3+s2], $0x80, v4, vm0, $0xb8;
	[tilespmem:$0x18200] =	vst v63  }
0x223: {  	s25 =	simm.s32 $0x14E00  }
0x224: {  	[tilespmem:s25], [sflag:$0x2] =	stream.indirect_vreg.gather [hbm4b:s5+s2], $0x80, v4, vm1, $0xb8;
	[tilespmem:$0x18200] =	vst v63  }
0x225: {  	v4 =	vld [tilespmem:$0x1E0];
	_ =	sdelay $0x4  }
0x226: {  	v5 =	vshrl.u32 v4, $0x3  }
0x227: {  	v5 =	vmul.u32 $0x18, v5  }
0x228: {  	v4 =	vand.u32 $0x7, v4  }
0x229: {  	v4 =	vor.u32 v4, v5  }
0x22a: {  	v5 =	vperm.xlane v4, v1;
	_ =	sdelay $0x1  }
0x22b: {  	v5 =	vadd.s32 v2, v5;
	_ =	sdelay $0x1  }
0x22c: {  	v4 =	vperm.xlane v4, v3;
	_ =	sdelay $0x1  }
0x22d: {  	s25 =	simm.s32 $0x15200;
	v4 =	vadd.s32 v2, v4  }
0x22e: {  	[tilespmem:s25], [sflag:$0x2] =	stream.indirect_vreg.gather [hbm4b:s3+s2], $0x80, v5, vm0, $0xb8;
	[tilespmem:$0x18200] =	vst v63  }
0x22f: {  	s25 =	simm.s32 $0x15A00  }
0x230: {  	[tilespmem:s25], [sflag:$0x2] =	stream.indirect_vreg.gather [hbm4b:s5+s2], $0x80, v5, vm1, $0xb8;
	[tilespmem:$0x18200] =	vst v63  }
0x231: {  	s25 =	simm.s32 $0x15E00  }
0x232: {  	[tilespmem:s25], [sflag:$0x2] =	stream.indirect_vreg.gather [hbm4b:s3+s2], $0x80, v4, vm0, $0xb8;
	[tilespmem:$0x18200] =	vst v63  }
0x233: {  	s25 =	simm.s32 $0x16600  }
0x234: {  	[tilespmem:s25], [sflag:$0x2] =	stream.indirect_vreg.gather [hbm4b:s5+s2], $0x80, v4, vm1, $0xb8;
	[tilespmem:$0x18200] =	vst v63  }
0x235: {  	v4 =	vld [tilespmem:$0x1F0];
	_ =	sdelay $0x4  }
0x236: {  	v5 =	vshrl.u32 v4, $0x3  }
0x237: {  	v5 =	vmul.u32 $0x18, v5  }
0x238: {  	v4 =	vand.u32 $0x7, v4  }
0x239: {  	v4 =	vor.u32 v4, v5  }
0x23a: {  	v5 =	vperm.xlane v4, v1;
	_ =	sdelay $0x1  }
0x23b: {  	v5 =	vadd.s32 v2, v5;
	_ =	sdelay $0x1  }
0x23c: {  	v4 =	vperm.xlane v4, v3;
	_ =	sdelay $0x1  }
0x23d: {  	s25 =	simm.s32 $0x16A00;
	v4 =	vadd.s32 v2, v4  }
0x23e: {  	[tilespmem:s25], [sflag:$0x2] =	stream.indirect_vreg.gather [hbm4b:s3+s2], $0x80, v5, vm0, $0xb8;
	[tilespmem:$0x18200] =	vst v63  }
0x23f: {  	s25 =	simm.s32 $0x17200  }
0x240: {  	[tilespmem:s25], [sflag:$0x2] =	stream.indirect_vreg.gather [hbm4b:s5+s2], $0x80, v5, vm1, $0xb8;
	[tilespmem:$0x18200] =	vst v63  }
0x241: {  	s25 =	simm.s32 $0x17600  }
0x242: {  	[tilespmem:s25], [sflag:$0x2] =	stream.indirect_vreg.gather [hbm4b:s3+s2], $0x80, v4, vm0, $0xb8;
	[tilespmem:$0x18200] =	vst v63  }
0x243: {  	s25 =	simm.s32 $0x17E00  }
0x244: {  	[tilespmem:s25], [sflag:$0x2] =	stream.indirect_vreg.gather [hbm4b:s5+s2], $0x80, v4, vm1, $0xb8;
	[tilespmem:$0x18200] =	vst v63  }
0x245: {  	_ =	swait.ge [sflag:s0], $0xC000  }
0x246: {  	[sflag:s0] =	ssyncset.done $0x0  }
0x247: {  	s6 =	simm.s32 $0x200;
	s25 =	rddreg [dreg:$0x5];
	[sflag:s0] =	ssyncadd.s32 $0xFFFF4000  }
0x248: {  	[hbm4b:s25+s2] =	stream.linear.scatter [tilespmem:s6], [sflag:$0x3], $0xC000, $0x38;
	[tilespmem:$0x18200] =	vst v63  }
0x249: {  	_ =	swait.ge [sflag:s7], $0xC000  }
0x24a: {  	[sflag:s7] =	ssyncset.done $0x0  }
0x24b: {  	[sflag:s7] =	ssyncadd.s32 $0xFFFF4000  }
0x24c: {  	_ =	swait.ge [sflag:s4], $0xC000  }
0x24d: {  	p0 =	sne.s32 s8, $0x1;
	[sflag:s4] =	ssyncset.done $0x0  }
.Ltmp0:
0x24e: {  	s6 =	rddreg [dreg:$0x6];
	[sflag:s4] =	ssyncadd.s32 $0xFFFF4000;
	(pc) =	sbr.rel @p0 .LBB2_1-.Ltmp0, $4  }
0x24f: {  	[hbm4b:s6+s2] =	stream.linear.scatter [tilespmem:s1], [sflag:$0x3], $0xC000, $0x38;
	[tilespmem:$0x18200] =	vst v63  }
0x250: {  	_ =	swait.ge [sflag:s7], $0xC000  }
0x251: {  	[sflag:s7] =	ssyncset.done $0x0  }
0x252: {  	s8 =	sadd.s32 $0xFFFFFFFF, s8;
	[sflag:s7] =	ssyncadd.s32 $0xFFFF4000  }
0x253: {  	_ =	sfence.sel $0x180000  }
0x254: {  	[bflag:$0x0] =	sbarrier.arrive $0xFFFF  }
0x255: {  	_ =	strace $0x90000047  }
0x256: {  	s0 =	stileid.u32;
	[bflag:$0x2] =	sbarrier.arrive $0xFFFF  }
0x257: {  	p0 =	sne.s32 s0, $0x0;
	s0 =	rddreg [dreg:$0x2]  }
0x258: {  	s0 =	sadd.s32 @!p0 $0x100000, s0  }
0x259: {  	[sflag:s0] =	ssyncadd.tile.s32 @!p0 $0x1;
	_ =	shalt  }
.Lfunc_end2:
_tile_overlayer_lowered:
.L_overlay_start_2:
0x25a: {  	(tag) =	ssettag $0x2  }
0x25b: {  	s0 =	rddreg [dreg:$0x0];
	s2 =	stileid.u32  }
0x25c: {  	s1 =	rddreg [dreg:$0x1];
	p0 =	sne.s32 s2, $0x0  }
0x25d: {  	s3 =	rddreg [dreg:$0x2];
	[bflag:$0x3] =	sbarrier.arrive $0xFFFF;
	s2 =	simm.s32 @!p0 $0x1C03  }
0x25e: {  	[timem:s3], [sflag:s2] =	dma.local @!p0 [hbm:s0], s1  }
0x25f: {  	s0 =	simm.s32 @!p0 $0x3  }
0x260: {  	_ =	swait.ge @!p0 [sflag:s0], s1  }
0x261: {  	s1 =	ssub.s32 @!p0 $0x0, s1;
	[sflag:s0] =	ssyncset.done @!p0 $0x0  }
0x262: {  	[sflag:s0] =	ssyncadd.s32 @!p0 s1  }
0x263: {  	[bflag:$0x3] =	sbarrier.arrive $0xFFFF  }
0x264: {  	_ =	shalt  }

</sc_bundles>
